<compile_context>
chip_gen: v7x
topology: tpu7x:2x2x1
jax: 0.10.2.dev20260603
libtpu: 0.0.44.dev20260713+nightly
codegen_flags: <defaults>
</compile_context>

<pallas_src>
import functools

import jax
import jax.numpy as jnp
from jax import lax
from jax.experimental import pallas as pl
from jax.experimental.pallas import tpu as pltpu
from jax.experimental.pallas import tpu_sc as plsc

N = 10000
D = 128
E = 320000
G = 64

NC = 2
NS = 16
NW = NC * NS

CH = 128
TOT_CHUNKS = NW * (-(-E // (NW * CH)))
EPAD = TOT_CHUNKS * CH
CPW_DEG = TOT_CHUNKS // NW
CPW = TOT_CHUNKS // NS

NHIST = 10240
NHALF = N // 2
NACC = 5120
RPT = NACC // NS
ZCH = 32
IGN = -1

CHA = 128
TOTC_A = EPAD // CHA
CPA = TOTC_A // NS
NBUF = 2


def _sc_mesh():
    return plsc.VectorSubcoreMesh(
        core_axis_name="c", subcore_axis_name="s", num_cores=NC, num_subcores=NS
    )


def _sc_degree(dsts):

    @functools.partial(
        pl.kernel,
        out_type=jax.ShapeDtypeStruct((NW, NHIST), jnp.float32),
        mesh=_sc_mesh(),
        compiler_params=pltpu.CompilerParams(needs_layout_passes=False),
        scratch_types=[
            pltpu.VMEM((CPW_DEG, 1, CH), jnp.int32),
            pltpu.VMEM((NHIST,), jnp.float32),
        ],
    )
    def deg_kernel(dst_hbm, out_hbm, dbuf, hist):
        c = lax.axis_index("c")
        s = lax.axis_index("s")
        wid = c * NS + s
        base = wid * CPW_DEG
        pltpu.sync_copy(dst_hbm.at[pl.ds(base, CPW_DEG)], dbuf)
        zero16 = jnp.zeros((16,), jnp.float32)

        @pl.loop(0, NHIST // 16)
        def _zero(i):
            hist[pl.ds(i * 16, 16)] = zero16

        ones16 = jnp.ones((16,), jnp.float32)

        @pl.loop(0, CPW_DEG)
        def _edges(j):
            for v in range(CH // 16):
                idx = dbuf[j, 0, pl.ds(v * 16, 16)]
                plsc.addupdate_scatter(hist, [idx], ones16)

        pltpu.sync_copy(hist, out_hbm.at[wid])

    return deg_kernel(dsts)


def _sc_aggregate(m, srcs2, dsts2):

    @functools.partial(
        pl.kernel,
        out_type=jax.ShapeDtypeStruct((NC, NACC, D), jnp.float32),
        mesh=_sc_mesh(),
        scratch_types=[
            pltpu.VMEM((CPA, 1, CHA), jnp.int32),
            pltpu.VMEM((CPA, 1, CHA), jnp.int32),
            pltpu.VMEM((NBUF, CHA, D), jnp.float32),
            pltpu.VMEM((ZCH, D), jnp.float32),
            pltpu.VMEM_SHARED((NACC, D), jnp.float32),
            pltpu.SemaphoreType.DMA,
        ],
    )
    def agg_kernel(m_hbm, src_hbm, dst_hbm, out_hbm, sidx, didx, rows, zbuf,
                   acc, gsem):
        c = lax.axis_index("c")
        s = lax.axis_index("s")
        base = s * CPA
        pltpu.sync_copy(src_hbm.at[c, pl.ds(base, CPA)], sidx)
        pltpu.sync_copy(dst_hbm.at[c, pl.ds(base, CPA)], didx)
        zero16 = jnp.zeros((16,), jnp.float32)

        @pl.loop(0, ZCH)
        def _zrow(i):
            for v in range(D // 16):
                zbuf[i, pl.ds(v * 16, 16)] = zero16

        rbase = s * RPT

        @pl.loop(0, RPT // ZCH)
        def _zacc(i):
            pltpu.sync_copy(zbuf, acc.at[pl.ds(rbase + i * ZCH, ZCH)])

        plsc.subcore_barrier()

        def _gather(j, b):
            pltpu.async_copy(
                m_hbm.at[plsc.Indices(sidx.at[j, 0], ignored_value=IGN)],
                rows.at[b], gsem)

        def _wait_gather(j, b):
            pltpu.make_async_copy(
                m_hbm.at[plsc.Indices(sidx.at[j, 0], ignored_value=IGN)],
                rows.at[b], gsem).wait()

        def _scatter(j, b):
            pltpu.sync_copy(
                rows.at[b],
                acc.at[plsc.Indices(didx.at[j, 0], ignored_value=IGN)],
                add=True)

        for j in range(NBUF):
            _gather(j, j)

        @pl.loop(0, CPA - NBUF, step=NBUF)
        def _edges(j):
            for t in range(NBUF):
                _wait_gather(j + t, t)
                _scatter(j + t, t)
                _gather(j + t + NBUF, t)

        for t in range(NBUF):
            jj = CPA - NBUF + t
            _wait_gather(jj, jj % NBUF)
            _scatter(jj, jj % NBUF)

        plsc.subcore_barrier()
        pltpu.sync_copy(acc.at[pl.ds(rbase, RPT)], out_hbm.at[c, pl.ds(rbase, RPT)])

    return agg_kernel(m, srcs2, dsts2)


def _tc_first(x, W1, deg_t):

    def body(x_ref, w_ref, deg_ref, m_ref, dinv_ref):
        deg = jnp.sum(deg_ref[...], axis=1, keepdims=True) + 1.0
        dinv = lax.rsqrt(jnp.maximum(deg, 1.0))
        dinv_ref[...] = dinv
        h = jnp.dot(x_ref[...], w_ref[...], preferred_element_type=jnp.float32)
        m_ref[...] = h * dinv

    return pl.pallas_call(
        body,
        out_shape=[
            jax.ShapeDtypeStruct((N, D), jnp.float32),
            jax.ShapeDtypeStruct((N, 1), jnp.float32),
        ],
    )(x, W1, deg_t)


def _combine(acc_ref, m_ref):
    agg = jnp.concatenate(
        [acc_ref[0, pl.ds(0, NHALF)], acc_ref[1, pl.ds(0, NHALF)]], axis=0)
    return agg + m_ref[...]


def _tc_mid(acc, m, dinv, b, a, w_next):

    def body(acc_ref, m_ref, dinv_ref, b_ref, a_ref, w_ref, out_ref):
        dinv = dinv_ref[...]
        t = _combine(acc_ref, m_ref) * dinv + b_ref[...]
        z = jnp.where(t >= 0, t, a_ref[0, 0] * t)
        h = jnp.dot(z, w_ref[...], preferred_element_type=jnp.float32)
        out_ref[...] = h * dinv

    return pl.pallas_call(
        body,
        out_shape=jax.ShapeDtypeStruct((N, D), jnp.float32),
    )(acc, m, dinv, b, a, w_next)


def _tc_final(acc, m, dinv, b, seg, wl, bl):

    def body(acc_ref, m_ref, dinv_ref, b_ref, seg_ref, wl_ref, bl_ref, out_ref):
        h = _combine(acc_ref, m_ref) * dinv_ref[...] + b_ref[...]
        gid = lax.broadcasted_iota(jnp.int32, (N, G), 1)
        oh = (seg_ref[...] == gid).astype(jnp.float32)
        dn = (((0,), (0,)), ((), ()))
        sums = lax.dot_general(oh, h, dn, preferred_element_type=jnp.float32)
        cnt = lax.dot_general(oh, jnp.ones((N, 1), jnp.float32), dn,
                              preferred_element_type=jnp.float32)
        pooled = sums / jnp.maximum(cnt, 1.0)
        out = jnp.dot(pooled, wl_ref[...], preferred_element_type=jnp.float32)
        out_ref[...] = out + bl_ref[...]

    return pl.pallas_call(
        body,
        out_shape=jax.ShapeDtypeStruct((G, D), jnp.float32),
    )(acc, m, dinv, b, seg, wl, bl)


def kernel(x, edge_index, batch, W1, b1, a1, W2, b2, a2, W3, b3, Wl, bl):
    src = edge_index[0].astype(jnp.int32)
    dst = edge_index[1].astype(jnp.int32)
    pad = EPAD - E
    src = jnp.concatenate([src, jnp.zeros((pad,), jnp.int32)])
    dst = jnp.concatenate([dst, jnp.full((pad,), N, jnp.int32)])
    dsts = dst.reshape(TOT_CHUNKS, 1, CH)

    in0 = dst < NHALF
    in1 = (dst >= NHALF) & (dst < N)
    srcs2 = jnp.stack([jnp.where(in0, src, IGN), jnp.where(in1, src, IGN)])
    dsts2 = jnp.stack([jnp.where(in0, dst, IGN), jnp.where(in1, dst - NHALF, IGN)])
    srcs2 = srcs2.reshape(NC, TOTC_A, 1, CHA)
    dsts2 = dsts2.reshape(NC, TOTC_A, 1, CHA)

    deg_parts = _sc_degree(dsts)
    deg_t = deg_parts[:, :N].T

    m1, dinv = _tc_first(x, W1, deg_t)
    acc1 = _sc_aggregate(m1, srcs2, dsts2)
    m2 = _tc_mid(acc1, m1, dinv, b1.reshape(1, D), a1.reshape(1, 1), W2)
    acc2 = _sc_aggregate(m2, srcs2, dsts2)
    m3 = _tc_mid(acc2, m2, dinv, b2.reshape(1, D), a2.reshape(1, 1), W3)
    acc3 = _sc_aggregate(m3, srcs2, dsts2)

    return _tc_final(acc3, m3, dinv, b3.reshape(1, D),
                     batch.reshape(N, 1).astype(jnp.int32), Wl, bl)

# --- scband reference (transcript-rebuilt; emitter-appended) ---
"""Pipeline reference for scband-gcn-20615843021630 (READ-ONLY COPY).

The authoritative reference and input builder live on the scoring server;
editing this copy changes nothing except your own understanding.
"""

import jax, jax.numpy as jnp
import numpy as np

N = 10000
E = 320000
D = 128
G = 64


def _gcn_conv(x, src, dst, W, b):
    n = x.shape[0]
    h = x @ W
    deg = jnp.zeros((n,), x.dtype).at[dst].add(1.0)
    dinv = jax.lax.rsqrt(jnp.clip(deg, 1.0))
    norm = dinv[src] * dinv[dst]
    out = jnp.zeros_like(h).at[dst].add(h[src] * norm[:, None])
    return out + b


def _prelu(x, a):
    return jnp.where(x >= 0, x, a * x)


def setup_inputs(seed: int = 0) -> dict:
    key = jax.random.key(seed)
    ks = jax.random.split(key, 16)
    inp = {}
    inp["x"] = jax.random.normal(ks[0], (N, D), jnp.float32)
    inp["edge_index"] = jax.random.randint(ks[1], (2, E), 0, N)
    inp["batch"] = jnp.sort(jax.random.randint(ks[2], (N,), 0, G))
    inp["W1"] = 0.05 * jax.random.normal(ks[3], (D, D), jnp.float32)
    inp["b1"] = jnp.zeros((D,), jnp.float32)
    inp["a1"] = jnp.full((1,), 0.25, jnp.float32)
    inp["W2"] = 0.05 * jax.random.normal(ks[4], (D, D), jnp.float32)
    inp["b2"] = jnp.zeros((D,), jnp.float32)
    inp["a2"] = jnp.full((1,), 0.25, jnp.float32)
    inp["W3"] = 0.05 * jax.random.normal(ks[5], (D, D), jnp.float32)
    inp["b3"] = jnp.zeros((D,), jnp.float32)
    inp["Wl"] = 0.05 * jax.random.normal(ks[6], (D, D), jnp.float32)
    inp["bl"] = jnp.zeros((D,), jnp.float32)
    return inp


def reference(x, edge_index, batch, W1, b1, a1, W2, b2, a2, W3, b3, Wl, bl):
    n = x.shape[0]
    loop = jnp.arange(n)
    src = jnp.concatenate([edge_index[0], loop])
    dst = jnp.concatenate([edge_index[1], loop])
    h = _gcn_conv(x, src, dst, W1, b1)
    h = _prelu(h, a1)
    h = _gcn_conv(h, src, dst, W2, b2)
    h = _prelu(h, a2)
    h = _gcn_conv(h, src, dst, W3, b3)
    sums = jax.ops.segment_sum(h, batch, num_segments=G)
    cnt = jax.ops.segment_sum(jnp.ones((n,), h.dtype), batch, num_segments=G)
    pooled = sums / jnp.clip(cnt, 1.0)[:, None]
    return pooled @ Wl + bl

if __name__ == "__main__":
    import jax
    _d = setup_inputs()
    print(jax.jit(kernel)(*tuple(_d.values())))

</pallas_src>

<mosaic_0001>
#map = affine_map<(d0, d1) -> (0, 0, 0)>
#map1 = affine_map<(d0, d1) -> (0, 0)>
module attributes {stable_mosaic.version = 14 : i64} {
  func.func @deg_kernel(%arg0: i32, %arg1: i32, %arg2: memref<2528x1x128xi32, #tpu.memory_space<hbm>>, %arg3: memref<32x10240xf32, #tpu.memory_space<hbm>>, %arg4: memref<79x1x128xi32, #tpu.memory_space<vmem>>, %arg5: memref<10240xf32, #tpu.memory_space<vmem>>) attributes {dimension_semantics = [#tpu.dimension_semantics<core_parallel>, #tpu.dimension_semantics<subcore_parallel>], iteration_bounds = array<i64: 2, 16>, scalar_prefetch = 0 : i64, scratch_operands = 2 : i64, tpu.core_type = #tpu.core_type<sc_vector_subcore>, window_params = [{transform_indices = #map}, {transform_indices = #map1}]} {
    %mul3A = arith.constant 16 : i32
    %mul3A_0 = arith.muli %arg0, %mul3A : i32
    %add3A = arith.addi %mul3A_0, %arg1 : i32
    %mul3A_1 = arith.constant 79 : i32
    %mul3A_2 = arith.muli %add3A, %mul3A_1 : i32
    "tpu.region"() ({
      %run_scoped3A = tpu.sem_alloc : memref<!tpu.dma_semaphore, #tpu.memory_space<semaphore_mem>>
      %dma_start3A = arith.constant 0 : i32
      %dma_start3A_15 = arith.constant 0 : i32
      %dma_start3A_16 = tpu.memref_slice %arg2[%mul3A_2, %dma_start3A, %dma_start3A_15] : memref<2528x1x128xi32, #tpu.memory_space<hbm>> -> memref<79x1x128xi32, #tpu.memory_space<hbm>>
      %dma_start3A_17 = arith.constant 0 : i32
      %dma_start3A_18 = arith.constant 0 : i32
      %dma_start3A_19 = tpu.memref_slice %arg2[%mul3A_2, %dma_start3A_17, %dma_start3A_18] : memref<2528x1x128xi32, #tpu.memory_space<hbm>> -> memref<79x1x128xi32, #tpu.memory_space<hbm>>
      tpu.enqueue_dma source(%dma_start3A_19 : memref<79x1x128xi32, #tpu.memory_space<hbm>>) target(%arg4 : memref<79x1x128xi32, #tpu.memory_space<vmem>>) target_semaphore(%run_scoped3A : memref<!tpu.dma_semaphore, #tpu.memory_space<semaphore_mem>>)
      %dma_wait3A = arith.constant 0 : i32
      %dma_wait3A_20 = arith.constant 0 : i32
      %dma_wait3A_21 = tpu.memref_slice %arg2[%mul3A_2, %dma_wait3A, %dma_wait3A_20] : memref<2528x1x128xi32, #tpu.memory_space<hbm>> -> memref<79x1x128xi32, #tpu.memory_space<hbm>>
      %dma_wait3A_22 = arith.constant 0 : i32
      %dma_wait3A_23 = arith.constant 0 : i32
      %dma_wait3A_24 = tpu.memref_slice %arg2[%mul3A_2, %dma_wait3A_22, %dma_wait3A_23] : memref<2528x1x128xi32, #tpu.memory_space<hbm>> -> memref<79x1x128xi32, #tpu.memory_space<hbm>>
      tpu.wait_dma2 semaphore(%run_scoped3A : memref<!tpu.dma_semaphore, #tpu.memory_space<semaphore_mem>>) src(%dma_wait3A_24 : memref<79x1x128xi32, #tpu.memory_space<hbm>>) dst(%arg4 : memref<79x1x128xi32, #tpu.memory_space<vmem>>)
      tpu.yield
    }) : () -> ()
    %broadcast_in_dim3A = arith.constant 0.000000e+00 : f32
    %broadcast_in_dim3A_3 = vector.broadcast %broadcast_in_dim3A : f32 to vector<16xf32>
    %scan3A = arith.constant 0 : i32
    %scan3A_4 = arith.constant 640 : i32
    %scan3A_5 = arith.addi %scan3A, %scan3A_4 : i32
    %scan3A_6 = arith.constant 1 : i32
    scf.for %scan3A_15 = %scan3A to %scan3A_5 step %scan3A_6  : i32 {
      %mul3A_16 = arith.constant 1 : i32
      %mul3A_17 = arith.muli %scan3A_15, %mul3A_16 : i32
      %add3A_18 = arith.constant 0 : i32
      %add3A_19 = arith.addi %add3A_18, %mul3A_17 : i32
      %mul3A_20 = arith.constant 16 : i32
      %mul3A_21 = arith.muli %add3A_19, %mul3A_20 : i32
      %swap3A = arith.index_cast %mul3A_21 : i32 to index
      %swap3A_22 = tpu.vector_load %arg5[%swap3A] {strides = array<i32>} : memref<10240xf32, #tpu.memory_space<vmem>>, vector<16xf32>,
      tpu.vector_store %arg5[%swap3A], %broadcast_in_dim3A_3 {strides = array<i32>} : memref<10240xf32, #tpu.memory_space<vmem>>, vector<16xf32>,
    }
    %scan3A_7 = arith.constant 640 : i32
    %broadcast_in_dim3A_8 = arith.constant 1.000000e+00 : f32
    %broadcast_in_dim3A_9 = vector.broadcast %broadcast_in_dim3A_8 : f32 to vector<16xf32>
    %scan3A_10 = arith.constant 0 : i32
    %scan3A_11 = arith.constant 79 : i32
    %scan3A_12 = arith.addi %scan3A_10, %scan3A_11 : i32
    %scan3A_13 = arith.constant 1 : i32
    scf.for %scan3A_15 = %scan3A_10 to %scan3A_12 step %scan3A_13  : i32 {
      %mul3A_16 = arith.constant 1 : i32
      %mul3A_17 = arith.muli %scan3A_15, %mul3A_16 : i32
      %add3A_18 = arith.constant 0 : i32
      %add3A_19 = arith.addi %add3A_18, %mul3A_17 : i32
      %get3A = arith.constant 0 : i32
      %get3A_20 = arith.index_cast %add3A_19 : i32 to index
      %get3A_21 = arith.index_cast %get3A : i32 to index
      %get3A_22 = arith.constant 0 : index
      %get3A_23 = tpu.vector_load %arg4[%get3A_20, %get3A_21, %get3A_22] {strides = array<i32>} : memref<79x1x128xi32, #tpu.memory_space<vmem>>, vector<16xi32>,
      tpu.vector_store_idx %arg5[%get3A_23], %broadcast_in_dim3A_9 {add = true} : memref<10240xf32, #tpu.memory_space<vmem>>[vector<16xi32>], vector<16xf32>,
      %get3A_24 = arith.constant 0 : i32
      %get3A_25 = arith.index_cast %add3A_19 : i32 to index
      %get3A_26 = arith.index_cast %get3A_24 : i32 to index
      %get3A_27 = arith.constant 16 : index
      %get3A_28 = tpu.vector_load %arg4[%get3A_25, %get3A_26, %get3A_27] {strides = array<i32>} : memref<79x1x128xi32, #tpu.memory_space<vmem>>, vector<16xi32>,
      tpu.vector_store_idx %arg5[%get3A_28], %broadcast_in_dim3A_9 {add = true} : memref<10240xf32, #tpu.memory_space<vmem>>[vector<16xi32>], vector<16xf32>,
      %get3A_29 = arith.constant 0 : i32
      %get3A_30 = arith.index_cast %add3A_19 : i32 to index
      %get3A_31 = arith.index_cast %get3A_29 : i32 to index
      %get3A_32 = arith.constant 32 : index
      %get3A_33 = tpu.vector_load %arg4[%get3A_30, %get3A_31, %get3A_32] {strides = array<i32>} : memref<79x1x128xi32, #tpu.memory_space<vmem>>, vector<16xi32>,
      tpu.vector_store_idx %arg5[%get3A_33], %broadcast_in_dim3A_9 {add = true} : memref<10240xf32, #tpu.memory_space<vmem>>[vector<16xi32>], vector<16xf32>,
      %get3A_34 = arith.constant 0 : i32
      %get3A_35 = arith.index_cast %add3A_19 : i32 to index
      %get3A_36 = arith.index_cast %get3A_34 : i32 to index
      %get3A_37 = arith.constant 48 : index
      %get3A_38 = tpu.vector_load %arg4[%get3A_35, %get3A_36, %get3A_37] {strides = array<i32>} : memref<79x1x128xi32, #tpu.memory_space<vmem>>, vector<16xi32>,
      tpu.vector_store_idx %arg5[%get3A_38], %broadcast_in_dim3A_9 {add = true} : memref<10240xf32, #tpu.memory_space<vmem>>[vector<16xi32>], vector<16xf32>,
      %get3A_39 = arith.constant 0 : i32
      %get3A_40 = arith.index_cast %add3A_19 : i32 to index
      %get3A_41 = arith.index_cast %get3A_39 : i32 to index
      %get3A_42 = arith.constant 64 : index
      %get3A_43 = tpu.vector_load %arg4[%get3A_40, %get3A_41, %get3A_42] {strides = array<i32>} : memref<79x1x128xi32, #tpu.memory_space<vmem>>, vector<16xi32>,
      tpu.vector_store_idx %arg5[%get3A_43], %broadcast_in_dim3A_9 {add = true} : memref<10240xf32, #tpu.memory_space<vmem>>[vector<16xi32>], vector<16xf32>,
      %get3A_44 = arith.constant 0 : i32
      %get3A_45 = arith.index_cast %add3A_19 : i32 to index
      %get3A_46 = arith.index_cast %get3A_44 : i32 to index
      %get3A_47 = arith.constant 80 : index
      %get3A_48 = tpu.vector_load %arg4[%get3A_45, %get3A_46, %get3A_47] {strides = array<i32>} : memref<79x1x128xi32, #tpu.memory_space<vmem>>, vector<16xi32>,
      tpu.vector_store_idx %arg5[%get3A_48], %broadcast_in_dim3A_9 {add = true} : memref<10240xf32, #tpu.memory_space<vmem>>[vector<16xi32>], vector<16xf32>,
      %get3A_49 = arith.constant 0 : i32
      %get3A_50 = arith.index_cast %add3A_19 : i32 to index
      %get3A_51 = arith.index_cast %get3A_49 : i32 to index
      %get3A_52 = arith.constant 96 : index
      %get3A_53 = tpu.vector_load %arg4[%get3A_50, %get3A_51, %get3A_52] {strides = array<i32>} : memref<79x1x128xi32, #tpu.memory_space<vmem>>, vector<16xi32>,
      tpu.vector_store_idx %arg5[%get3A_53], %broadcast_in_dim3A_9 {add = true} : memref<10240xf32, #tpu.memory_space<vmem>>[vector<16xi32>], vector<16xf32>,
      %get3A_54 = arith.constant 0 : i32
      %get3A_55 = arith.index_cast %add3A_19 : i32 to index
      %get3A_56 = arith.index_cast %get3A_54 : i32 to index
      %get3A_57 = arith.constant 112 : index
      %get3A_58 = tpu.vector_load %arg4[%get3A_55, %get3A_56, %get3A_57] {strides = array<i32>} : memref<79x1x128xi32, #tpu.memory_space<vmem>>, vector<16xi32>,
      tpu.vector_store_idx %arg5[%get3A_58], %broadcast_in_dim3A_9 {add = true} : memref<10240xf32, #tpu.memory_space<vmem>>[vector<16xi32>], vector<16xf32>,
    }
    %scan3A_14 = arith.constant 79 : i32
    "tpu.region"() ({
      %run_scoped3A = tpu.sem_alloc : memref<!tpu.dma_semaphore, #tpu.memory_space<semaphore_mem>>
      %dma_start3A = arith.constant 0 : i32
      %dma_start3A_15 = tpu.memref_slice %arg3[%add3A, %dma_start3A] : memref<32x10240xf32, #tpu.memory_space<hbm>> -> memref<1x10240xf32, #tpu.memory_space<hbm>>
      %dma_start3A_16 = tpu.memref_squeeze %dma_start3A_15 : memref<1x10240xf32, #tpu.memory_space<hbm>> -> memref<10240xf32, #tpu.memory_space<hbm>>
      %dma_start3A_17 = arith.constant 0 : i32
      %dma_start3A_18 = tpu.memref_slice %arg3[%add3A, %dma_start3A_17] : memref<32x10240xf32, #tpu.memory_space<hbm>> -> memref<1x10240xf32, #tpu.memory_space<hbm>>
      %dma_start3A_19 = tpu.memref_squeeze %dma_start3A_18 : memref<1x10240xf32, #tpu.memory_space<hbm>> -> memref<10240xf32, #tpu.memory_space<hbm>>
      tpu.enqueue_dma source(%arg5 : memref<10240xf32, #tpu.memory_space<vmem>>) target(%dma_start3A_19 : memref<10240xf32, #tpu.memory_space<hbm>>) target_semaphore(%run_scoped3A : memref<!tpu.dma_semaphore, #tpu.memory_space<semaphore_mem>>)
      %dma_wait3A = arith.constant 0 : i32
      %dma_wait3A_20 = tpu.memref_slice %arg3[%add3A, %dma_wait3A] : memref<32x10240xf32, #tpu.memory_space<hbm>> -> memref<1x10240xf32, #tpu.memory_space<hbm>>
      %dma_wait3A_21 = tpu.memref_squeeze %dma_wait3A_20 : memref<1x10240xf32, #tpu.memory_space<hbm>> -> memref<10240xf32, #tpu.memory_space<hbm>>
      %dma_wait3A_22 = arith.constant 0 : i32
      %dma_wait3A_23 = tpu.memref_slice %arg3[%add3A, %dma_wait3A_22] : memref<32x10240xf32, #tpu.memory_space<hbm>> -> memref<1x10240xf32, #tpu.memory_space<hbm>>
      %dma_wait3A_24 = tpu.memref_squeeze %dma_wait3A_23 : memref<1x10240xf32, #tpu.memory_space<hbm>> -> memref<10240xf32, #tpu.memory_space<hbm>>
      tpu.wait_dma2 semaphore(%run_scoped3A : memref<!tpu.dma_semaphore, #tpu.memory_space<semaphore_mem>>) src(%arg5 : memref<10240xf32, #tpu.memory_space<vmem>>) dst(%dma_wait3A_24 : memref<10240xf32, #tpu.memory_space<hbm>>)
      tpu.yield
    }) : () -> ()
    return
  }
}

#map = affine_map<(d0, d1) -> (0, 0)>
#map1 = affine_map<(d0, d1) -> (0, 0, 0, 0)>
#map2 = affine_map<(d0, d1) -> (0, 0, 0)>
module attributes {stable_mosaic.version = 14 : i64} {
  func.func @agg_kernel(%arg0: i32, %arg1: i32, %arg2: memref<10000x128xf32, #tpu.memory_space<hbm>>, %arg3: memref<2x2528x1x128xi32, #tpu.memory_space<hbm>>, %arg4: memref<2x2528x1x128xi32, #tpu.memory_space<hbm>>, %arg5: memref<2x5120x128xf32, #tpu.memory_space<hbm>>, %arg6: memref<158x1x128xi32, #tpu.memory_space<vmem>>, %arg7: memref<158x1x128xi32, #tpu.memory_space<vmem>>, %arg8: memref<2x128x128xf32, #tpu.memory_space<vmem>>, %arg9: memref<32x128xf32, #tpu.memory_space<vmem>>, %arg10: memref<5120x128xf32, #tpu.memory_space<vmem_shared>>, %arg11: memref<!tpu.dma_semaphore, #tpu.memory_space<semaphore_mem>>) attributes {dimension_semantics = [#tpu.dimension_semantics<core_parallel>, #tpu.dimension_semantics<subcore_parallel>], iteration_bounds = array<i64: 2, 16>, scalar_prefetch = 0 : i64, scratch_operands = 6 : i64, tpu.core_type = #tpu.core_type<sc_vector_subcore>, window_params = [{transform_indices = #map}, {transform_indices = #map1}, {transform_indices = #map1}, {transform_indices = #map2}]} {
    %mul3A = arith.constant 158 : i32
    %mul3A_0 = arith.muli %arg1, %mul3A : i32
    "tpu.region"() ({
      %run_scoped3A_76 = tpu.sem_alloc : memref<!tpu.dma_semaphore, #tpu.memory_space<semaphore_mem>>
      %dma_start3A_77 = arith.constant 0 : i32
      %dma_start3A_78 = arith.constant 0 : i32
      %dma_start3A_79 = tpu.memref_slice %arg3[%arg0, %mul3A_0, %dma_start3A_77, %dma_start3A_78] : memref<2x2528x1x128xi32, #tpu.memory_space<hbm>> -> memref<1x158x1x128xi32, #tpu.memory_space<hbm>>
      %dma_start3A_80 = tpu.memref_squeeze %dma_start3A_79 : memref<1x158x1x128xi32, #tpu.memory_space<hbm>> -> memref<158x1x128xi32, #tpu.memory_space<hbm>>
      %dma_start3A_81 = arith.constant 0 : i32
      %dma_start3A_82 = arith.constant 0 : i32
      %dma_start3A_83 = tpu.memref_slice %arg3[%arg0, %mul3A_0, %dma_start3A_81, %dma_start3A_82] : memref<2x2528x1x128xi32, #tpu.memory_space<hbm>> -> memref<1x158x1x128xi32, #tpu.memory_space<hbm>>
      %dma_start3A_84 = tpu.memref_squeeze %dma_start3A_83 : memref<1x158x1x128xi32, #tpu.memory_space<hbm>> -> memref<158x1x128xi32, #tpu.memory_space<hbm>>
      tpu.enqueue_dma source(%dma_start3A_84 : memref<158x1x128xi32, #tpu.memory_space<hbm>>) target(%arg6 : memref<158x1x128xi32, #tpu.memory_space<vmem>>) target_semaphore(%run_scoped3A_76 : memref<!tpu.dma_semaphore, #tpu.memory_space<semaphore_mem>>)
      %dma_wait3A_85 = arith.constant 0 : i32
      %dma_wait3A_86 = arith.constant 0 : i32
      %dma_wait3A_87 = tpu.memref_slice %arg3[%arg0, %mul3A_0, %dma_wait3A_85, %dma_wait3A_86] : memref<2x2528x1x128xi32, #tpu.memory_space<hbm>> -> memref<1x158x1x128xi32, #tpu.memory_space<hbm>>
      %dma_wait3A_88 = tpu.memref_squeeze %dma_wait3A_87 : memref<1x158x1x128xi32, #tpu.memory_space<hbm>> -> memref<158x1x128xi32, #tpu.memory_space<hbm>>
      %dma_wait3A_89 = arith.constant 0 : i32
      %dma_wait3A_90 = arith.constant 0 : i32
      %dma_wait3A_91 = tpu.memref_slice %arg3[%arg0, %mul3A_0, %dma_wait3A_89, %dma_wait3A_90] : memref<2x2528x1x128xi32, #tpu.memory_space<hbm>> -> memref<1x158x1x128xi32, #tpu.memory_space<hbm>>
      %dma_wait3A_92 = tpu.memref_squeeze %dma_wait3A_91 : memref<1x158x1x128xi32, #tpu.memory_space<hbm>> -> memref<158x1x128xi32, #tpu.memory_space<hbm>>
      tpu.wait_dma2 semaphore(%run_scoped3A_76 : memref<!tpu.dma_semaphore, #tpu.memory_space<semaphore_mem>>) src(%dma_wait3A_92 : memref<158x1x128xi32, #tpu.memory_space<hbm>>) dst(%arg6 : memref<158x1x128xi32, #tpu.memory_space<vmem>>)
      tpu.yield
    }) : () -> ()
    "tpu.region"() ({
      %run_scoped3A_76 = tpu.sem_alloc : memref<!tpu.dma_semaphore, #tpu.memory_space<semaphore_mem>>
      %dma_start3A_77 = arith.constant 0 : i32
      %dma_start3A_78 = arith.constant 0 : i32
      %dma_start3A_79 = tpu.memref_slice %arg4[%arg0, %mul3A_0, %dma_start3A_77, %dma_start3A_78] : memref<2x2528x1x128xi32, #tpu.memory_space<hbm>> -> memref<1x158x1x128xi32, #tpu.memory_space<hbm>>
      %dma_start3A_80 = tpu.memref_squeeze %dma_start3A_79 : memref<1x158x1x128xi32, #tpu.memory_space<hbm>> -> memref<158x1x128xi32, #tpu.memory_space<hbm>>
      %dma_start3A_81 = arith.constant 0 : i32
      %dma_start3A_82 = arith.constant 0 : i32
      %dma_start3A_83 = tpu.memref_slice %arg4[%arg0, %mul3A_0, %dma_start3A_81, %dma_start3A_82] : memref<2x2528x1x128xi32, #tpu.memory_space<hbm>> -> memref<1x158x1x128xi32, #tpu.memory_space<hbm>>
      %dma_start3A_84 = tpu.memref_squeeze %dma_start3A_83 : memref<1x158x1x128xi32, #tpu.memory_space<hbm>> -> memref<158x1x128xi32, #tpu.memory_space<hbm>>
      tpu.enqueue_dma source(%dma_start3A_84 : memref<158x1x128xi32, #tpu.memory_space<hbm>>) target(%arg7 : memref<158x1x128xi32, #tpu.memory_space<vmem>>) target_semaphore(%run_scoped3A_76 : memref<!tpu.dma_semaphore, #tpu.memory_space<semaphore_mem>>)
      %dma_wait3A_85 = arith.constant 0 : i32
      %dma_wait3A_86 = arith.constant 0 : i32
      %dma_wait3A_87 = tpu.memref_slice %arg4[%arg0, %mul3A_0, %dma_wait3A_85, %dma_wait3A_86] : memref<2x2528x1x128xi32, #tpu.memory_space<hbm>> -> memref<1x158x1x128xi32, #tpu.memory_space<hbm>>
      %dma_wait3A_88 = tpu.memref_squeeze %dma_wait3A_87 : memref<1x158x1x128xi32, #tpu.memory_space<hbm>> -> memref<158x1x128xi32, #tpu.memory_space<hbm>>
      %dma_wait3A_89 = arith.constant 0 : i32
      %dma_wait3A_90 = arith.constant 0 : i32
      %dma_wait3A_91 = tpu.memref_slice %arg4[%arg0, %mul3A_0, %dma_wait3A_89, %dma_wait3A_90] : memref<2x2528x1x128xi32, #tpu.memory_space<hbm>> -> memref<1x158x1x128xi32, #tpu.memory_space<hbm>>
      %dma_wait3A_92 = tpu.memref_squeeze %dma_wait3A_91 : memref<1x158x1x128xi32, #tpu.memory_space<hbm>> -> memref<158x1x128xi32, #tpu.memory_space<hbm>>
      tpu.wait_dma2 semaphore(%run_scoped3A_76 : memref<!tpu.dma_semaphore, #tpu.memory_space<semaphore_mem>>) src(%dma_wait3A_92 : memref<158x1x128xi32, #tpu.memory_space<hbm>>) dst(%arg7 : memref<158x1x128xi32, #tpu.memory_space<vmem>>)
      tpu.yield
    }) : () -> ()
    %broadcast_in_dim3A = arith.constant 0.000000e+00 : f32
    %broadcast_in_dim3A_1 = vector.broadcast %broadcast_in_dim3A : f32 to vector<16xf32>
    %scan3A = arith.constant 0 : i32
    %scan3A_2 = arith.constant 32 : i32
    %scan3A_3 = arith.addi %scan3A, %scan3A_2 : i32
    %scan3A_4 = arith.constant 1 : i32
    scf.for %scan3A_76 = %scan3A to %scan3A_3 step %scan3A_4  : i32 {
      %mul3A_77 = arith.constant 1 : i32
      %mul3A_78 = arith.muli %scan3A_76, %mul3A_77 : i32
      %add3A = arith.constant 0 : i32
      %add3A_79 = arith.addi %add3A, %mul3A_78 : i32
      %swap3A = arith.index_cast %add3A_79 : i32 to index
      %swap3A_80 = arith.constant 0 : index
      %swap3A_81 = tpu.vector_load %arg9[%swap3A, %swap3A_80] {strides = array<i32>} : memref<32x128xf32, #tpu.memory_space<vmem>>, vector<1x16xf32>,
      %swap3A_82 = vector.shape_cast %swap3A_81 : vector<1x16xf32> to vector<16xf32>
      %swap3A_83 = vector.shape_cast %broadcast_in_dim3A_1 : vector<16xf32> to vector<1x16xf32>
      tpu.vector_store %arg9[%swap3A, %swap3A_80], %swap3A_83 {strides = array<i32>} : memref<32x128xf32, #tpu.memory_space<vmem>>, vector<1x16xf32>,
      %swap3A_84 = arith.index_cast %add3A_79 : i32 to index
      %swap3A_85 = arith.constant 16 : index
      %swap3A_86 = tpu.vector_load %arg9[%swap3A_84, %swap3A_85] {strides = array<i32>} : memref<32x128xf32, #tpu.memory_space<vmem>>, vector<1x16xf32>,
      %swap3A_87 = vector.shape_cast %swap3A_86 : vector<1x16xf32> to vector<16xf32>
      %swap3A_88 = vector.shape_cast %broadcast_in_dim3A_1 : vector<16xf32> to vector<1x16xf32>
      tpu.vector_store %arg9[%swap3A_84, %swap3A_85], %swap3A_88 {strides = array<i32>} : memref<32x128xf32, #tpu.memory_space<vmem>>, vector<1x16xf32>,
      %swap3A_89 = arith.index_cast %add3A_79 : i32 to index
      %swap3A_90 = arith.constant 32 : index
      %swap3A_91 = tpu.vector_load %arg9[%swap3A_89, %swap3A_90] {strides = array<i32>} : memref<32x128xf32, #tpu.memory_space<vmem>>, vector<1x16xf32>,
      %swap3A_92 = vector.shape_cast %swap3A_91 : vector<1x16xf32> to vector<16xf32>
      %swap3A_93 = vector.shape_cast %broadcast_in_dim3A_1 : vector<16xf32> to vector<1x16xf32>
      tpu.vector_store %arg9[%swap3A_89, %swap3A_90], %swap3A_93 {strides = array<i32>} : memref<32x128xf32, #tpu.memory_space<vmem>>, vector<1x16xf32>,
      %swap3A_94 = arith.index_cast %add3A_79 : i32 to index
      %swap3A_95 = arith.constant 48 : index
      %swap3A_96 = tpu.vector_load %arg9[%swap3A_94, %swap3A_95] {strides = array<i32>} : memref<32x128xf32, #tpu.memory_space<vmem>>, vector<1x16xf32>,
      %swap3A_97 = vector.shape_cast %swap3A_96 : vector<1x16xf32> to vector<16xf32>
      %swap3A_98 = vector.shape_cast %broadcast_in_dim3A_1 : vector<16xf32> to vector<1x16xf32>
      tpu.vector_store %arg9[%swap3A_94, %swap3A_95], %swap3A_98 {strides = array<i32>} : memref<32x128xf32, #tpu.memory_space<vmem>>, vector<1x16xf32>,
      %swap3A_99 = arith.index_cast %add3A_79 : i32 to index
      %swap3A_100 = arith.constant 64 : index
      %swap3A_101 = tpu.vector_load %arg9[%swap3A_99, %swap3A_100] {strides = array<i32>} : memref<32x128xf32, #tpu.memory_space<vmem>>, vector<1x16xf32>,
      %swap3A_102 = vector.shape_cast %swap3A_101 : vector<1x16xf32> to vector<16xf32>
      %swap3A_103 = vector.shape_cast %broadcast_in_dim3A_1 : vector<16xf32> to vector<1x16xf32>
      tpu.vector_store %arg9[%swap3A_99, %swap3A_100], %swap3A_103 {strides = array<i32>} : memref<32x128xf32, #tpu.memory_space<vmem>>, vector<1x16xf32>,
      %swap3A_104 = arith.index_cast %add3A_79 : i32 to index
      %swap3A_105 = arith.constant 80 : index
      %swap3A_106 = tpu.vector_load %arg9[%swap3A_104, %swap3A_105] {strides = array<i32>} : memref<32x128xf32, #tpu.memory_space<vmem>>, vector<1x16xf32>,
      %swap3A_107 = vector.shape_cast %swap3A_106 : vector<1x16xf32> to vector<16xf32>
      %swap3A_108 = vector.shape_cast %broadcast_in_dim3A_1 : vector<16xf32> to vector<1x16xf32>
      tpu.vector_store %arg9[%swap3A_104, %swap3A_105], %swap3A_108 {strides = array<i32>} : memref<32x128xf32, #tpu.memory_space<vmem>>, vector<1x16xf32>,
      %swap3A_109 = arith.index_cast %add3A_79 : i32 to index
      %swap3A_110 = arith.constant 96 : index
      %swap3A_111 = tpu.vector_load %arg9[%swap3A_109, %swap3A_110] {strides = array<i32>} : memref<32x128xf32, #tpu.memory_space<vmem>>, vector<1x16xf32>,
      %swap3A_112 = vector.shape_cast %swap3A_111 : vector<1x16xf32> to vector<16xf32>
      %swap3A_113 = vector.shape_cast %broadcast_in_dim3A_1 : vector<16xf32> to vector<1x16xf32>
      tpu.vector_store %arg9[%swap3A_109, %swap3A_110], %swap3A_113 {strides = array<i32>} : memref<32x128xf32, #tpu.memory_space<vmem>>, vector<1x16xf32>,
      %swap3A_114 = arith.index_cast %add3A_79 : i32 to index
      %swap3A_115 = arith.constant 112 : index
      %swap3A_116 = tpu.vector_load %arg9[%swap3A_114, %swap3A_115] {strides = array<i32>} : memref<32x128xf32, #tpu.memory_space<vmem>>, vector<1x16xf32>,
      %swap3A_117 = vector.shape_cast %swap3A_116 : vector<1x16xf32> to vector<16xf32>
      %swap3A_118 = vector.shape_cast %broadcast_in_dim3A_1 : vector<16xf32> to vector<1x16xf32>
      tpu.vector_store %arg9[%swap3A_114, %swap3A_115], %swap3A_118 {strides = array<i32>} : memref<32x128xf32, #tpu.memory_space<vmem>>, vector<1x16xf32>,
    }
    %scan3A_5 = arith.constant 32 : i32
    %mul3A_6 = arith.constant 320 : i32
    %mul3A_7 = arith.muli %arg1, %mul3A_6 : i32
    %scan3A_8 = arith.constant 0 : i32
    %scan3A_9 = arith.constant 10 : i32
    %scan3A_10 = arith.addi %scan3A_8, %scan3A_9 : i32
    %scan3A_11 = arith.constant 1 : i32
    scf.for %scan3A_76 = %scan3A_8 to %scan3A_10 step %scan3A_11  : i32 {
      %mul3A_77 = arith.constant 1 : i32
      %mul3A_78 = arith.muli %scan3A_76, %mul3A_77 : i32
      %add3A = arith.constant 0 : i32
      %add3A_79 = arith.addi %add3A, %mul3A_78 : i32
      %mul3A_80 = arith.constant 32 : i32
      %mul3A_81 = arith.muli %add3A_79, %mul3A_80 : i32
      %add3A_82 = arith.addi %mul3A_7, %mul3A_81 : i32
      "tpu.region"() ({
        %run_scoped3A_83 = tpu.sem_alloc : memref<!tpu.dma_semaphore, #tpu.memory_space<semaphore_mem>>
        %dma_start3A_84 = arith.constant 0 : i32
        %dma_start3A_85 = tpu.memref_slice %arg10[%add3A_82, %dma_start3A_84] : memref<5120x128xf32, #tpu.memory_space<vmem_shared>> -> memref<32x128xf32, #tpu.memory_space<vmem_shared>>
        %dma_start3A_86 = arith.constant 0 : i32
        %dma_start3A_87 = tpu.memref_slice %arg10[%add3A_82, %dma_start3A_86] : memref<5120x128xf32, #tpu.memory_space<vmem_shared>> -> memref<32x128xf32, #tpu.memory_space<vmem_shared>>
        tpu.enqueue_dma source(%arg9 : memref<32x128xf32, #tpu.memory_space<vmem>>) target(%dma_start3A_87 : memref<32x128xf32, #tpu.memory_space<vmem_shared>>) target_semaphore(%run_scoped3A_83 : memref<!tpu.dma_semaphore, #tpu.memory_space<semaphore_mem>>)
        %dma_wait3A_88 = arith.constant 0 : i32
        %dma_wait3A_89 = tpu.memref_slice %arg10[%add3A_82, %dma_wait3A_88] : memref<5120x128xf32, #tpu.memory_space<vmem_shared>> -> memref<32x128xf32, #tpu.memory_space<vmem_shared>>
        %dma_wait3A_90 = arith.constant 0 : i32
        %dma_wait3A_91 = tpu.memref_slice %arg10[%add3A_82, %dma_wait3A_90] : memref<5120x128xf32, #tpu.memory_space<vmem_shared>> -> memref<32x128xf32, #tpu.memory_space<vmem_shared>>
        tpu.wait_dma2 semaphore(%run_scoped3A_83 : memref<!tpu.dma_semaphore, #tpu.memory_space<semaphore_mem>>) src(%arg9 : memref<32x128xf32, #tpu.memory_space<vmem>>) dst(%dma_wait3A_91 : memref<32x128xf32, #tpu.memory_space<vmem_shared>>)
        tpu.yield
      }) : () -> ()
    }
    %scan3A_12 = arith.constant 10 : i32
    %barrier3A = arith.constant 0 : index
    tpu.barrier barrier_id(%barrier3A)
    %dma_start3A = arith.constant 0 : i32
    %dma_start3A_13 = arith.constant 0 : i32
    %dma_start3A_14 = arith.constant 0 : i32
    %dma_start3A_15 = arith.constant 0 : i32
    %dma_start3A_16 = arith.constant 0 : i32
    %dma_start3A_17 = tpu.memref_slice %arg8[%dma_start3A_14, %dma_start3A_15, %dma_start3A_16] : memref<2x128x128xf32, #tpu.memory_space<vmem>> -> memref<1x128x128xf32, #tpu.memory_space<vmem>>
    %dma_start3A_18 = tpu.memref_squeeze %dma_start3A_17 : memref<1x128x128xf32, #tpu.memory_space<vmem>> -> memref<128x128xf32, #tpu.memory_space<vmem>>
    %dma_start3A_19 = arith.constant 0 : i32
    %dma_start3A_20 = tpu.memref_slice %arg6[%dma_start3A, %dma_start3A_13, %dma_start3A_19] : memref<158x1x128xi32, #tpu.memory_space<vmem>> -> memref<1x1x128xi32, #tpu.memory_space<vmem>>
    %dma_start3A_21 = tpu.memref_squeeze %dma_start3A_20 : memref<1x1x128xi32, #tpu.memory_space<vmem>> -> memref<128xi32, #tpu.memory_space<vmem>>
    %dma_start3A_22 = arith.constant 0 : i32
    %dma_start3A_23 = arith.constant 0 : i32
    %dma_start3A_24 = tpu.memref_slice %arg2[%dma_start3A_22, %dma_start3A_23] : memref<10000x128xf32, #tpu.memory_space<hbm>> -> memref<10000x128xf32, #tpu.memory_space<hbm>>
    %dma_start3A_25 = arith.constant -1 : i32
    tpu.enqueue_indirect_dma source(%dma_start3A_24 : memref<10000x128xf32, #tpu.memory_space<hbm>>) target(%dma_start3A_18 : memref<128x128xf32, #tpu.memory_space<vmem>>) offsets(%dma_start3A_21 : memref<128xi32, #tpu.memory_space<vmem>>) offset_filter(%dma_start3A_25) semaphore(%arg11 : memref<!tpu.dma_semaphore, #tpu.memory_space<semaphore_mem>>)
    %dma_start3A_26 = arith.constant 1 : i32
    %dma_start3A_27 = arith.constant 0 : i32
    %dma_start3A_28 = arith.constant 1 : i32
    %dma_start3A_29 = arith.constant 0 : i32
    %dma_start3A_30 = arith.constant 0 : i32
    %dma_start3A_31 = tpu.memref_slice %arg8[%dma_start3A_28, %dma_start3A_29, %dma_start3A_30] : memref<2x128x128xf32, #tpu.memory_space<vmem>> -> memref<1x128x128xf32, #tpu.memory_space<vmem>>
    %dma_start3A_32 = tpu.memref_squeeze %dma_start3A_31 : memref<1x128x128xf32, #tpu.memory_space<vmem>> -> memref<128x128xf32, #tpu.memory_space<vmem>>
    %dma_start3A_33 = arith.constant 0 : i32
    %dma_start3A_34 = tpu.memref_slice %arg6[%dma_start3A_26, %dma_start3A_27, %dma_start3A_33] : memref<158x1x128xi32, #tpu.memory_space<vmem>> -> memref<1x1x128xi32, #tpu.memory_space<vmem>>
    %dma_start3A_35 = tpu.memref_squeeze %dma_start3A_34 : memref<1x1x128xi32, #tpu.memory_space<vmem>> -> memref<128xi32, #tpu.memory_space<vmem>>
    %dma_start3A_36 = arith.constant 0 : i32
    %dma_start3A_37 = arith.constant 0 : i32
    %dma_start3A_38 = tpu.memref_slice %arg2[%dma_start3A_36, %dma_start3A_37] : memref<10000x128xf32, #tpu.memory_space<hbm>> -> memref<10000x128xf32, #tpu.memory_space<hbm>>
    %dma_start3A_39 = arith.constant -1 : i32
    tpu.enqueue_indirect_dma source(%dma_start3A_38 : memref<10000x128xf32, #tpu.memory_space<hbm>>) target(%dma_start3A_32 : memref<128x128xf32, #tpu.memory_space<vmem>>) offsets(%dma_start3A_35 : memref<128xi32, #tpu.memory_space<vmem>>) offset_filter(%dma_start3A_39) semaphore(%arg11 : memref<!tpu.dma_semaphore, #tpu.memory_space<semaphore_mem>>)
    %scan3A_40 = arith.constant 0 : i32
    %scan3A_41 = arith.constant 78 : i32
    %scan3A_42 = arith.addi %scan3A_40, %scan3A_41 : i32
    %scan3A_43 = arith.constant 1 : i32
    scf.for %scan3A_76 = %scan3A_40 to %scan3A_42 step %scan3A_43  : i32 {
      %mul3A_77 = arith.constant 2 : i32
      %mul3A_78 = arith.muli %scan3A_76, %mul3A_77 : i32
      %add3A = arith.constant 0 : i32
      %add3A_79 = arith.addi %add3A, %mul3A_78 : i32
      %add3A_80 = arith.constant 0 : i32
      %add3A_81 = arith.addi %add3A_79, %add3A_80 : i32
      %dma_wait3A_82 = arith.constant 0 : i32
      %dma_wait3A_83 = arith.constant 0 : i32
      %dma_wait3A_84 = arith.constant 0 : i32
      %dma_wait3A_85 = arith.constant 0 : i32
      %dma_wait3A_86 = tpu.memref_slice %arg8[%dma_wait3A_83, %dma_wait3A_84, %dma_wait3A_85] : memref<2x128x128xf32, #tpu.memory_space<vmem>> -> memref<1x128x128xf32, #tpu.memory_space<vmem>>
      %dma_wait3A_87 = tpu.memref_squeeze %dma_wait3A_86 : memref<1x128x128xf32, #tpu.memory_space<vmem>> -> memref<128x128xf32, #tpu.memory_space<vmem>>
      %dma_wait3A_88 = arith.constant 0 : i32
      %dma_wait3A_89 = tpu.memref_slice %arg6[%add3A_81, %dma_wait3A_82, %dma_wait3A_88] : memref<158x1x128xi32, #tpu.memory_space<vmem>> -> memref<1x1x128xi32, #tpu.memory_space<vmem>>
      %dma_wait3A_90 = tpu.memref_squeeze %dma_wait3A_89 : memref<1x1x128xi32, #tpu.memory_space<vmem>> -> memref<128xi32, #tpu.memory_space<vmem>>
      %dma_wait3A_91 = arith.constant 0 : i32
      %dma_wait3A_92 = arith.constant 0 : i32
      %dma_wait3A_93 = tpu.memref_slice %arg2[%dma_wait3A_91, %dma_wait3A_92] : memref<10000x128xf32, #tpu.memory_space<hbm>> -> memref<10000x128xf32, #tpu.memory_space<hbm>>
      tpu.wait_indirect_dma semaphore(%arg11 : memref<!tpu.dma_semaphore, #tpu.memory_space<semaphore_mem>>) src(%dma_wait3A_93 : memref<10000x128xf32, #tpu.memory_space<hbm>>) dst(%dma_wait3A_87 : memref<128x128xf32, #tpu.memory_space<vmem>>)
      %add3A_94 = arith.constant 0 : i32
      %add3A_95 = arith.addi %add3A_79, %add3A_94 : i32
      %run_scoped3A_96 = arith.constant 0 : i32
      %run_scoped3A_97 = arith.constant 0 : i32
      "tpu.region"() ({
        %run_scoped3A_150 = tpu.sem_alloc : memref<!tpu.dma_semaphore, #tpu.memory_space<semaphore_mem>>
        %dma_start3A_151 = arith.constant 0 : i32
        %dma_start3A_152 = arith.constant 0 : i32
        %dma_start3A_153 = tpu.memref_slice %arg8[%run_scoped3A_96, %dma_start3A_151, %dma_start3A_152] : memref<2x128x128xf32, #tpu.memory_space<vmem>> -> memref<1x128x128xf32, #tpu.memory_space<vmem>>
        %dma_start3A_154 = tpu.memref_squeeze %dma_start3A_153 : memref<1x128x128xf32, #tpu.memory_space<vmem>> -> memref<128x128xf32, #tpu.memory_space<vmem>>
        %dma_start3A_155 = arith.constant 0 : i32
        %dma_start3A_156 = tpu.memref_slice %arg7[%add3A_95, %run_scoped3A_97, %dma_start3A_155] : memref<158x1x128xi32, #tpu.memory_space<vmem>> -> memref<1x1x128xi32, #tpu.memory_space<vmem>>
        %dma_start3A_157 = tpu.memref_squeeze %dma_start3A_156 : memref<1x1x128xi32, #tpu.memory_space<vmem>> -> memref<128xi32, #tpu.memory_space<vmem>>
        %dma_start3A_158 = arith.constant 0 : i32
        %dma_start3A_159 = arith.constant 0 : i32
        %dma_start3A_160 = tpu.memref_slice %arg10[%dma_start3A_158, %dma_start3A_159] : memref<5120x128xf32, #tpu.memory_space<vmem_shared>> -> memref<5120x128xf32, #tpu.memory_space<vmem_shared>>
        %dma_start3A_161 = arith.constant -1 : i32
        tpu.enqueue_indirect_dma source(%dma_start3A_154 : memref<128x128xf32, #tpu.memory_space<vmem>>) target(%dma_start3A_160 : memref<5120x128xf32, #tpu.memory_space<vmem_shared>>) offsets(%dma_start3A_157 : memref<128xi32, #tpu.memory_space<vmem>>) offset_filter(%dma_start3A_161) semaphore(%run_scoped3A_150 : memref<!tpu.dma_semaphore, #tpu.memory_space<semaphore_mem>>) {add = true}
        %dma_wait3A_162 = arith.constant 0 : i32
        %dma_wait3A_163 = arith.constant 0 : i32
        %dma_wait3A_164 = tpu.memref_slice %arg8[%run_scoped3A_96, %dma_wait3A_162, %dma_wait3A_163] : memref<2x128x128xf32, #tpu.memory_space<vmem>> -> memref<1x128x128xf32, #tpu.memory_space<vmem>>
        %dma_wait3A_165 = tpu.memref_squeeze %dma_wait3A_164 : memref<1x128x128xf32, #tpu.memory_space<vmem>> -> memref<128x128xf32, #tpu.memory_space<vmem>>
        %dma_wait3A_166 = arith.constant 0 : i32
        %dma_wait3A_167 = tpu.memref_slice %arg7[%add3A_95, %run_scoped3A_97, %dma_wait3A_166] : memref<158x1x128xi32, #tpu.memory_space<vmem>> -> memref<1x1x128xi32, #tpu.memory_space<vmem>>
        %dma_wait3A_168 = tpu.memref_squeeze %dma_wait3A_167 : memref<1x1x128xi32, #tpu.memory_space<vmem>> -> memref<128xi32, #tpu.memory_space<vmem>>
        %dma_wait3A_169 = arith.constant 0 : i32
        %dma_wait3A_170 = arith.constant 0 : i32
        %dma_wait3A_171 = tpu.memref_slice %arg10[%dma_wait3A_169, %dma_wait3A_170] : memref<5120x128xf32, #tpu.memory_space<vmem_shared>> -> memref<5120x128xf32, #tpu.memory_space<vmem_shared>>
        tpu.wait_indirect_dma semaphore(%run_scoped3A_150 : memref<!tpu.dma_semaphore, #tpu.memory_space<semaphore_mem>>) src(%dma_wait3A_165 : memref<128x128xf32, #tpu.memory_space<vmem>>) dst(%dma_wait3A_171 : memref<5120x128xf32, #tpu.memory_space<vmem_shared>>)
        tpu.yield
      }) : () -> ()
      %add3A_98 = arith.constant 0 : i32
      %add3A_99 = arith.addi %add3A_79, %add3A_98 : i32
      %add3A_100 = arith.constant 2 : i32
      %add3A_101 = arith.addi %add3A_99, %add3A_100 : i32
      %dma_start3A_102 = arith.constant 0 : i32
      %dma_start3A_103 = arith.constant 0 : i32
      %dma_start3A_104 = arith.constant 0 : i32
      %dma_start3A_105 = arith.constant 0 : i32
      %dma_start3A_106 = tpu.memref_slice %arg8[%dma_start3A_103, %dma_start3A_104, %dma_start3A_105] : memref<2x128x128xf32, #tpu.memory_space<vmem>> -> memref<1x128x128xf32, #tpu.memory_space<vmem>>
      %dma_start3A_107 = tpu.memref_squeeze %dma_start3A_106 : memref<1x128x128xf32, #tpu.memory_space<vmem>> -> memref<128x128xf32, #tpu.memory_space<vmem>>
      %dma_start3A_108 = arith.constant 0 : i32
      %dma_start3A_109 = tpu.memref_slice %arg6[%add3A_101, %dma_start3A_102, %dma_start3A_108] : memref<158x1x128xi32, #tpu.memory_space<vmem>> -> memref<1x1x128xi32, #tpu.memory_space<vmem>>
      %dma_start3A_110 = tpu.memref_squeeze %dma_start3A_109 : memref<1x1x128xi32, #tpu.memory_space<vmem>> -> memref<128xi32, #tpu.memory_space<vmem>>
      %dma_start3A_111 = arith.constant 0 : i32
      %dma_start3A_112 = arith.constant 0 : i32
      %dma_start3A_113 = tpu.memref_slice %arg2[%dma_start3A_111, %dma_start3A_112] : memref<10000x128xf32, #tpu.memory_space<hbm>> -> memref<10000x128xf32, #tpu.memory_space<hbm>>
      %dma_start3A_114 = arith.constant -1 : i32
      tpu.enqueue_indirect_dma source(%dma_start3A_113 : memref<10000x128xf32, #tpu.memory_space<hbm>>) target(%dma_start3A_107 : memref<128x128xf32, #tpu.memory_space<vmem>>) offsets(%dma_start3A_110 : memref<128xi32, #tpu.memory_space<vmem>>) offset_filter(%dma_start3A_114) semaphore(%arg11 : memref<!tpu.dma_semaphore, #tpu.memory_space<semaphore_mem>>)
      %add3A_115 = arith.constant 1 : i32
      %add3A_116 = arith.addi %add3A_79, %add3A_115 : i32
      %dma_wait3A_117 = arith.constant 0 : i32
      %dma_wait3A_118 = arith.constant 1 : i32
      %dma_wait3A_119 = arith.constant 0 : i32
      %dma_wait3A_120 = arith.constant 0 : i32
      %dma_wait3A_121 = tpu.memref_slice %arg8[%dma_wait3A_118, %dma_wait3A_119, %dma_wait3A_120] : memref<2x128x128xf32, #tpu.memory_space<vmem>> -> memref<1x128x128xf32, #tpu.memory_space<vmem>>
      %dma_wait3A_122 = tpu.memref_squeeze %dma_wait3A_121 : memref<1x128x128xf32, #tpu.memory_space<vmem>> -> memref<128x128xf32, #tpu.memory_space<vmem>>
      %dma_wait3A_123 = arith.constant 0 : i32
      %dma_wait3A_124 = tpu.memref_slice %arg6[%add3A_116, %dma_wait3A_117, %dma_wait3A_123] : memref<158x1x128xi32, #tpu.memory_space<vmem>> -> memref<1x1x128xi32, #tpu.memory_space<vmem>>
      %dma_wait3A_125 = tpu.memref_squeeze %dma_wait3A_124 : memref<1x1x128xi32, #tpu.memory_space<vmem>> -> memref<128xi32, #tpu.memory_space<vmem>>
      %dma_wait3A_126 = arith.constant 0 : i32
      %dma_wait3A_127 = arith.constant 0 : i32
      %dma_wait3A_128 = tpu.memref_slice %arg2[%dma_wait3A_126, %dma_wait3A_127] : memref<10000x128xf32, #tpu.memory_space<hbm>> -> memref<10000x128xf32, #tpu.memory_space<hbm>>
      tpu.wait_indirect_dma semaphore(%arg11 : memref<!tpu.dma_semaphore, #tpu.memory_space<semaphore_mem>>) src(%dma_wait3A_128 : memref<10000x128xf32, #tpu.memory_space<hbm>>) dst(%dma_wait3A_122 : memref<128x128xf32, #tpu.memory_space<vmem>>)
      %add3A_129 = arith.constant 1 : i32
      %add3A_130 = arith.addi %add3A_79, %add3A_129 : i32
      %run_scoped3A_131 = arith.constant 1 : i32
      %run_scoped3A_132 = arith.constant 0 : i32
      "tpu.region"() ({
        %run_scoped3A_150 = tpu.sem_alloc : memref<!tpu.dma_semaphore, #tpu.memory_space<semaphore_mem>>
        %dma_start3A_151 = arith.constant 0 : i32
        %dma_start3A_152 = arith.constant 0 : i32
        %dma_start3A_153 = tpu.memref_slice %arg8[%run_scoped3A_131, %dma_start3A_151, %dma_start3A_152] : memref<2x128x128xf32, #tpu.memory_space<vmem>> -> memref<1x128x128xf32, #tpu.memory_space<vmem>>
        %dma_start3A_154 = tpu.memref_squeeze %dma_start3A_153 : memref<1x128x128xf32, #tpu.memory_space<vmem>> -> memref<128x128xf32, #tpu.memory_space<vmem>>
        %dma_start3A_155 = arith.constant 0 : i32
        %dma_start3A_156 = tpu.memref_slice %arg7[%add3A_130, %run_scoped3A_132, %dma_start3A_155] : memref<158x1x128xi32, #tpu.memory_space<vmem>> -> memref<1x1x128xi32, #tpu.memory_space<vmem>>
        %dma_start3A_157 = tpu.memref_squeeze %dma_start3A_156 : memref<1x1x128xi32, #tpu.memory_space<vmem>> -> memref<128xi32, #tpu.memory_space<vmem>>
        %dma_start3A_158 = arith.constant 0 : i32
        %dma_start3A_159 = arith.constant 0 : i32
        %dma_start3A_160 = tpu.memref_slice %arg10[%dma_start3A_158, %dma_start3A_159] : memref<5120x128xf32, #tpu.memory_space<vmem_shared>> -> memref<5120x128xf32, #tpu.memory_space<vmem_shared>>
        %dma_start3A_161 = arith.constant -1 : i32
        tpu.enqueue_indirect_dma source(%dma_start3A_154 : memref<128x128xf32, #tpu.memory_space<vmem>>) target(%dma_start3A_160 : memref<5120x128xf32, #tpu.memory_space<vmem_shared>>) offsets(%dma_start3A_157 : memref<128xi32, #tpu.memory_space<vmem>>) offset_filter(%dma_start3A_161) semaphore(%run_scoped3A_150 : memref<!tpu.dma_semaphore, #tpu.memory_space<semaphore_mem>>) {add = true}
        %dma_wait3A_162 = arith.constant 0 : i32
        %dma_wait3A_163 = arith.constant 0 : i32
        %dma_wait3A_164 = tpu.memref_slice %arg8[%run_scoped3A_131, %dma_wait3A_162, %dma_wait3A_163] : memref<2x128x128xf32, #tpu.memory_space<vmem>> -> memref<1x128x128xf32, #tpu.memory_space<vmem>>
        %dma_wait3A_165 = tpu.memref_squeeze %dma_wait3A_164 : memref<1x128x128xf32, #tpu.memory_space<vmem>> -> memref<128x128xf32, #tpu.memory_space<vmem>>
        %dma_wait3A_166 = arith.constant 0 : i32
        %dma_wait3A_167 = tpu.memref_slice %arg7[%add3A_130, %run_scoped3A_132, %dma_wait3A_166] : memref<158x1x128xi32, #tpu.memory_space<vmem>> -> memref<1x1x128xi32, #tpu.memory_space<vmem>>
        %dma_wait3A_168 = tpu.memref_squeeze %dma_wait3A_167 : memref<1x1x128xi32, #tpu.memory_space<vmem>> -> memref<128xi32, #tpu.memory_space<vmem>>
        %dma_wait3A_169 = arith.constant 0 : i32
        %dma_wait3A_170 = arith.constant 0 : i32
        %dma_wait3A_171 = tpu.memref_slice %arg10[%dma_wait3A_169, %dma_wait3A_170] : memref<5120x128xf32, #tpu.memory_space<vmem_shared>> -> memref<5120x128xf32, #tpu.memory_space<vmem_shared>>
        tpu.wait_indirect_dma semaphore(%run_scoped3A_150 : memref<!tpu.dma_semaphore, #tpu.memory_space<semaphore_mem>>) src(%dma_wait3A_165 : memref<128x128xf32, #tpu.memory_space<vmem>>) dst(%dma_wait3A_171 : memref<5120x128xf32, #tpu.memory_space<vmem_shared>>)
        tpu.yield
      }) : () -> ()
      %add3A_133 = arith.constant 1 : i32
      %add3A_134 = arith.addi %add3A_79, %add3A_133 : i32
      %add3A_135 = arith.constant 2 : i32
      %add3A_136 = arith.addi %add3A_134, %add3A_135 : i32
      %dma_start3A_137 = arith.constant 0 : i32
      %dma_start3A_138 = arith.constant 1 : i32
      %dma_start3A_139 = arith.constant 0 : i32
      %dma_start3A_140 = arith.constant 0 : i32
      %dma_start3A_141 = tpu.memref_slice %arg8[%dma_start3A_138, %dma_start3A_139, %dma_start3A_140] : memref<2x128x128xf32, #tpu.memory_space<vmem>> -> memref<1x128x128xf32, #tpu.memory_space<vmem>>
      %dma_start3A_142 = tpu.memref_squeeze %dma_start3A_141 : memref<1x128x128xf32, #tpu.memory_space<vmem>> -> memref<128x128xf32, #tpu.memory_space<vmem>>
      %dma_start3A_143 = arith.constant 0 : i32
      %dma_start3A_144 = tpu.memref_slice %arg6[%add3A_136, %dma_start3A_137, %dma_start3A_143] : memref<158x1x128xi32, #tpu.memory_space<vmem>> -> memref<1x1x128xi32, #tpu.memory_space<vmem>>
      %dma_start3A_145 = tpu.memref_squeeze %dma_start3A_144 : memref<1x1x128xi32, #tpu.memory_space<vmem>> -> memref<128xi32, #tpu.memory_space<vmem>>
      %dma_start3A_146 = arith.constant 0 : i32
      %dma_start3A_147 = arith.constant 0 : i32
      %dma_start3A_148 = tpu.memref_slice %arg2[%dma_start3A_146, %dma_start3A_147] : memref<10000x128xf32, #tpu.memory_space<hbm>> -> memref<10000x128xf32, #tpu.memory_space<hbm>>
      %dma_start3A_149 = arith.constant -1 : i32
      tpu.enqueue_indirect_dma source(%dma_start3A_148 : memref<10000x128xf32, #tpu.memory_space<hbm>>) target(%dma_start3A_142 : memref<128x128xf32, #tpu.memory_space<vmem>>) offsets(%dma_start3A_145 : memref<128xi32, #tpu.memory_space<vmem>>) offset_filter(%dma_start3A_149) semaphore(%arg11 : memref<!tpu.dma_semaphore, #tpu.memory_space<semaphore_mem>>)
    }
    %scan3A_44 = arith.constant 78 : i32
    %dma_wait3A = arith.constant 156 : i32
    %dma_wait3A_45 = arith.constant 0 : i32
    %dma_wait3A_46 = arith.constant 0 : i32
    %dma_wait3A_47 = arith.constant 0 : i32
    %dma_wait3A_48 = arith.constant 0 : i32
    %dma_wait3A_49 = tpu.memref_slice %arg8[%dma_wait3A_46, %dma_wait3A_47, %dma_wait3A_48] : memref<2x128x128xf32, #tpu.memory_space<vmem>> -> memref<1x128x128xf32, #tpu.memory_space<vmem>>
    %dma_wait3A_50 = tpu.memref_squeeze %dma_wait3A_49 : memref<1x128x128xf32, #tpu.memory_space<vmem>> -> memref<128x128xf32, #tpu.memory_space<vmem>>
    %dma_wait3A_51 = arith.constant 0 : i32
    %dma_wait3A_52 = tpu.memref_slice %arg6[%dma_wait3A, %dma_wait3A_45, %dma_wait3A_51] : memref<158x1x128xi32, #tpu.memory_space<vmem>> -> memref<1x1x128xi32, #tpu.memory_space<vmem>>
    %dma_wait3A_53 = tpu.memref_squeeze %dma_wait3A_52 : memref<1x1x128xi32, #tpu.memory_space<vmem>> -> memref<128xi32, #tpu.memory_space<vmem>>
    %dma_wait3A_54 = arith.constant 0 : i32
    %dma_wait3A_55 = arith.constant 0 : i32
    %dma_wait3A_56 = tpu.memref_slice %arg2[%dma_wait3A_54, %dma_wait3A_55] : memref<10000x128xf32, #tpu.memory_space<hbm>> -> memref<10000x128xf32, #tpu.memory_space<hbm>>
    tpu.wait_indirect_dma semaphore(%arg11 : memref<!tpu.dma_semaphore, #tpu.memory_space<semaphore_mem>>) src(%dma_wait3A_56 : memref<10000x128xf32, #tpu.memory_space<hbm>>) dst(%dma_wait3A_50 : memref<128x128xf32, #tpu.memory_space<vmem>>)
    %run_scoped3A = arith.constant 0 : i32
    %run_scoped3A_57 = arith.constant 156 : i32
    %run_scoped3A_58 = arith.constant 0 : i32
    "tpu.region"() ({
      %run_scoped3A_76 = tpu.sem_alloc : memref<!tpu.dma_semaphore, #tpu.memory_space<semaphore_mem>>
      %dma_start3A_77 = arith.constant 0 : i32
      %dma_start3A_78 = arith.constant 0 : i32
      %dma_start3A_79 = tpu.memref_slice %arg8[%run_scoped3A, %dma_start3A_77, %dma_start3A_78] : memref<2x128x128xf32, #tpu.memory_space<vmem>> -> memref<1x128x128xf32, #tpu.memory_space<vmem>>
      %dma_start3A_80 = tpu.memref_squeeze %dma_start3A_79 : memref<1x128x128xf32, #tpu.memory_space<vmem>> -> memref<128x128xf32, #tpu.memory_space<vmem>>
      %dma_start3A_81 = arith.constant 0 : i32
      %dma_start3A_82 = tpu.memref_slice %arg7[%run_scoped3A_57, %run_scoped3A_58, %dma_start3A_81] : memref<158x1x128xi32, #tpu.memory_space<vmem>> -> memref<1x1x128xi32, #tpu.memory_space<vmem>>
      %dma_start3A_83 = tpu.memref_squeeze %dma_start3A_82 : memref<1x1x128xi32, #tpu.memory_space<vmem>> -> memref<128xi32, #tpu.memory_space<vmem>>
      %dma_start3A_84 = arith.constant 0 : i32
      %dma_start3A_85 = arith.constant 0 : i32
      %dma_start3A_86 = tpu.memref_slice %arg10[%dma_start3A_84, %dma_start3A_85] : memref<5120x128xf32, #tpu.memory_space<vmem_shared>> -> memref<5120x128xf32, #tpu.memory_space<vmem_shared>>
      %dma_start3A_87 = arith.constant -1 : i32
      tpu.enqueue_indirect_dma source(%dma_start3A_80 : memref<128x128xf32, #tpu.memory_space<vmem>>) target(%dma_start3A_86 : memref<5120x128xf32, #tpu.memory_space<vmem_shared>>) offsets(%dma_start3A_83 : memref<128xi32, #tpu.memory_space<vmem>>) offset_filter(%dma_start3A_87) semaphore(%run_scoped3A_76 : memref<!tpu.dma_semaphore, #tpu.memory_space<semaphore_mem>>) {add = true}
      %dma_wait3A_88 = arith.constant 0 : i32
      %dma_wait3A_89 = arith.constant 0 : i32
      %dma_wait3A_90 = tpu.memref_slice %arg8[%run_scoped3A, %dma_wait3A_88, %dma_wait3A_89] : memref<2x128x128xf32, #tpu.memory_space<vmem>> -> memref<1x128x128xf32, #tpu.memory_space<vmem>>
      %dma_wait3A_91 = tpu.memref_squeeze %dma_wait3A_90 : memref<1x128x128xf32, #tpu.memory_space<vmem>> -> memref<128x128xf32, #tpu.memory_space<vmem>>
      %dma_wait3A_92 = arith.constant 0 : i32
      %dma_wait3A_93 = tpu.memref_slice %arg7[%run_scoped3A_57, %run_scoped3A_58, %dma_wait3A_92] : memref<158x1x128xi32, #tpu.memory_space<vmem>> -> memref<1x1x128xi32, #tpu.memory_space<vmem>>
      %dma_wait3A_94 = tpu.memref_squeeze %dma_wait3A_93 : memref<1x1x128xi32, #tpu.memory_space<vmem>> -> memref<128xi32, #tpu.memory_space<vmem>>
      %dma_wait3A_95 = arith.constant 0 : i32
      %dma_wait3A_96 = arith.constant 0 : i32
      %dma_wait3A_97 = tpu.memref_slice %arg10[%dma_wait3A_95, %dma_wait3A_96] : memref<5120x128xf32, #tpu.memory_space<vmem_shared>> -> memref<5120x128xf32, #tpu.memory_space<vmem_shared>>
      tpu.wait_indirect_dma semaphore(%run_scoped3A_76 : memref<!tpu.dma_semaphore, #tpu.memory_space<semaphore_mem>>) src(%dma_wait3A_91 : memref<128x128xf32, #tpu.memory_space<vmem>>) dst(%dma_wait3A_97 : memref<5120x128xf32, #tpu.memory_space<vmem_shared>>)
      tpu.yield
    }) : () -> ()
    %dma_wait3A_59 = arith.constant 157 : i32
    %dma_wait3A_60 = arith.constant 0 : i32
    %dma_wait3A_61 = arith.constant 1 : i32
    %dma_wait3A_62 = arith.constant 0 : i32
    %dma_wait3A_63 = arith.constant 0 : i32
    %dma_wait3A_64 = tpu.memref_slice %arg8[%dma_wait3A_61, %dma_wait3A_62, %dma_wait3A_63] : memref<2x128x128xf32, #tpu.memory_space<vmem>> -> memref<1x128x128xf32, #tpu.memory_space<vmem>>
    %dma_wait3A_65 = tpu.memref_squeeze %dma_wait3A_64 : memref<1x128x128xf32, #tpu.memory_space<vmem>> -> memref<128x128xf32, #tpu.memory_space<vmem>>
    %dma_wait3A_66 = arith.constant 0 : i32
    %dma_wait3A_67 = tpu.memref_slice %arg6[%dma_wait3A_59, %dma_wait3A_60, %dma_wait3A_66] : memref<158x1x128xi32, #tpu.memory_space<vmem>> -> memref<1x1x128xi32, #tpu.memory_space<vmem>>
    %dma_wait3A_68 = tpu.memref_squeeze %dma_wait3A_67 : memref<1x1x128xi32, #tpu.memory_space<vmem>> -> memref<128xi32, #tpu.memory_space<vmem>>
    %dma_wait3A_69 = arith.constant 0 : i32
    %dma_wait3A_70 = arith.constant 0 : i32
    %dma_wait3A_71 = tpu.memref_slice %arg2[%dma_wait3A_69, %dma_wait3A_70] : memref<10000x128xf32, #tpu.memory_space<hbm>> -> memref<10000x128xf32, #tpu.memory_space<hbm>>
    tpu.wait_indirect_dma semaphore(%arg11 : memref<!tpu.dma_semaphore, #tpu.memory_space<semaphore_mem>>) src(%dma_wait3A_71 : memref<10000x128xf32, #tpu.memory_space<hbm>>) dst(%dma_wait3A_65 : memref<128x128xf32, #tpu.memory_space<vmem>>)
    %run_scoped3A_72 = arith.constant 1 : i32
    %run_scoped3A_73 = arith.constant 157 : i32
    %run_scoped3A_74 = arith.constant 0 : i32
    "tpu.region"() ({
      %run_scoped3A_76 = tpu.sem_alloc : memref<!tpu.dma_semaphore, #tpu.memory_space<semaphore_mem>>
      %dma_start3A_77 = arith.constant 0 : i32
      %dma_start3A_78 = arith.constant 0 : i32
      %dma_start3A_79 = tpu.memref_slice %arg8[%run_scoped3A_72, %dma_start3A_77, %dma_start3A_78] : memref<2x128x128xf32, #tpu.memory_space<vmem>> -> memref<1x128x128xf32, #tpu.memory_space<vmem>>
      %dma_start3A_80 = tpu.memref_squeeze %dma_start3A_79 : memref<1x128x128xf32, #tpu.memory_space<vmem>> -> memref<128x128xf32, #tpu.memory_space<vmem>>
      %dma_start3A_81 = arith.constant 0 : i32
      %dma_start3A_82 = tpu.memref_slice %arg7[%run_scoped3A_73, %run_scoped3A_74, %dma_start3A_81] : memref<158x1x128xi32, #tpu.memory_space<vmem>> -> memref<1x1x128xi32, #tpu.memory_space<vmem>>
      %dma_start3A_83 = tpu.memref_squeeze %dma_start3A_82 : memref<1x1x128xi32, #tpu.memory_space<vmem>> -> memref<128xi32, #tpu.memory_space<vmem>>
      %dma_start3A_84 = arith.constant 0 : i32
      %dma_start3A_85 = arith.constant 0 : i32
      %dma_start3A_86 = tpu.memref_slice %arg10[%dma_start3A_84, %dma_start3A_85] : memref<5120x128xf32, #tpu.memory_space<vmem_shared>> -> memref<5120x128xf32, #tpu.memory_space<vmem_shared>>
      %dma_start3A_87 = arith.constant -1 : i32
      tpu.enqueue_indirect_dma source(%dma_start3A_80 : memref<128x128xf32, #tpu.memory_space<vmem>>) target(%dma_start3A_86 : memref<5120x128xf32, #tpu.memory_space<vmem_shared>>) offsets(%dma_start3A_83 : memref<128xi32, #tpu.memory_space<vmem>>) offset_filter(%dma_start3A_87) semaphore(%run_scoped3A_76 : memref<!tpu.dma_semaphore, #tpu.memory_space<semaphore_mem>>) {add = true}
      %dma_wait3A_88 = arith.constant 0 : i32
      %dma_wait3A_89 = arith.constant 0 : i32
      %dma_wait3A_90 = tpu.memref_slice %arg8[%run_scoped3A_72, %dma_wait3A_88, %dma_wait3A_89] : memref<2x128x128xf32, #tpu.memory_space<vmem>> -> memref<1x128x128xf32, #tpu.memory_space<vmem>>
      %dma_wait3A_91 = tpu.memref_squeeze %dma_wait3A_90 : memref<1x128x128xf32, #tpu.memory_space<vmem>> -> memref<128x128xf32, #tpu.memory_space<vmem>>
      %dma_wait3A_92 = arith.constant 0 : i32
      %dma_wait3A_93 = tpu.memref_slice %arg7[%run_scoped3A_73, %run_scoped3A_74, %dma_wait3A_92] : memref<158x1x128xi32, #tpu.memory_space<vmem>> -> memref<1x1x128xi32, #tpu.memory_space<vmem>>
      %dma_wait3A_94 = tpu.memref_squeeze %dma_wait3A_93 : memref<1x1x128xi32, #tpu.memory_space<vmem>> -> memref<128xi32, #tpu.memory_space<vmem>>
      %dma_wait3A_95 = arith.constant 0 : i32
      %dma_wait3A_96 = arith.constant 0 : i32
      %dma_wait3A_97 = tpu.memref_slice %arg10[%dma_wait3A_95, %dma_wait3A_96] : memref<5120x128xf32, #tpu.memory_space<vmem_shared>> -> memref<5120x128xf32, #tpu.memory_space<vmem_shared>>
      tpu.wait_indirect_dma semaphore(%run_scoped3A_76 : memref<!tpu.dma_semaphore, #tpu.memory_space<semaphore_mem>>) src(%dma_wait3A_91 : memref<128x128xf32, #tpu.memory_space<vmem>>) dst(%dma_wait3A_97 : memref<5120x128xf32, #tpu.memory_space<vmem_shared>>)
      tpu.yield
    }) : () -> ()
    %barrier3A_75 = arith.constant 0 : index
    tpu.barrier barrier_id(%barrier3A_75)
    "tpu.region"() ({
      %run_scoped3A_76 = tpu.sem_alloc : memref<!tpu.dma_semaphore, #tpu.memory_space<semaphore_mem>>
      %dma_start3A_77 = arith.constant 0 : i32
      %dma_start3A_78 = tpu.memref_slice %arg5[%arg0, %mul3A_7, %dma_start3A_77] : memref<2x5120x128xf32, #tpu.memory_space<hbm>> -> memref<1x320x128xf32, #tpu.memory_space<hbm>>
      %dma_start3A_79 = tpu.memref_squeeze %dma_start3A_78 : memref<1x320x128xf32, #tpu.memory_space<hbm>> -> memref<320x128xf32, #tpu.memory_space<hbm>>
      %dma_start3A_80 = arith.constant 0 : i32
      %dma_start3A_81 = tpu.memref_slice %arg10[%mul3A_7, %dma_start3A_80] : memref<5120x128xf32, #tpu.memory_space<vmem_shared>> -> memref<320x128xf32, #tpu.memory_space<vmem_shared>>
      tpu.enqueue_dma source(%dma_start3A_81 : memref<320x128xf32, #tpu.memory_space<vmem_shared>>) target(%dma_start3A_79 : memref<320x128xf32, #tpu.memory_space<hbm>>) target_semaphore(%run_scoped3A_76 : memref<!tpu.dma_semaphore, #tpu.memory_space<semaphore_mem>>)
      %dma_wait3A_82 = arith.constant 0 : i32
      %dma_wait3A_83 = tpu.memref_slice %arg5[%arg0, %mul3A_7, %dma_wait3A_82] : memref<2x5120x128xf32, #tpu.memory_space<hbm>> -> memref<1x320x128xf32, #tpu.memory_space<hbm>>
      %dma_wait3A_84 = tpu.memref_squeeze %dma_wait3A_83 : memref<1x320x128xf32, #tpu.memory_space<hbm>> -> memref<320x128xf32, #tpu.memory_space<hbm>>
      %dma_wait3A_85 = arith.constant 0 : i32
      %dma_wait3A_86 = tpu.memref_slice %arg10[%mul3A_7, %dma_wait3A_85] : memref<5120x128xf32, #tpu.memory_space<vmem_shared>> -> memref<320x128xf32, #tpu.memory_space<vmem_shared>>
      tpu.wait_dma2 semaphore(%run_scoped3A_76 : memref<!tpu.dma_semaphore, #tpu.memory_space<semaphore_mem>>) src(%dma_wait3A_86 : memref<320x128xf32, #tpu.memory_space<vmem_shared>>) dst(%dma_wait3A_84 : memref<320x128xf32, #tpu.memory_space<hbm>>)
      tpu.yield
    }) : () -> ()
    return
  }
}

#map = affine_map<(d0, d1) -> (0, 0)>
#map1 = affine_map<(d0, d1) -> (0, 0, 0, 0)>
#map2 = affine_map<(d0, d1) -> (0, 0, 0)>
module attributes {stable_mosaic.version = 14 : i64} {
  func.func @agg_kernel(%arg0: i32, %arg1: i32, %arg2: memref<10000x128xf32, #tpu.memory_space<hbm>>, %arg3: memref<2x2528x1x128xi32, #tpu.memory_space<hbm>>, %arg4: memref<2x2528x1x128xi32, #tpu.memory_space<hbm>>, %arg5: memref<2x5120x128xf32, #tpu.memory_space<hbm>>, %arg6: memref<158x1x128xi32, #tpu.memory_space<vmem>>, %arg7: memref<158x1x128xi32, #tpu.memory_space<vmem>>, %arg8: memref<2x128x128xf32, #tpu.memory_space<vmem>>, %arg9: memref<32x128xf32, #tpu.memory_space<vmem>>, %arg10: memref<5120x128xf32, #tpu.memory_space<vmem_shared>>, %arg11: memref<!tpu.dma_semaphore, #tpu.memory_space<semaphore_mem>>) attributes {dimension_semantics = [#tpu.dimension_semantics<core_parallel>, #tpu.dimension_semantics<subcore_parallel>], iteration_bounds = array<i64: 2, 16>, scalar_prefetch = 0 : i64, scratch_operands = 6 : i64, tpu.core_type = #tpu.core_type<sc_vector_subcore>, window_params = [{transform_indices = #map}, {transform_indices = #map1}, {transform_indices = #map1}, {transform_indices = #map2}]} {
    %mul3A = arith.constant 158 : i32
    %mul3A_0 = arith.muli %arg1, %mul3A : i32
    "tpu.region"() ({
      %run_scoped3A_76 = tpu.sem_alloc : memref<!tpu.dma_semaphore, #tpu.memory_space<semaphore_mem>>
      %dma_start3A_77 = arith.constant 0 : i32
      %dma_start3A_78 = arith.constant 0 : i32
      %dma_start3A_79 = tpu.memref_slice %arg3[%arg0, %mul3A_0, %dma_start3A_77, %dma_start3A_78] : memref<2x2528x1x128xi32, #tpu.memory_space<hbm>> -> memref<1x158x1x128xi32, #tpu.memory_space<hbm>>
      %dma_start3A_80 = tpu.memref_squeeze %dma_start3A_79 : memref<1x158x1x128xi32, #tpu.memory_space<hbm>> -> memref<158x1x128xi32, #tpu.memory_space<hbm>>
      %dma_start3A_81 = arith.constant 0 : i32
      %dma_start3A_82 = arith.constant 0 : i32
      %dma_start3A_83 = tpu.memref_slice %arg3[%arg0, %mul3A_0, %dma_start3A_81, %dma_start3A_82] : memref<2x2528x1x128xi32, #tpu.memory_space<hbm>> -> memref<1x158x1x128xi32, #tpu.memory_space<hbm>>
      %dma_start3A_84 = tpu.memref_squeeze %dma_start3A_83 : memref<1x158x1x128xi32, #tpu.memory_space<hbm>> -> memref<158x1x128xi32, #tpu.memory_space<hbm>>
      tpu.enqueue_dma source(%dma_start3A_84 : memref<158x1x128xi32, #tpu.memory_space<hbm>>) target(%arg6 : memref<158x1x128xi32, #tpu.memory_space<vmem>>) target_semaphore(%run_scoped3A_76 : memref<!tpu.dma_semaphore, #tpu.memory_space<semaphore_mem>>)
      %dma_wait3A_85 = arith.constant 0 : i32
      %dma_wait3A_86 = arith.constant 0 : i32
      %dma_wait3A_87 = tpu.memref_slice %arg3[%arg0, %mul3A_0, %dma_wait3A_85, %dma_wait3A_86] : memref<2x2528x1x128xi32, #tpu.memory_space<hbm>> -> memref<1x158x1x128xi32, #tpu.memory_space<hbm>>
      %dma_wait3A_88 = tpu.memref_squeeze %dma_wait3A_87 : memref<1x158x1x128xi32, #tpu.memory_space<hbm>> -> memref<158x1x128xi32, #tpu.memory_space<hbm>>
      %dma_wait3A_89 = arith.constant 0 : i32
      %dma_wait3A_90 = arith.constant 0 : i32
      %dma_wait3A_91 = tpu.memref_slice %arg3[%arg0, %mul3A_0, %dma_wait3A_89, %dma_wait3A_90] : memref<2x2528x1x128xi32, #tpu.memory_space<hbm>> -> memref<1x158x1x128xi32, #tpu.memory_space<hbm>>
      %dma_wait3A_92 = tpu.memref_squeeze %dma_wait3A_91 : memref<1x158x1x128xi32, #tpu.memory_space<hbm>> -> memref<158x1x128xi32, #tpu.memory_space<hbm>>
      tpu.wait_dma2 semaphore(%run_scoped3A_76 : memref<!tpu.dma_semaphore, #tpu.memory_space<semaphore_mem>>) src(%dma_wait3A_92 : memref<158x1x128xi32, #tpu.memory_space<hbm>>) dst(%arg6 : memref<158x1x128xi32, #tpu.memory_space<vmem>>)
      tpu.yield
    }) : () -> ()
    "tpu.region"() ({
      %run_scoped3A_76 = tpu.sem_alloc : memref<!tpu.dma_semaphore, #tpu.memory_space<semaphore_mem>>
      %dma_start3A_77 = arith.constant 0 : i32
      %dma_start3A_78 = arith.constant 0 : i32
      %dma_start3A_79 = tpu.memref_slice %arg4[%arg0, %mul3A_0, %dma_start3A_77, %dma_start3A_78] : memref<2x2528x1x128xi32, #tpu.memory_space<hbm>> -> memref<1x158x1x128xi32, #tpu.memory_space<hbm>>
      %dma_start3A_80 = tpu.memref_squeeze %dma_start3A_79 : memref<1x158x1x128xi32, #tpu.memory_space<hbm>> -> memref<158x1x128xi32, #tpu.memory_space<hbm>>
      %dma_start3A_81 = arith.constant 0 : i32
      %dma_start3A_82 = arith.constant 0 : i32
      %dma_start3A_83 = tpu.memref_slice %arg4[%arg0, %mul3A_0, %dma_start3A_81, %dma_start3A_82] : memref<2x2528x1x128xi32, #tpu.memory_space<hbm>> -> memref<1x158x1x128xi32, #tpu.memory_space<hbm>>
      %dma_start3A_84 = tpu.memref_squeeze %dma_start3A_83 : memref<1x158x1x128xi32, #tpu.memory_space<hbm>> -> memref<158x1x128xi32, #tpu.memory_space<hbm>>
      tpu.enqueue_dma source(%dma_start3A_84 : memref<158x1x128xi32, #tpu.memory_space<hbm>>) target(%arg7 : memref<158x1x128xi32, #tpu.memory_space<vmem>>) target_semaphore(%run_scoped3A_76 : memref<!tpu.dma_semaphore, #tpu.memory_space<semaphore_mem>>)
      %dma_wait3A_85 = arith.constant 0 : i32
      %dma_wait3A_86 = arith.constant 0 : i32
      %dma_wait3A_87 = tpu.memref_slice %arg4[%arg0, %mul3A_0, %dma_wait3A_85, %dma_wait3A_86] : memref<2x2528x1x128xi32, #tpu.memory_space<hbm>> -> memref<1x158x1x128xi32, #tpu.memory_space<hbm>>
      %dma_wait3A_88 = tpu.memref_squeeze %dma_wait3A_87 : memref<1x158x1x128xi32, #tpu.memory_space<hbm>> -> memref<158x1x128xi32, #tpu.memory_space<hbm>>
      %dma_wait3A_89 = arith.constant 0 : i32
      %dma_wait3A_90 = arith.constant 0 : i32
      %dma_wait3A_91 = tpu.memref_slice %arg4[%arg0, %mul3A_0, %dma_wait3A_89, %dma_wait3A_90] : memref<2x2528x1x128xi32, #tpu.memory_space<hbm>> -> memref<1x158x1x128xi32, #tpu.memory_space<hbm>>
      %dma_wait3A_92 = tpu.memref_squeeze %dma_wait3A_91 : memref<1x158x1x128xi32, #tpu.memory_space<hbm>> -> memref<158x1x128xi32, #tpu.memory_space<hbm>>
      tpu.wait_dma2 semaphore(%run_scoped3A_76 : memref<!tpu.dma_semaphore, #tpu.memory_space<semaphore_mem>>) src(%dma_wait3A_92 : memref<158x1x128xi32, #tpu.memory_space<hbm>>) dst(%arg7 : memref<158x1x128xi32, #tpu.memory_space<vmem>>)
      tpu.yield
    }) : () -> ()
    %broadcast_in_dim3A = arith.constant 0.000000e+00 : f32
    %broadcast_in_dim3A_1 = vector.broadcast %broadcast_in_dim3A : f32 to vector<16xf32>
    %scan3A = arith.constant 0 : i32
    %scan3A_2 = arith.constant 32 : i32
    %scan3A_3 = arith.addi %scan3A, %scan3A_2 : i32
    %scan3A_4 = arith.constant 1 : i32
    scf.for %scan3A_76 = %scan3A to %scan3A_3 step %scan3A_4  : i32 {
      %mul3A_77 = arith.constant 1 : i32
      %mul3A_78 = arith.muli %scan3A_76, %mul3A_77 : i32
      %add3A = arith.constant 0 : i32
      %add3A_79 = arith.addi %add3A, %mul3A_78 : i32
      %swap3A = arith.index_cast %add3A_79 : i32 to index
      %swap3A_80 = arith.constant 0 : index
      %swap3A_81 = tpu.vector_load %arg9[%swap3A, %swap3A_80] {strides = array<i32>} : memref<32x128xf32, #tpu.memory_space<vmem>>, vector<1x16xf32>,
      %swap3A_82 = vector.shape_cast %swap3A_81 : vector<1x16xf32> to vector<16xf32>
      %swap3A_83 = vector.shape_cast %broadcast_in_dim3A_1 : vector<16xf32> to vector<1x16xf32>
      tpu.vector_store %arg9[%swap3A, %swap3A_80], %swap3A_83 {strides = array<i32>} : memref<32x128xf32, #tpu.memory_space<vmem>>, vector<1x16xf32>,
      %swap3A_84 = arith.index_cast %add3A_79 : i32 to index
      %swap3A_85 = arith.constant 16 : index
      %swap3A_86 = tpu.vector_load %arg9[%swap3A_84, %swap3A_85] {strides = array<i32>} : memref<32x128xf32, #tpu.memory_space<vmem>>, vector<1x16xf32>,
      %swap3A_87 = vector.shape_cast %swap3A_86 : vector<1x16xf32> to vector<16xf32>
      %swap3A_88 = vector.shape_cast %broadcast_in_dim3A_1 : vector<16xf32> to vector<1x16xf32>
      tpu.vector_store %arg9[%swap3A_84, %swap3A_85], %swap3A_88 {strides = array<i32>} : memref<32x128xf32, #tpu.memory_space<vmem>>, vector<1x16xf32>,
      %swap3A_89 = arith.index_cast %add3A_79 : i32 to index
      %swap3A_90 = arith.constant 32 : index
      %swap3A_91 = tpu.vector_load %arg9[%swap3A_89, %swap3A_90] {strides = array<i32>} : memref<32x128xf32, #tpu.memory_space<vmem>>, vector<1x16xf32>,
      %swap3A_92 = vector.shape_cast %swap3A_91 : vector<1x16xf32> to vector<16xf32>
      %swap3A_93 = vector.shape_cast %broadcast_in_dim3A_1 : vector<16xf32> to vector<1x16xf32>
      tpu.vector_store %arg9[%swap3A_89, %swap3A_90], %swap3A_93 {strides = array<i32>} : memref<32x128xf32, #tpu.memory_space<vmem>>, vector<1x16xf32>,
      %swap3A_94 = arith.index_cast %add3A_79 : i32 to index
      %swap3A_95 = arith.constant 48 : index
      %swap3A_96 = tpu.vector_load %arg9[%swap3A_94, %swap3A_95] {strides = array<i32>} : memref<32x128xf32, #tpu.memory_space<vmem>>, vector<1x16xf32>,
      %swap3A_97 = vector.shape_cast %swap3A_96 : vector<1x16xf32> to vector<16xf32>
      %swap3A_98 = vector.shape_cast %broadcast_in_dim3A_1 : vector<16xf32> to vector<1x16xf32>
      tpu.vector_store %arg9[%swap3A_94, %swap3A_95], %swap3A_98 {strides = array<i32>} : memref<32x128xf32, #tpu.memory_space<vmem>>, vector<1x16xf32>,
      %swap3A_99 = arith.index_cast %add3A_79 : i32 to index
      %swap3A_100 = arith.constant 64 : index
      %swap3A_101 = tpu.vector_load %arg9[%swap3A_99, %swap3A_100] {strides = array<i32>} : memref<32x128xf32, #tpu.memory_space<vmem>>, vector<1x16xf32>,
      %swap3A_102 = vector.shape_cast %swap3A_101 : vector<1x16xf32> to vector<16xf32>
      %swap3A_103 = vector.shape_cast %broadcast_in_dim3A_1 : vector<16xf32> to vector<1x16xf32>
      tpu.vector_store %arg9[%swap3A_99, %swap3A_100], %swap3A_103 {strides = array<i32>} : memref<32x128xf32, #tpu.memory_space<vmem>>, vector<1x16xf32>,
      %swap3A_104 = arith.index_cast %add3A_79 : i32 to index
      %swap3A_105 = arith.constant 80 : index
      %swap3A_106 = tpu.vector_load %arg9[%swap3A_104, %swap3A_105] {strides = array<i32>} : memref<32x128xf32, #tpu.memory_space<vmem>>, vector<1x16xf32>,
      %swap3A_107 = vector.shape_cast %swap3A_106 : vector<1x16xf32> to vector<16xf32>
      %swap3A_108 = vector.shape_cast %broadcast_in_dim3A_1 : vector<16xf32> to vector<1x16xf32>
      tpu.vector_store %arg9[%swap3A_104, %swap3A_105], %swap3A_108 {strides = array<i32>} : memref<32x128xf32, #tpu.memory_space<vmem>>, vector<1x16xf32>,
      %swap3A_109 = arith.index_cast %add3A_79 : i32 to index
      %swap3A_110 = arith.constant 96 : index
      %swap3A_111 = tpu.vector_load %arg9[%swap3A_109, %swap3A_110] {strides = array<i32>} : memref<32x128xf32, #tpu.memory_space<vmem>>, vector<1x16xf32>,
      %swap3A_112 = vector.shape_cast %swap3A_111 : vector<1x16xf32> to vector<16xf32>
      %swap3A_113 = vector.shape_cast %broadcast_in_dim3A_1 : vector<16xf32> to vector<1x16xf32>
      tpu.vector_store %arg9[%swap3A_109, %swap3A_110], %swap3A_113 {strides = array<i32>} : memref<32x128xf32, #tpu.memory_space<vmem>>, vector<1x16xf32>,
      %swap3A_114 = arith.index_cast %add3A_79 : i32 to index
      %swap3A_115 = arith.constant 112 : index
      %swap3A_116 = tpu.vector_load %arg9[%swap3A_114, %swap3A_115] {strides = array<i32>} : memref<32x128xf32, #tpu.memory_space<vmem>>, vector<1x16xf32>,
      %swap3A_117 = vector.shape_cast %swap3A_116 : vector<1x16xf32> to vector<16xf32>
      %swap3A_118 = vector.shape_cast %broadcast_in_dim3A_1 : vector<16xf32> to vector<1x16xf32>
      tpu.vector_store %arg9[%swap3A_114, %swap3A_115], %swap3A_118 {strides = array<i32>} : memref<32x128xf32, #tpu.memory_space<vmem>>, vector<1x16xf32>,
    }
    %scan3A_5 = arith.constant 32 : i32
    %mul3A_6 = arith.constant 320 : i32
    %mul3A_7 = arith.muli %arg1, %mul3A_6 : i32
    %scan3A_8 = arith.constant 0 : i32
    %scan3A_9 = arith.constant 10 : i32
    %scan3A_10 = arith.addi %scan3A_8, %scan3A_9 : i32
    %scan3A_11 = arith.constant 1 : i32
    scf.for %scan3A_76 = %scan3A_8 to %scan3A_10 step %scan3A_11  : i32 {
      %mul3A_77 = arith.constant 1 : i32
      %mul3A_78 = arith.muli %scan3A_76, %mul3A_77 : i32
      %add3A = arith.constant 0 : i32
      %add3A_79 = arith.addi %add3A, %mul3A_78 : i32
      %mul3A_80 = arith.constant 32 : i32
      %mul3A_81 = arith.muli %add3A_79, %mul3A_80 : i32
      %add3A_82 = arith.addi %mul3A_7, %mul3A_81 : i32
      "tpu.region"() ({
        %run_scoped3A_83 = tpu.sem_alloc : memref<!tpu.dma_semaphore, #tpu.memory_space<semaphore_mem>>
        %dma_start3A_84 = arith.constant 0 : i32
        %dma_start3A_85 = tpu.memref_slice %arg10[%add3A_82, %dma_start3A_84] : memref<5120x128xf32, #tpu.memory_space<vmem_shared>> -> memref<32x128xf32, #tpu.memory_space<vmem_shared>>
        %dma_start3A_86 = arith.constant 0 : i32
        %dma_start3A_87 = tpu.memref_slice %arg10[%add3A_82, %dma_start3A_86] : memref<5120x128xf32, #tpu.memory_space<vmem_shared>> -> memref<32x128xf32, #tpu.memory_space<vmem_shared>>
        tpu.enqueue_dma source(%arg9 : memref<32x128xf32, #tpu.memory_space<vmem>>) target(%dma_start3A_87 : memref<32x128xf32, #tpu.memory_space<vmem_shared>>) target_semaphore(%run_scoped3A_83 : memref<!tpu.dma_semaphore, #tpu.memory_space<semaphore_mem>>)
        %dma_wait3A_88 = arith.constant 0 : i32
        %dma_wait3A_89 = tpu.memref_slice %arg10[%add3A_82, %dma_wait3A_88] : memref<5120x128xf32, #tpu.memory_space<vmem_shared>> -> memref<32x128xf32, #tpu.memory_space<vmem_shared>>
        %dma_wait3A_90 = arith.constant 0 : i32
        %dma_wait3A_91 = tpu.memref_slice %arg10[%add3A_82, %dma_wait3A_90] : memref<5120x128xf32, #tpu.memory_space<vmem_shared>> -> memref<32x128xf32, #tpu.memory_space<vmem_shared>>
        tpu.wait_dma2 semaphore(%run_scoped3A_83 : memref<!tpu.dma_semaphore, #tpu.memory_space<semaphore_mem>>) src(%arg9 : memref<32x128xf32, #tpu.memory_space<vmem>>) dst(%dma_wait3A_91 : memref<32x128xf32, #tpu.memory_space<vmem_shared>>)
        tpu.yield
      }) : () -> ()
    }
    %scan3A_12 = arith.constant 10 : i32
    %barrier3A = arith.constant 0 : index
    tpu.barrier barrier_id(%barrier3A)
    %dma_start3A = arith.constant 0 : i32
    %dma_start3A_13 = arith.constant 0 : i32
    %dma_start3A_14 = arith.constant 0 : i32
    %dma_start3A_15 = arith.constant 0 : i32
    %dma_start3A_16 = arith.constant 0 : i32
    %dma_start3A_17 = tpu.memref_slice %arg8[%dma_start3A_14, %dma_start3A_15, %dma_start3A_16] : memref<2x128x128xf32, #tpu.memory_space<vmem>> -> memref<1x128x128xf32, #tpu.memory_space<vmem>>
    %dma_start3A_18 = tpu.memref_squeeze %dma_start3A_17 : memref<1x128x128xf32, #tpu.memory_space<vmem>> -> memref<128x128xf32, #tpu.memory_space<vmem>>
    %dma_start3A_19 = arith.constant 0 : i32
    %dma_start3A_20 = tpu.memref_slice %arg6[%dma_start3A, %dma_start3A_13, %dma_start3A_19] : memref<158x1x128xi32, #tpu.memory_space<vmem>> -> memref<1x1x128xi32, #tpu.memory_space<vmem>>
    %dma_start3A_21 = tpu.memref_squeeze %dma_start3A_20 : memref<1x1x128xi32, #tpu.memory_space<vmem>> -> memref<128xi32, #tpu.memory_space<vmem>>
    %dma_start3A_22 = arith.constant 0 : i32
    %dma_start3A_23 = arith.constant 0 : i32
    %dma_start3A_24 = tpu.memref_slice %arg2[%dma_start3A_22, %dma_start3A_23] : memref<10000x128xf32, #tpu.memory_space<hbm>> -> memref<10000x128xf32, #tpu.memory_space<hbm>>
    %dma_start3A_25 = arith.constant -1 : i32
    tpu.enqueue_indirect_dma source(%dma_start3A_24 : memref<10000x128xf32, #tpu.memory_space<hbm>>) target(%dma_start3A_18 : memref<128x128xf32, #tpu.memory_space<vmem>>) offsets(%dma_start3A_21 : memref<128xi32, #tpu.memory_space<vmem>>) offset_filter(%dma_start3A_25) semaphore(%arg11 : memref<!tpu.dma_semaphore, #tpu.memory_space<semaphore_mem>>)
    %dma_start3A_26 = arith.constant 1 : i32
    %dma_start3A_27 = arith.constant 0 : i32
    %dma_start3A_28 = arith.constant 1 : i32
    %dma_start3A_29 = arith.constant 0 : i32
    %dma_start3A_30 = arith.constant 0 : i32
    %dma_start3A_31 = tpu.memref_slice %arg8[%dma_start3A_28, %dma_start3A_29, %dma_start3A_30] : memref<2x128x128xf32, #tpu.memory_space<vmem>> -> memref<1x128x128xf32, #tpu.memory_space<vmem>>
    %dma_start3A_32 = tpu.memref_squeeze %dma_start3A_31 : memref<1x128x128xf32, #tpu.memory_space<vmem>> -> memref<128x128xf32, #tpu.memory_space<vmem>>
    %dma_start3A_33 = arith.constant 0 : i32
    %dma_start3A_34 = tpu.memref_slice %arg6[%dma_start3A_26, %dma_start3A_27, %dma_start3A_33] : memref<158x1x128xi32, #tpu.memory_space<vmem>> -> memref<1x1x128xi32, #tpu.memory_space<vmem>>
    %dma_start3A_35 = tpu.memref_squeeze %dma_start3A_34 : memref<1x1x128xi32, #tpu.memory_space<vmem>> -> memref<128xi32, #tpu.memory_space<vmem>>
    %dma_start3A_36 = arith.constant 0 : i32
    %dma_start3A_37 = arith.constant 0 : i32
    %dma_start3A_38 = tpu.memref_slice %arg2[%dma_start3A_36, %dma_start3A_37] : memref<10000x128xf32, #tpu.memory_space<hbm>> -> memref<10000x128xf32, #tpu.memory_space<hbm>>
    %dma_start3A_39 = arith.constant -1 : i32
    tpu.enqueue_indirect_dma source(%dma_start3A_38 : memref<10000x128xf32, #tpu.memory_space<hbm>>) target(%dma_start3A_32 : memref<128x128xf32, #tpu.memory_space<vmem>>) offsets(%dma_start3A_35 : memref<128xi32, #tpu.memory_space<vmem>>) offset_filter(%dma_start3A_39) semaphore(%arg11 : memref<!tpu.dma_semaphore, #tpu.memory_space<semaphore_mem>>)
    %scan3A_40 = arith.constant 0 : i32
    %scan3A_41 = arith.constant 78 : i32
    %scan3A_42 = arith.addi %scan3A_40, %scan3A_41 : i32
    %scan3A_43 = arith.constant 1 : i32
    scf.for %scan3A_76 = %scan3A_40 to %scan3A_42 step %scan3A_43  : i32 {
      %mul3A_77 = arith.constant 2 : i32
      %mul3A_78 = arith.muli %scan3A_76, %mul3A_77 : i32
      %add3A = arith.constant 0 : i32
      %add3A_79 = arith.addi %add3A, %mul3A_78 : i32
      %add3A_80 = arith.constant 0 : i32
      %add3A_81 = arith.addi %add3A_79, %add3A_80 : i32
      %dma_wait3A_82 = arith.constant 0 : i32
      %dma_wait3A_83 = arith.constant 0 : i32
      %dma_wait3A_84 = arith.constant 0 : i32
      %dma_wait3A_85 = arith.constant 0 : i32
      %dma_wait3A_86 = tpu.memref_slice %arg8[%dma_wait3A_83, %dma_wait3A_84, %dma_wait3A_85] : memref<2x128x128xf32, #tpu.memory_space<vmem>> -> memref<1x128x128xf32, #tpu.memory_space<vmem>>
      %dma_wait3A_87 = tpu.memref_squeeze %dma_wait3A_86 : memref<1x128x128xf32, #tpu.memory_space<vmem>> -> memref<128x128xf32, #tpu.memory_space<vmem>>
      %dma_wait3A_88 = arith.constant 0 : i32
      %dma_wait3A_89 = tpu.memref_slice %arg6[%add3A_81, %dma_wait3A_82, %dma_wait3A_88] : memref<158x1x128xi32, #tpu.memory_space<vmem>> -> memref<1x1x128xi32, #tpu.memory_space<vmem>>
      %dma_wait3A_90 = tpu.memref_squeeze %dma_wait3A_89 : memref<1x1x128xi32, #tpu.memory_space<vmem>> -> memref<128xi32, #tpu.memory_space<vmem>>
      %dma_wait3A_91 = arith.constant 0 : i32
      %dma_wait3A_92 = arith.constant 0 : i32
      %dma_wait3A_93 = tpu.memref_slice %arg2[%dma_wait3A_91, %dma_wait3A_92] : memref<10000x128xf32, #tpu.memory_space<hbm>> -> memref<10000x128xf32, #tpu.memory_space<hbm>>
      tpu.wait_indirect_dma semaphore(%arg11 : memref<!tpu.dma_semaphore, #tpu.memory_space<semaphore_mem>>) src(%dma_wait3A_93 : memref<10000x128xf32, #tpu.memory_space<hbm>>) dst(%dma_wait3A_87 : memref<128x128xf32, #tpu.memory_space<vmem>>)
      %add3A_94 = arith.constant 0 : i32
      %add3A_95 = arith.addi %add3A_79, %add3A_94 : i32
      %run_scoped3A_96 = arith.constant 0 : i32
      %run_scoped3A_97 = arith.constant 0 : i32
      "tpu.region"() ({
        %run_scoped3A_150 = tpu.sem_alloc : memref<!tpu.dma_semaphore, #tpu.memory_space<semaphore_mem>>
        %dma_start3A_151 = arith.constant 0 : i32
        %dma_start3A_152 = arith.constant 0 : i32
        %dma_start3A_153 = tpu.memref_slice %arg8[%run_scoped3A_96, %dma_start3A_151, %dma_start3A_152] : memref<2x128x128xf32, #tpu.memory_space<vmem>> -> memref<1x128x128xf32, #tpu.memory_space<vmem>>
        %dma_start3A_154 = tpu.memref_squeeze %dma_start3A_153 : memref<1x128x128xf32, #tpu.memory_space<vmem>> -> memref<128x128xf32, #tpu.memory_space<vmem>>
        %dma_start3A_155 = arith.constant 0 : i32
        %dma_start3A_156 = tpu.memref_slice %arg7[%add3A_95, %run_scoped3A_97, %dma_start3A_155] : memref<158x1x128xi32, #tpu.memory_space<vmem>> -> memref<1x1x128xi32, #tpu.memory_space<vmem>>
        %dma_start3A_157 = tpu.memref_squeeze %dma_start3A_156 : memref<1x1x128xi32, #tpu.memory_space<vmem>> -> memref<128xi32, #tpu.memory_space<vmem>>
        %dma_start3A_158 = arith.constant 0 : i32
        %dma_start3A_159 = arith.constant 0 : i32
        %dma_start3A_160 = tpu.memref_slice %arg10[%dma_start3A_158, %dma_start3A_159] : memref<5120x128xf32, #tpu.memory_space<vmem_shared>> -> memref<5120x128xf32, #tpu.memory_space<vmem_shared>>
        %dma_start3A_161 = arith.constant -1 : i32
        tpu.enqueue_indirect_dma source(%dma_start3A_154 : memref<128x128xf32, #tpu.memory_space<vmem>>) target(%dma_start3A_160 : memref<5120x128xf32, #tpu.memory_space<vmem_shared>>) offsets(%dma_start3A_157 : memref<128xi32, #tpu.memory_space<vmem>>) offset_filter(%dma_start3A_161) semaphore(%run_scoped3A_150 : memref<!tpu.dma_semaphore, #tpu.memory_space<semaphore_mem>>) {add = true}
        %dma_wait3A_162 = arith.constant 0 : i32
        %dma_wait3A_163 = arith.constant 0 : i32
        %dma_wait3A_164 = tpu.memref_slice %arg8[%run_scoped3A_96, %dma_wait3A_162, %dma_wait3A_163] : memref<2x128x128xf32, #tpu.memory_space<vmem>> -> memref<1x128x128xf32, #tpu.memory_space<vmem>>
        %dma_wait3A_165 = tpu.memref_squeeze %dma_wait3A_164 : memref<1x128x128xf32, #tpu.memory_space<vmem>> -> memref<128x128xf32, #tpu.memory_space<vmem>>
        %dma_wait3A_166 = arith.constant 0 : i32
        %dma_wait3A_167 = tpu.memref_slice %arg7[%add3A_95, %run_scoped3A_97, %dma_wait3A_166] : memref<158x1x128xi32, #tpu.memory_space<vmem>> -> memref<1x1x128xi32, #tpu.memory_space<vmem>>
        %dma_wait3A_168 = tpu.memref_squeeze %dma_wait3A_167 : memref<1x1x128xi32, #tpu.memory_space<vmem>> -> memref<128xi32, #tpu.memory_space<vmem>>
        %dma_wait3A_169 = arith.constant 0 : i32
        %dma_wait3A_170 = arith.constant 0 : i32
        %dma_wait3A_171 = tpu.memref_slice %arg10[%dma_wait3A_169, %dma_wait3A_170] : memref<5120x128xf32, #tpu.memory_space<vmem_shared>> -> memref<5120x128xf32, #tpu.memory_space<vmem_shared>>
        tpu.wait_indirect_dma semaphore(%run_scoped3A_150 : memref<!tpu.dma_semaphore, #tpu.memory_space<semaphore_mem>>) src(%dma_wait3A_165 : memref<128x128xf32, #tpu.memory_space<vmem>>) dst(%dma_wait3A_171 : memref<5120x128xf32, #tpu.memory_space<vmem_shared>>)
        tpu.yield
      }) : () -> ()
      %add3A_98 = arith.constant 0 : i32
      %add3A_99 = arith.addi %add3A_79, %add3A_98 : i32
      %add3A_100 = arith.constant 2 : i32
      %add3A_101 = arith.addi %add3A_99, %add3A_100 : i32
      %dma_start3A_102 = arith.constant 0 : i32
      %dma_start3A_103 = arith.constant 0 : i32
      %dma_start3A_104 = arith.constant 0 : i32
      %dma_start3A_105 = arith.constant 0 : i32
      %dma_start3A_106 = tpu.memref_slice %arg8[%dma_start3A_103, %dma_start3A_104, %dma_start3A_105] : memref<2x128x128xf32, #tpu.memory_space<vmem>> -> memref<1x128x128xf32, #tpu.memory_space<vmem>>
      %dma_start3A_107 = tpu.memref_squeeze %dma_start3A_106 : memref<1x128x128xf32, #tpu.memory_space<vmem>> -> memref<128x128xf32, #tpu.memory_space<vmem>>
      %dma_start3A_108 = arith.constant 0 : i32
      %dma_start3A_109 = tpu.memref_slice %arg6[%add3A_101, %dma_start3A_102, %dma_start3A_108] : memref<158x1x128xi32, #tpu.memory_space<vmem>> -> memref<1x1x128xi32, #tpu.memory_space<vmem>>
      %dma_start3A_110 = tpu.memref_squeeze %dma_start3A_109 : memref<1x1x128xi32, #tpu.memory_space<vmem>> -> memref<128xi32, #tpu.memory_space<vmem>>
      %dma_start3A_111 = arith.constant 0 : i32
      %dma_start3A_112 = arith.constant 0 : i32
      %dma_start3A_113 = tpu.memref_slice %arg2[%dma_start3A_111, %dma_start3A_112] : memref<10000x128xf32, #tpu.memory_space<hbm>> -> memref<10000x128xf32, #tpu.memory_space<hbm>>
      %dma_start3A_114 = arith.constant -1 : i32
      tpu.enqueue_indirect_dma source(%dma_start3A_113 : memref<10000x128xf32, #tpu.memory_space<hbm>>) target(%dma_start3A_107 : memref<128x128xf32, #tpu.memory_space<vmem>>) offsets(%dma_start3A_110 : memref<128xi32, #tpu.memory_space<vmem>>) offset_filter(%dma_start3A_114) semaphore(%arg11 : memref<!tpu.dma_semaphore, #tpu.memory_space<semaphore_mem>>)
      %add3A_115 = arith.constant 1 : i32
      %add3A_116 = arith.addi %add3A_79, %add3A_115 : i32
      %dma_wait3A_117 = arith.constant 0 : i32
      %dma_wait3A_118 = arith.constant 1 : i32
      %dma_wait3A_119 = arith.constant 0 : i32
      %dma_wait3A_120 = arith.constant 0 : i32
      %dma_wait3A_121 = tpu.memref_slice %arg8[%dma_wait3A_118, %dma_wait3A_119, %dma_wait3A_120] : memref<2x128x128xf32, #tpu.memory_space<vmem>> -> memref<1x128x128xf32, #tpu.memory_space<vmem>>
      %dma_wait3A_122 = tpu.memref_squeeze %dma_wait3A_121 : memref<1x128x128xf32, #tpu.memory_space<vmem>> -> memref<128x128xf32, #tpu.memory_space<vmem>>
      %dma_wait3A_123 = arith.constant 0 : i32
      %dma_wait3A_124 = tpu.memref_slice %arg6[%add3A_116, %dma_wait3A_117, %dma_wait3A_123] : memref<158x1x128xi32, #tpu.memory_space<vmem>> -> memref<1x1x128xi32, #tpu.memory_space<vmem>>
      %dma_wait3A_125 = tpu.memref_squeeze %dma_wait3A_124 : memref<1x1x128xi32, #tpu.memory_space<vmem>> -> memref<128xi32, #tpu.memory_space<vmem>>
      %dma_wait3A_126 = arith.constant 0 : i32
      %dma_wait3A_127 = arith.constant 0 : i32
      %dma_wait3A_128 = tpu.memref_slice %arg2[%dma_wait3A_126, %dma_wait3A_127] : memref<10000x128xf32, #tpu.memory_space<hbm>> -> memref<10000x128xf32, #tpu.memory_space<hbm>>
      tpu.wait_indirect_dma semaphore(%arg11 : memref<!tpu.dma_semaphore, #tpu.memory_space<semaphore_mem>>) src(%dma_wait3A_128 : memref<10000x128xf32, #tpu.memory_space<hbm>>) dst(%dma_wait3A_122 : memref<128x128xf32, #tpu.memory_space<vmem>>)
      %add3A_129 = arith.constant 1 : i32
      %add3A_130 = arith.addi %add3A_79, %add3A_129 : i32
      %run_scoped3A_131 = arith.constant 1 : i32
      %run_scoped3A_132 = arith.constant 0 : i32
      "tpu.region"() ({
        %run_scoped3A_150 = tpu.sem_alloc : memref<!tpu.dma_semaphore, #tpu.memory_space<semaphore_mem>>
        %dma_start3A_151 = arith.constant 0 : i32
        %dma_start3A_152 = arith.constant 0 : i32
        %dma_start3A_153 = tpu.memref_slice %arg8[%run_scoped3A_131, %dma_start3A_151, %dma_start3A_152] : memref<2x128x128xf32, #tpu.memory_space<vmem>> -> memref<1x128x128xf32, #tpu.memory_space<vmem>>
        %dma_start3A_154 = tpu.memref_squeeze %dma_start3A_153 : memref<1x128x128xf32, #tpu.memory_space<vmem>> -> memref<128x128xf32, #tpu.memory_space<vmem>>
        %dma_start3A_155 = arith.constant 0 : i32
        %dma_start3A_156 = tpu.memref_slice %arg7[%add3A_130, %run_scoped3A_132, %dma_start3A_155] : memref<158x1x128xi32, #tpu.memory_space<vmem>> -> memref<1x1x128xi32, #tpu.memory_space<vmem>>
        %dma_start3A_157 = tpu.memref_squeeze %dma_start3A_156 : memref<1x1x128xi32, #tpu.memory_space<vmem>> -> memref<128xi32, #tpu.memory_space<vmem>>
        %dma_start3A_158 = arith.constant 0 : i32
        %dma_start3A_159 = arith.constant 0 : i32
        %dma_start3A_160 = tpu.memref_slice %arg10[%dma_start3A_158, %dma_start3A_159] : memref<5120x128xf32, #tpu.memory_space<vmem_shared>> -> memref<5120x128xf32, #tpu.memory_space<vmem_shared>>
        %dma_start3A_161 = arith.constant -1 : i32
        tpu.enqueue_indirect_dma source(%dma_start3A_154 : memref<128x128xf32, #tpu.memory_space<vmem>>) target(%dma_start3A_160 : memref<5120x128xf32, #tpu.memory_space<vmem_shared>>) offsets(%dma_start3A_157 : memref<128xi32, #tpu.memory_space<vmem>>) offset_filter(%dma_start3A_161) semaphore(%run_scoped3A_150 : memref<!tpu.dma_semaphore, #tpu.memory_space<semaphore_mem>>) {add = true}
        %dma_wait3A_162 = arith.constant 0 : i32
        %dma_wait3A_163 = arith.constant 0 : i32
        %dma_wait3A_164 = tpu.memref_slice %arg8[%run_scoped3A_131, %dma_wait3A_162, %dma_wait3A_163] : memref<2x128x128xf32, #tpu.memory_space<vmem>> -> memref<1x128x128xf32, #tpu.memory_space<vmem>>
        %dma_wait3A_165 = tpu.memref_squeeze %dma_wait3A_164 : memref<1x128x128xf32, #tpu.memory_space<vmem>> -> memref<128x128xf32, #tpu.memory_space<vmem>>
        %dma_wait3A_166 = arith.constant 0 : i32
        %dma_wait3A_167 = tpu.memref_slice %arg7[%add3A_130, %run_scoped3A_132, %dma_wait3A_166] : memref<158x1x128xi32, #tpu.memory_space<vmem>> -> memref<1x1x128xi32, #tpu.memory_space<vmem>>
        %dma_wait3A_168 = tpu.memref_squeeze %dma_wait3A_167 : memref<1x1x128xi32, #tpu.memory_space<vmem>> -> memref<128xi32, #tpu.memory_space<vmem>>
        %dma_wait3A_169 = arith.constant 0 : i32
        %dma_wait3A_170 = arith.constant 0 : i32
        %dma_wait3A_171 = tpu.memref_slice %arg10[%dma_wait3A_169, %dma_wait3A_170] : memref<5120x128xf32, #tpu.memory_space<vmem_shared>> -> memref<5120x128xf32, #tpu.memory_space<vmem_shared>>
        tpu.wait_indirect_dma semaphore(%run_scoped3A_150 : memref<!tpu.dma_semaphore, #tpu.memory_space<semaphore_mem>>) src(%dma_wait3A_165 : memref<128x128xf32, #tpu.memory_space<vmem>>) dst(%dma_wait3A_171 : memref<5120x128xf32, #tpu.memory_space<vmem_shared>>)
        tpu.yield
      }) : () -> ()
      %add3A_133 = arith.constant 1 : i32
      %add3A_134 = arith.addi %add3A_79, %add3A_133 : i32
      %add3A_135 = arith.constant 2 : i32
      %add3A_136 = arith.addi %add3A_134, %add3A_135 : i32
      %dma_start3A_137 = arith.constant 0 : i32
      %dma_start3A_138 = arith.constant 1 : i32
      %dma_start3A_139 = arith.constant 0 : i32
      %dma_start3A_140 = arith.constant 0 : i32
      %dma_start3A_141 = tpu.memref_slice %arg8[%dma_start3A_138, %dma_start3A_139, %dma_start3A_140] : memref<2x128x128xf32, #tpu.memory_space<vmem>> -> memref<1x128x128xf32, #tpu.memory_space<vmem>>
      %dma_start3A_142 = tpu.memref_squeeze %dma_start3A_141 : memref<1x128x128xf32, #tpu.memory_space<vmem>> -> memref<128x128xf32, #tpu.memory_space<vmem>>
      %dma_start3A_143 = arith.constant 0 : i32
      %dma_start3A_144 = tpu.memref_slice %arg6[%add3A_136, %dma_start3A_137, %dma_start3A_143] : memref<158x1x128xi32, #tpu.memory_space<vmem>> -> memref<1x1x128xi32, #tpu.memory_space<vmem>>
      %dma_start3A_145 = tpu.memref_squeeze %dma_start3A_144 : memref<1x1x128xi32, #tpu.memory_space<vmem>> -> memref<128xi32, #tpu.memory_space<vmem>>
      %dma_start3A_146 = arith.constant 0 : i32
      %dma_start3A_147 = arith.constant 0 : i32
      %dma_start3A_148 = tpu.memref_slice %arg2[%dma_start3A_146, %dma_start3A_147] : memref<10000x128xf32, #tpu.memory_space<hbm>> -> memref<10000x128xf32, #tpu.memory_space<hbm>>
      %dma_start3A_149 = arith.constant -1 : i32
      tpu.enqueue_indirect_dma source(%dma_start3A_148 : memref<10000x128xf32, #tpu.memory_space<hbm>>) target(%dma_start3A_142 : memref<128x128xf32, #tpu.memory_space<vmem>>) offsets(%dma_start3A_145 : memref<128xi32, #tpu.memory_space<vmem>>) offset_filter(%dma_start3A_149) semaphore(%arg11 : memref<!tpu.dma_semaphore, #tpu.memory_space<semaphore_mem>>)
    }
    %scan3A_44 = arith.constant 78 : i32
    %dma_wait3A = arith.constant 156 : i32
    %dma_wait3A_45 = arith.constant 0 : i32
    %dma_wait3A_46 = arith.constant 0 : i32
    %dma_wait3A_47 = arith.constant 0 : i32
    %dma_wait3A_48 = arith.constant 0 : i32
    %dma_wait3A_49 = tpu.memref_slice %arg8[%dma_wait3A_46, %dma_wait3A_47, %dma_wait3A_48] : memref<2x128x128xf32, #tpu.memory_space<vmem>> -> memref<1x128x128xf32, #tpu.memory_space<vmem>>
    %dma_wait3A_50 = tpu.memref_squeeze %dma_wait3A_49 : memref<1x128x128xf32, #tpu.memory_space<vmem>> -> memref<128x128xf32, #tpu.memory_space<vmem>>
    %dma_wait3A_51 = arith.constant 0 : i32
    %dma_wait3A_52 = tpu.memref_slice %arg6[%dma_wait3A, %dma_wait3A_45, %dma_wait3A_51] : memref<158x1x128xi32, #tpu.memory_space<vmem>> -> memref<1x1x128xi32, #tpu.memory_space<vmem>>
    %dma_wait3A_53 = tpu.memref_squeeze %dma_wait3A_52 : memref<1x1x128xi32, #tpu.memory_space<vmem>> -> memref<128xi32, #tpu.memory_space<vmem>>
    %dma_wait3A_54 = arith.constant 0 : i32
    %dma_wait3A_55 = arith.constant 0 : i32
    %dma_wait3A_56 = tpu.memref_slice %arg2[%dma_wait3A_54, %dma_wait3A_55] : memref<10000x128xf32, #tpu.memory_space<hbm>> -> memref<10000x128xf32, #tpu.memory_space<hbm>>
    tpu.wait_indirect_dma semaphore(%arg11 : memref<!tpu.dma_semaphore, #tpu.memory_space<semaphore_mem>>) src(%dma_wait3A_56 : memref<10000x128xf32, #tpu.memory_space<hbm>>) dst(%dma_wait3A_50 : memref<128x128xf32, #tpu.memory_space<vmem>>)
    %run_scoped3A = arith.constant 0 : i32
    %run_scoped3A_57 = arith.constant 156 : i32
    %run_scoped3A_58 = arith.constant 0 : i32
    "tpu.region"() ({
      %run_scoped3A_76 = tpu.sem_alloc : memref<!tpu.dma_semaphore, #tpu.memory_space<semaphore_mem>>
      %dma_start3A_77 = arith.constant 0 : i32
      %dma_start3A_78 = arith.constant 0 : i32
      %dma_start3A_79 = tpu.memref_slice %arg8[%run_scoped3A, %dma_start3A_77, %dma_start3A_78] : memref<2x128x128xf32, #tpu.memory_space<vmem>> -> memref<1x128x128xf32, #tpu.memory_space<vmem>>
      %dma_start3A_80 = tpu.memref_squeeze %dma_start3A_79 : memref<1x128x128xf32, #tpu.memory_space<vmem>> -> memref<128x128xf32, #tpu.memory_space<vmem>>
      %dma_start3A_81 = arith.constant 0 : i32
      %dma_start3A_82 = tpu.memref_slice %arg7[%run_scoped3A_57, %run_scoped3A_58, %dma_start3A_81] : memref<158x1x128xi32, #tpu.memory_space<vmem>> -> memref<1x1x128xi32, #tpu.memory_space<vmem>>
      %dma_start3A_83 = tpu.memref_squeeze %dma_start3A_82 : memref<1x1x128xi32, #tpu.memory_space<vmem>> -> memref<128xi32, #tpu.memory_space<vmem>>
      %dma_start3A_84 = arith.constant 0 : i32
      %dma_start3A_85 = arith.constant 0 : i32
      %dma_start3A_86 = tpu.memref_slice %arg10[%dma_start3A_84, %dma_start3A_85] : memref<5120x128xf32, #tpu.memory_space<vmem_shared>> -> memref<5120x128xf32, #tpu.memory_space<vmem_shared>>
      %dma_start3A_87 = arith.constant -1 : i32
      tpu.enqueue_indirect_dma source(%dma_start3A_80 : memref<128x128xf32, #tpu.memory_space<vmem>>) target(%dma_start3A_86 : memref<5120x128xf32, #tpu.memory_space<vmem_shared>>) offsets(%dma_start3A_83 : memref<128xi32, #tpu.memory_space<vmem>>) offset_filter(%dma_start3A_87) semaphore(%run_scoped3A_76 : memref<!tpu.dma_semaphore, #tpu.memory_space<semaphore_mem>>) {add = true}
      %dma_wait3A_88 = arith.constant 0 : i32
      %dma_wait3A_89 = arith.constant 0 : i32
      %dma_wait3A_90 = tpu.memref_slice %arg8[%run_scoped3A, %dma_wait3A_88, %dma_wait3A_89] : memref<2x128x128xf32, #tpu.memory_space<vmem>> -> memref<1x128x128xf32, #tpu.memory_space<vmem>>
      %dma_wait3A_91 = tpu.memref_squeeze %dma_wait3A_90 : memref<1x128x128xf32, #tpu.memory_space<vmem>> -> memref<128x128xf32, #tpu.memory_space<vmem>>
      %dma_wait3A_92 = arith.constant 0 : i32
      %dma_wait3A_93 = tpu.memref_slice %arg7[%run_scoped3A_57, %run_scoped3A_58, %dma_wait3A_92] : memref<158x1x128xi32, #tpu.memory_space<vmem>> -> memref<1x1x128xi32, #tpu.memory_space<vmem>>
      %dma_wait3A_94 = tpu.memref_squeeze %dma_wait3A_93 : memref<1x1x128xi32, #tpu.memory_space<vmem>> -> memref<128xi32, #tpu.memory_space<vmem>>
      %dma_wait3A_95 = arith.constant 0 : i32
      %dma_wait3A_96 = arith.constant 0 : i32
      %dma_wait3A_97 = tpu.memref_slice %arg10[%dma_wait3A_95, %dma_wait3A_96] : memref<5120x128xf32, #tpu.memory_space<vmem_shared>> -> memref<5120x128xf32, #tpu.memory_space<vmem_shared>>
      tpu.wait_indirect_dma semaphore(%run_scoped3A_76 : memref<!tpu.dma_semaphore, #tpu.memory_space<semaphore_mem>>) src(%dma_wait3A_91 : memref<128x128xf32, #tpu.memory_space<vmem>>) dst(%dma_wait3A_97 : memref<5120x128xf32, #tpu.memory_space<vmem_shared>>)
      tpu.yield
    }) : () -> ()
    %dma_wait3A_59 = arith.constant 157 : i32
    %dma_wait3A_60 = arith.constant 0 : i32
    %dma_wait3A_61 = arith.constant 1 : i32
    %dma_wait3A_62 = arith.constant 0 : i32
    %dma_wait3A_63 = arith.constant 0 : i32
    %dma_wait3A_64 = tpu.memref_slice %arg8[%dma_wait3A_61, %dma_wait3A_62, %dma_wait3A_63] : memref<2x128x128xf32, #tpu.memory_space<vmem>> -> memref<1x128x128xf32, #tpu.memory_space<vmem>>
    %dma_wait3A_65 = tpu.memref_squeeze %dma_wait3A_64 : memref<1x128x128xf32, #tpu.memory_space<vmem>> -> memref<128x128xf32, #tpu.memory_space<vmem>>
    %dma_wait3A_66 = arith.constant 0 : i32
    %dma_wait3A_67 = tpu.memref_slice %arg6[%dma_wait3A_59, %dma_wait3A_60, %dma_wait3A_66] : memref<158x1x128xi32, #tpu.memory_space<vmem>> -> memref<1x1x128xi32, #tpu.memory_space<vmem>>
    %dma_wait3A_68 = tpu.memref_squeeze %dma_wait3A_67 : memref<1x1x128xi32, #tpu.memory_space<vmem>> -> memref<128xi32, #tpu.memory_space<vmem>>
    %dma_wait3A_69 = arith.constant 0 : i32
    %dma_wait3A_70 = arith.constant 0 : i32
    %dma_wait3A_71 = tpu.memref_slice %arg2[%dma_wait3A_69, %dma_wait3A_70] : memref<10000x128xf32, #tpu.memory_space<hbm>> -> memref<10000x128xf32, #tpu.memory_space<hbm>>
    tpu.wait_indirect_dma semaphore(%arg11 : memref<!tpu.dma_semaphore, #tpu.memory_space<semaphore_mem>>) src(%dma_wait3A_71 : memref<10000x128xf32, #tpu.memory_space<hbm>>) dst(%dma_wait3A_65 : memref<128x128xf32, #tpu.memory_space<vmem>>)
    %run_scoped3A_72 = arith.constant 1 : i32
    %run_scoped3A_73 = arith.constant 157 : i32
    %run_scoped3A_74 = arith.constant 0 : i32
    "tpu.region"() ({
      %run_scoped3A_76 = tpu.sem_alloc : memref<!tpu.dma_semaphore, #tpu.memory_space<semaphore_mem>>
      %dma_start3A_77 = arith.constant 0 : i32
      %dma_start3A_78 = arith.constant 0 : i32
      %dma_start3A_79 = tpu.memref_slice %arg8[%run_scoped3A_72, %dma_start3A_77, %dma_start3A_78] : memref<2x128x128xf32, #tpu.memory_space<vmem>> -> memref<1x128x128xf32, #tpu.memory_space<vmem>>
      %dma_start3A_80 = tpu.memref_squeeze %dma_start3A_79 : memref<1x128x128xf32, #tpu.memory_space<vmem>> -> memref<128x128xf32, #tpu.memory_space<vmem>>
      %dma_start3A_81 = arith.constant 0 : i32
      %dma_start3A_82 = tpu.memref_slice %arg7[%run_scoped3A_73, %run_scoped3A_74, %dma_start3A_81] : memref<158x1x128xi32, #tpu.memory_space<vmem>> -> memref<1x1x128xi32, #tpu.memory_space<vmem>>
      %dma_start3A_83 = tpu.memref_squeeze %dma_start3A_82 : memref<1x1x128xi32, #tpu.memory_space<vmem>> -> memref<128xi32, #tpu.memory_space<vmem>>
      %dma_start3A_84 = arith.constant 0 : i32
      %dma_start3A_85 = arith.constant 0 : i32
      %dma_start3A_86 = tpu.memref_slice %arg10[%dma_start3A_84, %dma_start3A_85] : memref<5120x128xf32, #tpu.memory_space<vmem_shared>> -> memref<5120x128xf32, #tpu.memory_space<vmem_shared>>
      %dma_start3A_87 = arith.constant -1 : i32
      tpu.enqueue_indirect_dma source(%dma_start3A_80 : memref<128x128xf32, #tpu.memory_space<vmem>>) target(%dma_start3A_86 : memref<5120x128xf32, #tpu.memory_space<vmem_shared>>) offsets(%dma_start3A_83 : memref<128xi32, #tpu.memory_space<vmem>>) offset_filter(%dma_start3A_87) semaphore(%run_scoped3A_76 : memref<!tpu.dma_semaphore, #tpu.memory_space<semaphore_mem>>) {add = true}
      %dma_wait3A_88 = arith.constant 0 : i32
      %dma_wait3A_89 = arith.constant 0 : i32
      %dma_wait3A_90 = tpu.memref_slice %arg8[%run_scoped3A_72, %dma_wait3A_88, %dma_wait3A_89] : memref<2x128x128xf32, #tpu.memory_space<vmem>> -> memref<1x128x128xf32, #tpu.memory_space<vmem>>
      %dma_wait3A_91 = tpu.memref_squeeze %dma_wait3A_90 : memref<1x128x128xf32, #tpu.memory_space<vmem>> -> memref<128x128xf32, #tpu.memory_space<vmem>>
      %dma_wait3A_92 = arith.constant 0 : i32
      %dma_wait3A_93 = tpu.memref_slice %arg7[%run_scoped3A_73, %run_scoped3A_74, %dma_wait3A_92] : memref<158x1x128xi32, #tpu.memory_space<vmem>> -> memref<1x1x128xi32, #tpu.memory_space<vmem>>
      %dma_wait3A_94 = tpu.memref_squeeze %dma_wait3A_93 : memref<1x1x128xi32, #tpu.memory_space<vmem>> -> memref<128xi32, #tpu.memory_space<vmem>>
      %dma_wait3A_95 = arith.constant 0 : i32
      %dma_wait3A_96 = arith.constant 0 : i32
      %dma_wait3A_97 = tpu.memref_slice %arg10[%dma_wait3A_95, %dma_wait3A_96] : memref<5120x128xf32, #tpu.memory_space<vmem_shared>> -> memref<5120x128xf32, #tpu.memory_space<vmem_shared>>
      tpu.wait_indirect_dma semaphore(%run_scoped3A_76 : memref<!tpu.dma_semaphore, #tpu.memory_space<semaphore_mem>>) src(%dma_wait3A_91 : memref<128x128xf32, #tpu.memory_space<vmem>>) dst(%dma_wait3A_97 : memref<5120x128xf32, #tpu.memory_space<vmem_shared>>)
      tpu.yield
    }) : () -> ()
    %barrier3A_75 = arith.constant 0 : index
    tpu.barrier barrier_id(%barrier3A_75)
    "tpu.region"() ({
      %run_scoped3A_76 = tpu.sem_alloc : memref<!tpu.dma_semaphore, #tpu.memory_space<semaphore_mem>>
      %dma_start3A_77 = arith.constant 0 : i32
      %dma_start3A_78 = tpu.memref_slice %arg5[%arg0, %mul3A_7, %dma_start3A_77] : memref<2x5120x128xf32, #tpu.memory_space<hbm>> -> memref<1x320x128xf32, #tpu.memory_space<hbm>>
      %dma_start3A_79 = tpu.memref_squeeze %dma_start3A_78 : memref<1x320x128xf32, #tpu.memory_space<hbm>> -> memref<320x128xf32, #tpu.memory_space<hbm>>
      %dma_start3A_80 = arith.constant 0 : i32
      %dma_start3A_81 = tpu.memref_slice %arg10[%mul3A_7, %dma_start3A_80] : memref<5120x128xf32, #tpu.memory_space<vmem_shared>> -> memref<320x128xf32, #tpu.memory_space<vmem_shared>>
      tpu.enqueue_dma source(%dma_start3A_81 : memref<320x128xf32, #tpu.memory_space<vmem_shared>>) target(%dma_start3A_79 : memref<320x128xf32, #tpu.memory_space<hbm>>) target_semaphore(%run_scoped3A_76 : memref<!tpu.dma_semaphore, #tpu.memory_space<semaphore_mem>>)
      %dma_wait3A_82 = arith.constant 0 : i32
      %dma_wait3A_83 = tpu.memref_slice %arg5[%arg0, %mul3A_7, %dma_wait3A_82] : memref<2x5120x128xf32, #tpu.memory_space<hbm>> -> memref<1x320x128xf32, #tpu.memory_space<hbm>>
      %dma_wait3A_84 = tpu.memref_squeeze %dma_wait3A_83 : memref<1x320x128xf32, #tpu.memory_space<hbm>> -> memref<320x128xf32, #tpu.memory_space<hbm>>
      %dma_wait3A_85 = arith.constant 0 : i32
      %dma_wait3A_86 = tpu.memref_slice %arg10[%mul3A_7, %dma_wait3A_85] : memref<5120x128xf32, #tpu.memory_space<vmem_shared>> -> memref<320x128xf32, #tpu.memory_space<vmem_shared>>
      tpu.wait_dma2 semaphore(%run_scoped3A_76 : memref<!tpu.dma_semaphore, #tpu.memory_space<semaphore_mem>>) src(%dma_wait3A_86 : memref<320x128xf32, #tpu.memory_space<vmem_shared>>) dst(%dma_wait3A_84 : memref<320x128xf32, #tpu.memory_space<hbm>>)
      tpu.yield
    }) : () -> ()
    return
  }
}

#map = affine_map<(d0, d1) -> (0, 0)>
#map1 = affine_map<(d0, d1) -> (0, 0, 0, 0)>
#map2 = affine_map<(d0, d1) -> (0, 0, 0)>
module attributes {stable_mosaic.version = 14 : i64} {
  func.func @agg_kernel(%arg0: i32, %arg1: i32, %arg2: memref<10000x128xf32, #tpu.memory_space<hbm>>, %arg3: memref<2x2528x1x128xi32, #tpu.memory_space<hbm>>, %arg4: memref<2x2528x1x128xi32, #tpu.memory_space<hbm>>, %arg5: memref<2x5120x128xf32, #tpu.memory_space<hbm>>, %arg6: memref<158x1x128xi32, #tpu.memory_space<vmem>>, %arg7: memref<158x1x128xi32, #tpu.memory_space<vmem>>, %arg8: memref<2x128x128xf32, #tpu.memory_space<vmem>>, %arg9: memref<32x128xf32, #tpu.memory_space<vmem>>, %arg10: memref<5120x128xf32, #tpu.memory_space<vmem_shared>>, %arg11: memref<!tpu.dma_semaphore, #tpu.memory_space<semaphore_mem>>) attributes {dimension_semantics = [#tpu.dimension_semantics<core_parallel>, #tpu.dimension_semantics<subcore_parallel>], iteration_bounds = array<i64: 2, 16>, scalar_prefetch = 0 : i64, scratch_operands = 6 : i64, tpu.core_type = #tpu.core_type<sc_vector_subcore>, window_params = [{transform_indices = #map}, {transform_indices = #map1}, {transform_indices = #map1}, {transform_indices = #map2}]} {
    %mul3A = arith.constant 158 : i32
    %mul3A_0 = arith.muli %arg1, %mul3A : i32
    "tpu.region"() ({
      %run_scoped3A_76 = tpu.sem_alloc : memref<!tpu.dma_semaphore, #tpu.memory_space<semaphore_mem>>
      %dma_start3A_77 = arith.constant 0 : i32
      %dma_start3A_78 = arith.constant 0 : i32
      %dma_start3A_79 = tpu.memref_slice %arg3[%arg0, %mul3A_0, %dma_start3A_77, %dma_start3A_78] : memref<2x2528x1x128xi32, #tpu.memory_space<hbm>> -> memref<1x158x1x128xi32, #tpu.memory_space<hbm>>
      %dma_start3A_80 = tpu.memref_squeeze %dma_start3A_79 : memref<1x158x1x128xi32, #tpu.memory_space<hbm>> -> memref<158x1x128xi32, #tpu.memory_space<hbm>>
      %dma_start3A_81 = arith.constant 0 : i32
      %dma_start3A_82 = arith.constant 0 : i32
      %dma_start3A_83 = tpu.memref_slice %arg3[%arg0, %mul3A_0, %dma_start3A_81, %dma_start3A_82] : memref<2x2528x1x128xi32, #tpu.memory_space<hbm>> -> memref<1x158x1x128xi32, #tpu.memory_space<hbm>>
      %dma_start3A_84 = tpu.memref_squeeze %dma_start3A_83 : memref<1x158x1x128xi32, #tpu.memory_space<hbm>> -> memref<158x1x128xi32, #tpu.memory_space<hbm>>
      tpu.enqueue_dma source(%dma_start3A_84 : memref<158x1x128xi32, #tpu.memory_space<hbm>>) target(%arg6 : memref<158x1x128xi32, #tpu.memory_space<vmem>>) target_semaphore(%run_scoped3A_76 : memref<!tpu.dma_semaphore, #tpu.memory_space<semaphore_mem>>)
      %dma_wait3A_85 = arith.constant 0 : i32
      %dma_wait3A_86 = arith.constant 0 : i32
      %dma_wait3A_87 = tpu.memref_slice %arg3[%arg0, %mul3A_0, %dma_wait3A_85, %dma_wait3A_86] : memref<2x2528x1x128xi32, #tpu.memory_space<hbm>> -> memref<1x158x1x128xi32, #tpu.memory_space<hbm>>
      %dma_wait3A_88 = tpu.memref_squeeze %dma_wait3A_87 : memref<1x158x1x128xi32, #tpu.memory_space<hbm>> -> memref<158x1x128xi32, #tpu.memory_space<hbm>>
      %dma_wait3A_89 = arith.constant 0 : i32
      %dma_wait3A_90 = arith.constant 0 : i32
      %dma_wait3A_91 = tpu.memref_slice %arg3[%arg0, %mul3A_0, %dma_wait3A_89, %dma_wait3A_90] : memref<2x2528x1x128xi32, #tpu.memory_space<hbm>> -> memref<1x158x1x128xi32, #tpu.memory_space<hbm>>
      %dma_wait3A_92 = tpu.memref_squeeze %dma_wait3A_91 : memref<1x158x1x128xi32, #tpu.memory_space<hbm>> -> memref<158x1x128xi32, #tpu.memory_space<hbm>>
      tpu.wait_dma2 semaphore(%run_scoped3A_76 : memref<!tpu.dma_semaphore, #tpu.memory_space<semaphore_mem>>) src(%dma_wait3A_92 : memref<158x1x128xi32, #tpu.memory_space<hbm>>) dst(%arg6 : memref<158x1x128xi32, #tpu.memory_space<vmem>>)
      tpu.yield
    }) : () -> ()
    "tpu.region"() ({
      %run_scoped3A_76 = tpu.sem_alloc : memref<!tpu.dma_semaphore, #tpu.memory_space<semaphore_mem>>
      %dma_start3A_77 = arith.constant 0 : i32
      %dma_start3A_78 = arith.constant 0 : i32
      %dma_start3A_79 = tpu.memref_slice %arg4[%arg0, %mul3A_0, %dma_start3A_77, %dma_start3A_78] : memref<2x2528x1x128xi32, #tpu.memory_space<hbm>> -> memref<1x158x1x128xi32, #tpu.memory_space<hbm>>
      %dma_start3A_80 = tpu.memref_squeeze %dma_start3A_79 : memref<1x158x1x128xi32, #tpu.memory_space<hbm>> -> memref<158x1x128xi32, #tpu.memory_space<hbm>>
      %dma_start3A_81 = arith.constant 0 : i32
      %dma_start3A_82 = arith.constant 0 : i32
      %dma_start3A_83 = tpu.memref_slice %arg4[%arg0, %mul3A_0, %dma_start3A_81, %dma_start3A_82] : memref<2x2528x1x128xi32, #tpu.memory_space<hbm>> -> memref<1x158x1x128xi32, #tpu.memory_space<hbm>>
      %dma_start3A_84 = tpu.memref_squeeze %dma_start3A_83 : memref<1x158x1x128xi32, #tpu.memory_space<hbm>> -> memref<158x1x128xi32, #tpu.memory_space<hbm>>
      tpu.enqueue_dma source(%dma_start3A_84 : memref<158x1x128xi32, #tpu.memory_space<hbm>>) target(%arg7 : memref<158x1x128xi32, #tpu.memory_space<vmem>>) target_semaphore(%run_scoped3A_76 : memref<!tpu.dma_semaphore, #tpu.memory_space<semaphore_mem>>)
      %dma_wait3A_85 = arith.constant 0 : i32
      %dma_wait3A_86 = arith.constant 0 : i32
      %dma_wait3A_87 = tpu.memref_slice %arg4[%arg0, %mul3A_0, %dma_wait3A_85, %dma_wait3A_86] : memref<2x2528x1x128xi32, #tpu.memory_space<hbm>> -> memref<1x158x1x128xi32, #tpu.memory_space<hbm>>
      %dma_wait3A_88 = tpu.memref_squeeze %dma_wait3A_87 : memref<1x158x1x128xi32, #tpu.memory_space<hbm>> -> memref<158x1x128xi32, #tpu.memory_space<hbm>>
      %dma_wait3A_89 = arith.constant 0 : i32
      %dma_wait3A_90 = arith.constant 0 : i32
      %dma_wait3A_91 = tpu.memref_slice %arg4[%arg0, %mul3A_0, %dma_wait3A_89, %dma_wait3A_90] : memref<2x2528x1x128xi32, #tpu.memory_space<hbm>> -> memref<1x158x1x128xi32, #tpu.memory_space<hbm>>
      %dma_wait3A_92 = tpu.memref_squeeze %dma_wait3A_91 : memref<1x158x1x128xi32, #tpu.memory_space<hbm>> -> memref<158x1x128xi32, #tpu.memory_space<hbm>>
      tpu.wait_dma2 semaphore(%run_scoped3A_76 : memref<!tpu.dma_semaphore, #tpu.memory_space<semaphore_mem>>) src(%dma_wait3A_92 : memref<158x1x128xi32, #tpu.memory_space<hbm>>) dst(%arg7 : memref<158x1x128xi32, #tpu.memory_space<vmem>>)
      tpu.yield
    }) : () -> ()
    %broadcast_in_dim3A = arith.constant 0.000000e+00 : f32
    %broadcast_in_dim3A_1 = vector.broadcast %broadcast_in_dim3A : f32 to vector<16xf32>
    %scan3A = arith.constant 0 : i32
    %scan3A_2 = arith.constant 32 : i32
    %scan3A_3 = arith.addi %scan3A, %scan3A_2 : i32
    %scan3A_4 = arith.constant 1 : i32
    scf.for %scan3A_76 = %scan3A to %scan3A_3 step %scan3A_4  : i32 {
      %mul3A_77 = arith.constant 1 : i32
      %mul3A_78 = arith.muli %scan3A_76, %mul3A_77 : i32
      %add3A = arith.constant 0 : i32
      %add3A_79 = arith.addi %add3A, %mul3A_78 : i32
      %swap3A = arith.index_cast %add3A_79 : i32 to index
      %swap3A_80 = arith.constant 0 : index
      %swap3A_81 = tpu.vector_load %arg9[%swap3A, %swap3A_80] {strides = array<i32>} : memref<32x128xf32, #tpu.memory_space<vmem>>, vector<1x16xf32>,
      %swap3A_82 = vector.shape_cast %swap3A_81 : vector<1x16xf32> to vector<16xf32>
      %swap3A_83 = vector.shape_cast %broadcast_in_dim3A_1 : vector<16xf32> to vector<1x16xf32>
      tpu.vector_store %arg9[%swap3A, %swap3A_80], %swap3A_83 {strides = array<i32>} : memref<32x128xf32, #tpu.memory_space<vmem>>, vector<1x16xf32>,
      %swap3A_84 = arith.index_cast %add3A_79 : i32 to index
      %swap3A_85 = arith.constant 16 : index
      %swap3A_86 = tpu.vector_load %arg9[%swap3A_84, %swap3A_85] {strides = array<i32>} : memref<32x128xf32, #tpu.memory_space<vmem>>, vector<1x16xf32>,
      %swap3A_87 = vector.shape_cast %swap3A_86 : vector<1x16xf32> to vector<16xf32>
      %swap3A_88 = vector.shape_cast %broadcast_in_dim3A_1 : vector<16xf32> to vector<1x16xf32>
      tpu.vector_store %arg9[%swap3A_84, %swap3A_85], %swap3A_88 {strides = array<i32>} : memref<32x128xf32, #tpu.memory_space<vmem>>, vector<1x16xf32>,
      %swap3A_89 = arith.index_cast %add3A_79 : i32 to index
      %swap3A_90 = arith.constant 32 : index
      %swap3A_91 = tpu.vector_load %arg9[%swap3A_89, %swap3A_90] {strides = array<i32>} : memref<32x128xf32, #tpu.memory_space<vmem>>, vector<1x16xf32>,
      %swap3A_92 = vector.shape_cast %swap3A_91 : vector<1x16xf32> to vector<16xf32>
      %swap3A_93 = vector.shape_cast %broadcast_in_dim3A_1 : vector<16xf32> to vector<1x16xf32>
      tpu.vector_store %arg9[%swap3A_89, %swap3A_90], %swap3A_93 {strides = array<i32>} : memref<32x128xf32, #tpu.memory_space<vmem>>, vector<1x16xf32>,
      %swap3A_94 = arith.index_cast %add3A_79 : i32 to index
      %swap3A_95 = arith.constant 48 : index
      %swap3A_96 = tpu.vector_load %arg9[%swap3A_94, %swap3A_95] {strides = array<i32>} : memref<32x128xf32, #tpu.memory_space<vmem>>, vector<1x16xf32>,
      %swap3A_97 = vector.shape_cast %swap3A_96 : vector<1x16xf32> to vector<16xf32>
      %swap3A_98 = vector.shape_cast %broadcast_in_dim3A_1 : vector<16xf32> to vector<1x16xf32>
      tpu.vector_store %arg9[%swap3A_94, %swap3A_95], %swap3A_98 {strides = array<i32>} : memref<32x128xf32, #tpu.memory_space<vmem>>, vector<1x16xf32>,
      %swap3A_99 = arith.index_cast %add3A_79 : i32 to index
      %swap3A_100 = arith.constant 64 : index
      %swap3A_101 = tpu.vector_load %arg9[%swap3A_99, %swap3A_100] {strides = array<i32>} : memref<32x128xf32, #tpu.memory_space<vmem>>, vector<1x16xf32>,
      %swap3A_102 = vector.shape_cast %swap3A_101 : vector<1x16xf32> to vector<16xf32>
      %swap3A_103 = vector.shape_cast %broadcast_in_dim3A_1 : vector<16xf32> to vector<1x16xf32>
      tpu.vector_store %arg9[%swap3A_99, %swap3A_100], %swap3A_103 {strides = array<i32>} : memref<32x128xf32, #tpu.memory_space<vmem>>, vector<1x16xf32>,
      %swap3A_104 = arith.index_cast %add3A_79 : i32 to index
      %swap3A_105 = arith.constant 80 : index
      %swap3A_106 = tpu.vector_load %arg9[%swap3A_104, %swap3A_105] {strides = array<i32>} : memref<32x128xf32, #tpu.memory_space<vmem>>, vector<1x16xf32>,
      %swap3A_107 = vector.shape_cast %swap3A_106 : vector<1x16xf32> to vector<16xf32>
      %swap3A_108 = vector.shape_cast %broadcast_in_dim3A_1 : vector<16xf32> to vector<1x16xf32>
      tpu.vector_store %arg9[%swap3A_104, %swap3A_105], %swap3A_108 {strides = array<i32>} : memref<32x128xf32, #tpu.memory_space<vmem>>, vector<1x16xf32>,
      %swap3A_109 = arith.index_cast %add3A_79 : i32 to index
      %swap3A_110 = arith.constant 96 : index
      %swap3A_111 = tpu.vector_load %arg9[%swap3A_109, %swap3A_110] {strides = array<i32>} : memref<32x128xf32, #tpu.memory_space<vmem>>, vector<1x16xf32>,
      %swap3A_112 = vector.shape_cast %swap3A_111 : vector<1x16xf32> to vector<16xf32>
      %swap3A_113 = vector.shape_cast %broadcast_in_dim3A_1 : vector<16xf32> to vector<1x16xf32>
      tpu.vector_store %arg9[%swap3A_109, %swap3A_110], %swap3A_113 {strides = array<i32>} : memref<32x128xf32, #tpu.memory_space<vmem>>, vector<1x16xf32>,
      %swap3A_114 = arith.index_cast %add3A_79 : i32 to index
      %swap3A_115 = arith.constant 112 : index
      %swap3A_116 = tpu.vector_load %arg9[%swap3A_114, %swap3A_115] {strides = array<i32>} : memref<32x128xf32, #tpu.memory_space<vmem>>, vector<1x16xf32>,
      %swap3A_117 = vector.shape_cast %swap3A_116 : vector<1x16xf32> to vector<16xf32>
      %swap3A_118 = vector.shape_cast %broadcast_in_dim3A_1 : vector<16xf32> to vector<1x16xf32>
      tpu.vector_store %arg9[%swap3A_114, %swap3A_115], %swap3A_118 {strides = array<i32>} : memref<32x128xf32, #tpu.memory_space<vmem>>, vector<1x16xf32>,
    }
    %scan3A_5 = arith.constant 32 : i32
    %mul3A_6 = arith.constant 320 : i32
    %mul3A_7 = arith.muli %arg1, %mul3A_6 : i32
    %scan3A_8 = arith.constant 0 : i32
    %scan3A_9 = arith.constant 10 : i32
    %scan3A_10 = arith.addi %scan3A_8, %scan3A_9 : i32
    %scan3A_11 = arith.constant 1 : i32
    scf.for %scan3A_76 = %scan3A_8 to %scan3A_10 step %scan3A_11  : i32 {
      %mul3A_77 = arith.constant 1 : i32
      %mul3A_78 = arith.muli %scan3A_76, %mul3A_77 : i32
      %add3A = arith.constant 0 : i32
      %add3A_79 = arith.addi %add3A, %mul3A_78 : i32
      %mul3A_80 = arith.constant 32 : i32
      %mul3A_81 = arith.muli %add3A_79, %mul3A_80 : i32
      %add3A_82 = arith.addi %mul3A_7, %mul3A_81 : i32
      "tpu.region"() ({
        %run_scoped3A_83 = tpu.sem_alloc : memref<!tpu.dma_semaphore, #tpu.memory_space<semaphore_mem>>
        %dma_start3A_84 = arith.constant 0 : i32
        %dma_start3A_85 = tpu.memref_slice %arg10[%add3A_82, %dma_start3A_84] : memref<5120x128xf32, #tpu.memory_space<vmem_shared>> -> memref<32x128xf32, #tpu.memory_space<vmem_shared>>
        %dma_start3A_86 = arith.constant 0 : i32
        %dma_start3A_87 = tpu.memref_slice %arg10[%add3A_82, %dma_start3A_86] : memref<5120x128xf32, #tpu.memory_space<vmem_shared>> -> memref<32x128xf32, #tpu.memory_space<vmem_shared>>
        tpu.enqueue_dma source(%arg9 : memref<32x128xf32, #tpu.memory_space<vmem>>) target(%dma_start3A_87 : memref<32x128xf32, #tpu.memory_space<vmem_shared>>) target_semaphore(%run_scoped3A_83 : memref<!tpu.dma_semaphore, #tpu.memory_space<semaphore_mem>>)
        %dma_wait3A_88 = arith.constant 0 : i32
        %dma_wait3A_89 = tpu.memref_slice %arg10[%add3A_82, %dma_wait3A_88] : memref<5120x128xf32, #tpu.memory_space<vmem_shared>> -> memref<32x128xf32, #tpu.memory_space<vmem_shared>>
        %dma_wait3A_90 = arith.constant 0 : i32
        %dma_wait3A_91 = tpu.memref_slice %arg10[%add3A_82, %dma_wait3A_90] : memref<5120x128xf32, #tpu.memory_space<vmem_shared>> -> memref<32x128xf32, #tpu.memory_space<vmem_shared>>
        tpu.wait_dma2 semaphore(%run_scoped3A_83 : memref<!tpu.dma_semaphore, #tpu.memory_space<semaphore_mem>>) src(%arg9 : memref<32x128xf32, #tpu.memory_space<vmem>>) dst(%dma_wait3A_91 : memref<32x128xf32, #tpu.memory_space<vmem_shared>>)
        tpu.yield
      }) : () -> ()
    }
    %scan3A_12 = arith.constant 10 : i32
    %barrier3A = arith.constant 0 : index
    tpu.barrier barrier_id(%barrier3A)
    %dma_start3A = arith.constant 0 : i32
    %dma_start3A_13 = arith.constant 0 : i32
    %dma_start3A_14 = arith.constant 0 : i32
    %dma_start3A_15 = arith.constant 0 : i32
    %dma_start3A_16 = arith.constant 0 : i32
    %dma_start3A_17 = tpu.memref_slice %arg8[%dma_start3A_14, %dma_start3A_15, %dma_start3A_16] : memref<2x128x128xf32, #tpu.memory_space<vmem>> -> memref<1x128x128xf32, #tpu.memory_space<vmem>>
    %dma_start3A_18 = tpu.memref_squeeze %dma_start3A_17 : memref<1x128x128xf32, #tpu.memory_space<vmem>> -> memref<128x128xf32, #tpu.memory_space<vmem>>
    %dma_start3A_19 = arith.constant 0 : i32
    %dma_start3A_20 = tpu.memref_slice %arg6[%dma_start3A, %dma_start3A_13, %dma_start3A_19] : memref<158x1x128xi32, #tpu.memory_space<vmem>> -> memref<1x1x128xi32, #tpu.memory_space<vmem>>
    %dma_start3A_21 = tpu.memref_squeeze %dma_start3A_20 : memref<1x1x128xi32, #tpu.memory_space<vmem>> -> memref<128xi32, #tpu.memory_space<vmem>>
    %dma_start3A_22 = arith.constant 0 : i32
    %dma_start3A_23 = arith.constant 0 : i32
    %dma_start3A_24 = tpu.memref_slice %arg2[%dma_start3A_22, %dma_start3A_23] : memref<10000x128xf32, #tpu.memory_space<hbm>> -> memref<10000x128xf32, #tpu.memory_space<hbm>>
    %dma_start3A_25 = arith.constant -1 : i32
    tpu.enqueue_indirect_dma source(%dma_start3A_24 : memref<10000x128xf32, #tpu.memory_space<hbm>>) target(%dma_start3A_18 : memref<128x128xf32, #tpu.memory_space<vmem>>) offsets(%dma_start3A_21 : memref<128xi32, #tpu.memory_space<vmem>>) offset_filter(%dma_start3A_25) semaphore(%arg11 : memref<!tpu.dma_semaphore, #tpu.memory_space<semaphore_mem>>)
    %dma_start3A_26 = arith.constant 1 : i32
    %dma_start3A_27 = arith.constant 0 : i32
    %dma_start3A_28 = arith.constant 1 : i32
    %dma_start3A_29 = arith.constant 0 : i32
    %dma_start3A_30 = arith.constant 0 : i32
    %dma_start3A_31 = tpu.memref_slice %arg8[%dma_start3A_28, %dma_start3A_29, %dma_start3A_30] : memref<2x128x128xf32, #tpu.memory_space<vmem>> -> memref<1x128x128xf32, #tpu.memory_space<vmem>>
    %dma_start3A_32 = tpu.memref_squeeze %dma_start3A_31 : memref<1x128x128xf32, #tpu.memory_space<vmem>> -> memref<128x128xf32, #tpu.memory_space<vmem>>
    %dma_start3A_33 = arith.constant 0 : i32
    %dma_start3A_34 = tpu.memref_slice %arg6[%dma_start3A_26, %dma_start3A_27, %dma_start3A_33] : memref<158x1x128xi32, #tpu.memory_space<vmem>> -> memref<1x1x128xi32, #tpu.memory_space<vmem>>
    %dma_start3A_35 = tpu.memref_squeeze %dma_start3A_34 : memref<1x1x128xi32, #tpu.memory_space<vmem>> -> memref<128xi32, #tpu.memory_space<vmem>>
    %dma_start3A_36 = arith.constant 0 : i32
    %dma_start3A_37 = arith.constant 0 : i32
    %dma_start3A_38 = tpu.memref_slice %arg2[%dma_start3A_36, %dma_start3A_37] : memref<10000x128xf32, #tpu.memory_space<hbm>> -> memref<10000x128xf32, #tpu.memory_space<hbm>>
    %dma_start3A_39 = arith.constant -1 : i32
    tpu.enqueue_indirect_dma source(%dma_start3A_38 : memref<10000x128xf32, #tpu.memory_space<hbm>>) target(%dma_start3A_32 : memref<128x128xf32, #tpu.memory_space<vmem>>) offsets(%dma_start3A_35 : memref<128xi32, #tpu.memory_space<vmem>>) offset_filter(%dma_start3A_39) semaphore(%arg11 : memref<!tpu.dma_semaphore, #tpu.memory_space<semaphore_mem>>)
    %scan3A_40 = arith.constant 0 : i32
    %scan3A_41 = arith.constant 78 : i32
    %scan3A_42 = arith.addi %scan3A_40, %scan3A_41 : i32
    %scan3A_43 = arith.constant 1 : i32
    scf.for %scan3A_76 = %scan3A_40 to %scan3A_42 step %scan3A_43  : i32 {
      %mul3A_77 = arith.constant 2 : i32
      %mul3A_78 = arith.muli %scan3A_76, %mul3A_77 : i32
      %add3A = arith.constant 0 : i32
      %add3A_79 = arith.addi %add3A, %mul3A_78 : i32
      %add3A_80 = arith.constant 0 : i32
      %add3A_81 = arith.addi %add3A_79, %add3A_80 : i32
      %dma_wait3A_82 = arith.constant 0 : i32
      %dma_wait3A_83 = arith.constant 0 : i32
      %dma_wait3A_84 = arith.constant 0 : i32
      %dma_wait3A_85 = arith.constant 0 : i32
      %dma_wait3A_86 = tpu.memref_slice %arg8[%dma_wait3A_83, %dma_wait3A_84, %dma_wait3A_85] : memref<2x128x128xf32, #tpu.memory_space<vmem>> -> memref<1x128x128xf32, #tpu.memory_space<vmem>>
      %dma_wait3A_87 = tpu.memref_squeeze %dma_wait3A_86 : memref<1x128x128xf32, #tpu.memory_space<vmem>> -> memref<128x128xf32, #tpu.memory_space<vmem>>
      %dma_wait3A_88 = arith.constant 0 : i32
      %dma_wait3A_89 = tpu.memref_slice %arg6[%add3A_81, %dma_wait3A_82, %dma_wait3A_88] : memref<158x1x128xi32, #tpu.memory_space<vmem>> -> memref<1x1x128xi32, #tpu.memory_space<vmem>>
      %dma_wait3A_90 = tpu.memref_squeeze %dma_wait3A_89 : memref<1x1x128xi32, #tpu.memory_space<vmem>> -> memref<128xi32, #tpu.memory_space<vmem>>
      %dma_wait3A_91 = arith.constant 0 : i32
      %dma_wait3A_92 = arith.constant 0 : i32
      %dma_wait3A_93 = tpu.memref_slice %arg2[%dma_wait3A_91, %dma_wait3A_92] : memref<10000x128xf32, #tpu.memory_space<hbm>> -> memref<10000x128xf32, #tpu.memory_space<hbm>>
      tpu.wait_indirect_dma semaphore(%arg11 : memref<!tpu.dma_semaphore, #tpu.memory_space<semaphore_mem>>) src(%dma_wait3A_93 : memref<10000x128xf32, #tpu.memory_space<hbm>>) dst(%dma_wait3A_87 : memref<128x128xf32, #tpu.memory_space<vmem>>)
      %add3A_94 = arith.constant 0 : i32
      %add3A_95 = arith.addi %add3A_79, %add3A_94 : i32
      %run_scoped3A_96 = arith.constant 0 : i32
      %run_scoped3A_97 = arith.constant 0 : i32
      "tpu.region"() ({
        %run_scoped3A_150 = tpu.sem_alloc : memref<!tpu.dma_semaphore, #tpu.memory_space<semaphore_mem>>
        %dma_start3A_151 = arith.constant 0 : i32
        %dma_start3A_152 = arith.constant 0 : i32
        %dma_start3A_153 = tpu.memref_slice %arg8[%run_scoped3A_96, %dma_start3A_151, %dma_start3A_152] : memref<2x128x128xf32, #tpu.memory_space<vmem>> -> memref<1x128x128xf32, #tpu.memory_space<vmem>>
        %dma_start3A_154 = tpu.memref_squeeze %dma_start3A_153 : memref<1x128x128xf32, #tpu.memory_space<vmem>> -> memref<128x128xf32, #tpu.memory_space<vmem>>
        %dma_start3A_155 = arith.constant 0 : i32
        %dma_start3A_156 = tpu.memref_slice %arg7[%add3A_95, %run_scoped3A_97, %dma_start3A_155] : memref<158x1x128xi32, #tpu.memory_space<vmem>> -> memref<1x1x128xi32, #tpu.memory_space<vmem>>
        %dma_start3A_157 = tpu.memref_squeeze %dma_start3A_156 : memref<1x1x128xi32, #tpu.memory_space<vmem>> -> memref<128xi32, #tpu.memory_space<vmem>>
        %dma_start3A_158 = arith.constant 0 : i32
        %dma_start3A_159 = arith.constant 0 : i32
        %dma_start3A_160 = tpu.memref_slice %arg10[%dma_start3A_158, %dma_start3A_159] : memref<5120x128xf32, #tpu.memory_space<vmem_shared>> -> memref<5120x128xf32, #tpu.memory_space<vmem_shared>>
        %dma_start3A_161 = arith.constant -1 : i32
        tpu.enqueue_indirect_dma source(%dma_start3A_154 : memref<128x128xf32, #tpu.memory_space<vmem>>) target(%dma_start3A_160 : memref<5120x128xf32, #tpu.memory_space<vmem_shared>>) offsets(%dma_start3A_157 : memref<128xi32, #tpu.memory_space<vmem>>) offset_filter(%dma_start3A_161) semaphore(%run_scoped3A_150 : memref<!tpu.dma_semaphore, #tpu.memory_space<semaphore_mem>>) {add = true}
        %dma_wait3A_162 = arith.constant 0 : i32
        %dma_wait3A_163 = arith.constant 0 : i32
        %dma_wait3A_164 = tpu.memref_slice %arg8[%run_scoped3A_96, %dma_wait3A_162, %dma_wait3A_163] : memref<2x128x128xf32, #tpu.memory_space<vmem>> -> memref<1x128x128xf32, #tpu.memory_space<vmem>>
        %dma_wait3A_165 = tpu.memref_squeeze %dma_wait3A_164 : memref<1x128x128xf32, #tpu.memory_space<vmem>> -> memref<128x128xf32, #tpu.memory_space<vmem>>
        %dma_wait3A_166 = arith.constant 0 : i32
        %dma_wait3A_167 = tpu.memref_slice %arg7[%add3A_95, %run_scoped3A_97, %dma_wait3A_166] : memref<158x1x128xi32, #tpu.memory_space<vmem>> -> memref<1x1x128xi32, #tpu.memory_space<vmem>>
        %dma_wait3A_168 = tpu.memref_squeeze %dma_wait3A_167 : memref<1x1x128xi32, #tpu.memory_space<vmem>> -> memref<128xi32, #tpu.memory_space<vmem>>
        %dma_wait3A_169 = arith.constant 0 : i32
        %dma_wait3A_170 = arith.constant 0 : i32
        %dma_wait3A_171 = tpu.memref_slice %arg10[%dma_wait3A_169, %dma_wait3A_170] : memref<5120x128xf32, #tpu.memory_space<vmem_shared>> -> memref<5120x128xf32, #tpu.memory_space<vmem_shared>>
        tpu.wait_indirect_dma semaphore(%run_scoped3A_150 : memref<!tpu.dma_semaphore, #tpu.memory_space<semaphore_mem>>) src(%dma_wait3A_165 : memref<128x128xf32, #tpu.memory_space<vmem>>) dst(%dma_wait3A_171 : memref<5120x128xf32, #tpu.memory_space<vmem_shared>>)
        tpu.yield
      }) : () -> ()
      %add3A_98 = arith.constant 0 : i32
      %add3A_99 = arith.addi %add3A_79, %add3A_98 : i32
      %add3A_100 = arith.constant 2 : i32
      %add3A_101 = arith.addi %add3A_99, %add3A_100 : i32
      %dma_start3A_102 = arith.constant 0 : i32
      %dma_start3A_103 = arith.constant 0 : i32
      %dma_start3A_104 = arith.constant 0 : i32
      %dma_start3A_105 = arith.constant 0 : i32
      %dma_start3A_106 = tpu.memref_slice %arg8[%dma_start3A_103, %dma_start3A_104, %dma_start3A_105] : memref<2x128x128xf32, #tpu.memory_space<vmem>> -> memref<1x128x128xf32, #tpu.memory_space<vmem>>
      %dma_start3A_107 = tpu.memref_squeeze %dma_start3A_106 : memref<1x128x128xf32, #tpu.memory_space<vmem>> -> memref<128x128xf32, #tpu.memory_space<vmem>>
      %dma_start3A_108 = arith.constant 0 : i32
      %dma_start3A_109 = tpu.memref_slice %arg6[%add3A_101, %dma_start3A_102, %dma_start3A_108] : memref<158x1x128xi32, #tpu.memory_space<vmem>> -> memref<1x1x128xi32, #tpu.memory_space<vmem>>
      %dma_start3A_110 = tpu.memref_squeeze %dma_start3A_109 : memref<1x1x128xi32, #tpu.memory_space<vmem>> -> memref<128xi32, #tpu.memory_space<vmem>>
      %dma_start3A_111 = arith.constant 0 : i32
      %dma_start3A_112 = arith.constant 0 : i32
      %dma_start3A_113 = tpu.memref_slice %arg2[%dma_start3A_111, %dma_start3A_112] : memref<10000x128xf32, #tpu.memory_space<hbm>> -> memref<10000x128xf32, #tpu.memory_space<hbm>>
      %dma_start3A_114 = arith.constant -1 : i32
      tpu.enqueue_indirect_dma source(%dma_start3A_113 : memref<10000x128xf32, #tpu.memory_space<hbm>>) target(%dma_start3A_107 : memref<128x128xf32, #tpu.memory_space<vmem>>) offsets(%dma_start3A_110 : memref<128xi32, #tpu.memory_space<vmem>>) offset_filter(%dma_start3A_114) semaphore(%arg11 : memref<!tpu.dma_semaphore, #tpu.memory_space<semaphore_mem>>)
      %add3A_115 = arith.constant 1 : i32
      %add3A_116 = arith.addi %add3A_79, %add3A_115 : i32
      %dma_wait3A_117 = arith.constant 0 : i32
      %dma_wait3A_118 = arith.constant 1 : i32
      %dma_wait3A_119 = arith.constant 0 : i32
      %dma_wait3A_120 = arith.constant 0 : i32
      %dma_wait3A_121 = tpu.memref_slice %arg8[%dma_wait3A_118, %dma_wait3A_119, %dma_wait3A_120] : memref<2x128x128xf32, #tpu.memory_space<vmem>> -> memref<1x128x128xf32, #tpu.memory_space<vmem>>
      %dma_wait3A_122 = tpu.memref_squeeze %dma_wait3A_121 : memref<1x128x128xf32, #tpu.memory_space<vmem>> -> memref<128x128xf32, #tpu.memory_space<vmem>>
      %dma_wait3A_123 = arith.constant 0 : i32
      %dma_wait3A_124 = tpu.memref_slice %arg6[%add3A_116, %dma_wait3A_117, %dma_wait3A_123] : memref<158x1x128xi32, #tpu.memory_space<vmem>> -> memref<1x1x128xi32, #tpu.memory_space<vmem>>
      %dma_wait3A_125 = tpu.memref_squeeze %dma_wait3A_124 : memref<1x1x128xi32, #tpu.memory_space<vmem>> -> memref<128xi32, #tpu.memory_space<vmem>>
      %dma_wait3A_126 = arith.constant 0 : i32
      %dma_wait3A_127 = arith.constant 0 : i32
      %dma_wait3A_128 = tpu.memref_slice %arg2[%dma_wait3A_126, %dma_wait3A_127] : memref<10000x128xf32, #tpu.memory_space<hbm>> -> memref<10000x128xf32, #tpu.memory_space<hbm>>
      tpu.wait_indirect_dma semaphore(%arg11 : memref<!tpu.dma_semaphore, #tpu.memory_space<semaphore_mem>>) src(%dma_wait3A_128 : memref<10000x128xf32, #tpu.memory_space<hbm>>) dst(%dma_wait3A_122 : memref<128x128xf32, #tpu.memory_space<vmem>>)
      %add3A_129 = arith.constant 1 : i32
      %add3A_130 = arith.addi %add3A_79, %add3A_129 : i32
      %run_scoped3A_131 = arith.constant 1 : i32
      %run_scoped3A_132 = arith.constant 0 : i32
      "tpu.region"() ({
        %run_scoped3A_150 = tpu.sem_alloc : memref<!tpu.dma_semaphore, #tpu.memory_space<semaphore_mem>>
        %dma_start3A_151 = arith.constant 0 : i32
        %dma_start3A_152 = arith.constant 0 : i32
        %dma_start3A_153 = tpu.memref_slice %arg8[%run_scoped3A_131, %dma_start3A_151, %dma_start3A_152] : memref<2x128x128xf32, #tpu.memory_space<vmem>> -> memref<1x128x128xf32, #tpu.memory_space<vmem>>
        %dma_start3A_154 = tpu.memref_squeeze %dma_start3A_153 : memref<1x128x128xf32, #tpu.memory_space<vmem>> -> memref<128x128xf32, #tpu.memory_space<vmem>>
        %dma_start3A_155 = arith.constant 0 : i32
        %dma_start3A_156 = tpu.memref_slice %arg7[%add3A_130, %run_scoped3A_132, %dma_start3A_155] : memref<158x1x128xi32, #tpu.memory_space<vmem>> -> memref<1x1x128xi32, #tpu.memory_space<vmem>>
        %dma_start3A_157 = tpu.memref_squeeze %dma_start3A_156 : memref<1x1x128xi32, #tpu.memory_space<vmem>> -> memref<128xi32, #tpu.memory_space<vmem>>
        %dma_start3A_158 = arith.constant 0 : i32
        %dma_start3A_159 = arith.constant 0 : i32
        %dma_start3A_160 = tpu.memref_slice %arg10[%dma_start3A_158, %dma_start3A_159] : memref<5120x128xf32, #tpu.memory_space<vmem_shared>> -> memref<5120x128xf32, #tpu.memory_space<vmem_shared>>
        %dma_start3A_161 = arith.constant -1 : i32
        tpu.enqueue_indirect_dma source(%dma_start3A_154 : memref<128x128xf32, #tpu.memory_space<vmem>>) target(%dma_start3A_160 : memref<5120x128xf32, #tpu.memory_space<vmem_shared>>) offsets(%dma_start3A_157 : memref<128xi32, #tpu.memory_space<vmem>>) offset_filter(%dma_start3A_161) semaphore(%run_scoped3A_150 : memref<!tpu.dma_semaphore, #tpu.memory_space<semaphore_mem>>) {add = true}
        %dma_wait3A_162 = arith.constant 0 : i32
        %dma_wait3A_163 = arith.constant 0 : i32
        %dma_wait3A_164 = tpu.memref_slice %arg8[%run_scoped3A_131, %dma_wait3A_162, %dma_wait3A_163] : memref<2x128x128xf32, #tpu.memory_space<vmem>> -> memref<1x128x128xf32, #tpu.memory_space<vmem>>
        %dma_wait3A_165 = tpu.memref_squeeze %dma_wait3A_164 : memref<1x128x128xf32, #tpu.memory_space<vmem>> -> memref<128x128xf32, #tpu.memory_space<vmem>>
        %dma_wait3A_166 = arith.constant 0 : i32
        %dma_wait3A_167 = tpu.memref_slice %arg7[%add3A_130, %run_scoped3A_132, %dma_wait3A_166] : memref<158x1x128xi32, #tpu.memory_space<vmem>> -> memref<1x1x128xi32, #tpu.memory_space<vmem>>
        %dma_wait3A_168 = tpu.memref_squeeze %dma_wait3A_167 : memref<1x1x128xi32, #tpu.memory_space<vmem>> -> memref<128xi32, #tpu.memory_space<vmem>>
        %dma_wait3A_169 = arith.constant 0 : i32
        %dma_wait3A_170 = arith.constant 0 : i32
        %dma_wait3A_171 = tpu.memref_slice %arg10[%dma_wait3A_169, %dma_wait3A_170] : memref<5120x128xf32, #tpu.memory_space<vmem_shared>> -> memref<5120x128xf32, #tpu.memory_space<vmem_shared>>
        tpu.wait_indirect_dma semaphore(%run_scoped3A_150 : memref<!tpu.dma_semaphore, #tpu.memory_space<semaphore_mem>>) src(%dma_wait3A_165 : memref<128x128xf32, #tpu.memory_space<vmem>>) dst(%dma_wait3A_171 : memref<5120x128xf32, #tpu.memory_space<vmem_shared>>)
        tpu.yield
      }) : () -> ()
      %add3A_133 = arith.constant 1 : i32
      %add3A_134 = arith.addi %add3A_79, %add3A_133 : i32
      %add3A_135 = arith.constant 2 : i32
      %add3A_136 = arith.addi %add3A_134, %add3A_135 : i32
      %dma_start3A_137 = arith.constant 0 : i32
      %dma_start3A_138 = arith.constant 1 : i32
      %dma_start3A_139 = arith.constant 0 : i32
      %dma_start3A_140 = arith.constant 0 : i32
      %dma_start3A_141 = tpu.memref_slice %arg8[%dma_start3A_138, %dma_start3A_139, %dma_start3A_140] : memref<2x128x128xf32, #tpu.memory_space<vmem>> -> memref<1x128x128xf32, #tpu.memory_space<vmem>>
      %dma_start3A_142 = tpu.memref_squeeze %dma_start3A_141 : memref<1x128x128xf32, #tpu.memory_space<vmem>> -> memref<128x128xf32, #tpu.memory_space<vmem>>
      %dma_start3A_143 = arith.constant 0 : i32
      %dma_start3A_144 = tpu.memref_slice %arg6[%add3A_136, %dma_start3A_137, %dma_start3A_143] : memref<158x1x128xi32, #tpu.memory_space<vmem>> -> memref<1x1x128xi32, #tpu.memory_space<vmem>>
      %dma_start3A_145 = tpu.memref_squeeze %dma_start3A_144 : memref<1x1x128xi32, #tpu.memory_space<vmem>> -> memref<128xi32, #tpu.memory_space<vmem>>
      %dma_start3A_146 = arith.constant 0 : i32
      %dma_start3A_147 = arith.constant 0 : i32
      %dma_start3A_148 = tpu.memref_slice %arg2[%dma_start3A_146, %dma_start3A_147] : memref<10000x128xf32, #tpu.memory_space<hbm>> -> memref<10000x128xf32, #tpu.memory_space<hbm>>
      %dma_start3A_149 = arith.constant -1 : i32
      tpu.enqueue_indirect_dma source(%dma_start3A_148 : memref<10000x128xf32, #tpu.memory_space<hbm>>) target(%dma_start3A_142 : memref<128x128xf32, #tpu.memory_space<vmem>>) offsets(%dma_start3A_145 : memref<128xi32, #tpu.memory_space<vmem>>) offset_filter(%dma_start3A_149) semaphore(%arg11 : memref<!tpu.dma_semaphore, #tpu.memory_space<semaphore_mem>>)
    }
    %scan3A_44 = arith.constant 78 : i32
    %dma_wait3A = arith.constant 156 : i32
    %dma_wait3A_45 = arith.constant 0 : i32
    %dma_wait3A_46 = arith.constant 0 : i32
    %dma_wait3A_47 = arith.constant 0 : i32
    %dma_wait3A_48 = arith.constant 0 : i32
    %dma_wait3A_49 = tpu.memref_slice %arg8[%dma_wait3A_46, %dma_wait3A_47, %dma_wait3A_48] : memref<2x128x128xf32, #tpu.memory_space<vmem>> -> memref<1x128x128xf32, #tpu.memory_space<vmem>>
    %dma_wait3A_50 = tpu.memref_squeeze %dma_wait3A_49 : memref<1x128x128xf32, #tpu.memory_space<vmem>> -> memref<128x128xf32, #tpu.memory_space<vmem>>
    %dma_wait3A_51 = arith.constant 0 : i32
    %dma_wait3A_52 = tpu.memref_slice %arg6[%dma_wait3A, %dma_wait3A_45, %dma_wait3A_51] : memref<158x1x128xi32, #tpu.memory_space<vmem>> -> memref<1x1x128xi32, #tpu.memory_space<vmem>>
    %dma_wait3A_53 = tpu.memref_squeeze %dma_wait3A_52 : memref<1x1x128xi32, #tpu.memory_space<vmem>> -> memref<128xi32, #tpu.memory_space<vmem>>
    %dma_wait3A_54 = arith.constant 0 : i32
    %dma_wait3A_55 = arith.constant 0 : i32
    %dma_wait3A_56 = tpu.memref_slice %arg2[%dma_wait3A_54, %dma_wait3A_55] : memref<10000x128xf32, #tpu.memory_space<hbm>> -> memref<10000x128xf32, #tpu.memory_space<hbm>>
    tpu.wait_indirect_dma semaphore(%arg11 : memref<!tpu.dma_semaphore, #tpu.memory_space<semaphore_mem>>) src(%dma_wait3A_56 : memref<10000x128xf32, #tpu.memory_space<hbm>>) dst(%dma_wait3A_50 : memref<128x128xf32, #tpu.memory_space<vmem>>)
    %run_scoped3A = arith.constant 0 : i32
    %run_scoped3A_57 = arith.constant 156 : i32
    %run_scoped3A_58 = arith.constant 0 : i32
    "tpu.region"() ({
      %run_scoped3A_76 = tpu.sem_alloc : memref<!tpu.dma_semaphore, #tpu.memory_space<semaphore_mem>>
      %dma_start3A_77 = arith.constant 0 : i32
      %dma_start3A_78 = arith.constant 0 : i32
      %dma_start3A_79 = tpu.memref_slice %arg8[%run_scoped3A, %dma_start3A_77, %dma_start3A_78] : memref<2x128x128xf32, #tpu.memory_space<vmem>> -> memref<1x128x128xf32, #tpu.memory_space<vmem>>
      %dma_start3A_80 = tpu.memref_squeeze %dma_start3A_79 : memref<1x128x128xf32, #tpu.memory_space<vmem>> -> memref<128x128xf32, #tpu.memory_space<vmem>>
      %dma_start3A_81 = arith.constant 0 : i32
      %dma_start3A_82 = tpu.memref_slice %arg7[%run_scoped3A_57, %run_scoped3A_58, %dma_start3A_81] : memref<158x1x128xi32, #tpu.memory_space<vmem>> -> memref<1x1x128xi32, #tpu.memory_space<vmem>>
      %dma_start3A_83 = tpu.memref_squeeze %dma_start3A_82 : memref<1x1x128xi32, #tpu.memory_space<vmem>> -> memref<128xi32, #tpu.memory_space<vmem>>
      %dma_start3A_84 = arith.constant 0 : i32
      %dma_start3A_85 = arith.constant 0 : i32
      %dma_start3A_86 = tpu.memref_slice %arg10[%dma_start3A_84, %dma_start3A_85] : memref<5120x128xf32, #tpu.memory_space<vmem_shared>> -> memref<5120x128xf32, #tpu.memory_space<vmem_shared>>
      %dma_start3A_87 = arith.constant -1 : i32
      tpu.enqueue_indirect_dma source(%dma_start3A_80 : memref<128x128xf32, #tpu.memory_space<vmem>>) target(%dma_start3A_86 : memref<5120x128xf32, #tpu.memory_space<vmem_shared>>) offsets(%dma_start3A_83 : memref<128xi32, #tpu.memory_space<vmem>>) offset_filter(%dma_start3A_87) semaphore(%run_scoped3A_76 : memref<!tpu.dma_semaphore, #tpu.memory_space<semaphore_mem>>) {add = true}
      %dma_wait3A_88 = arith.constant 0 : i32
      %dma_wait3A_89 = arith.constant 0 : i32
      %dma_wait3A_90 = tpu.memref_slice %arg8[%run_scoped3A, %dma_wait3A_88, %dma_wait3A_89] : memref<2x128x128xf32, #tpu.memory_space<vmem>> -> memref<1x128x128xf32, #tpu.memory_space<vmem>>
      %dma_wait3A_91 = tpu.memref_squeeze %dma_wait3A_90 : memref<1x128x128xf32, #tpu.memory_space<vmem>> -> memref<128x128xf32, #tpu.memory_space<vmem>>
      %dma_wait3A_92 = arith.constant 0 : i32
      %dma_wait3A_93 = tpu.memref_slice %arg7[%run_scoped3A_57, %run_scoped3A_58, %dma_wait3A_92] : memref<158x1x128xi32, #tpu.memory_space<vmem>> -> memref<1x1x128xi32, #tpu.memory_space<vmem>>
      %dma_wait3A_94 = tpu.memref_squeeze %dma_wait3A_93 : memref<1x1x128xi32, #tpu.memory_space<vmem>> -> memref<128xi32, #tpu.memory_space<vmem>>
      %dma_wait3A_95 = arith.constant 0 : i32
      %dma_wait3A_96 = arith.constant 0 : i32
      %dma_wait3A_97 = tpu.memref_slice %arg10[%dma_wait3A_95, %dma_wait3A_96] : memref<5120x128xf32, #tpu.memory_space<vmem_shared>> -> memref<5120x128xf32, #tpu.memory_space<vmem_shared>>
      tpu.wait_indirect_dma semaphore(%run_scoped3A_76 : memref<!tpu.dma_semaphore, #tpu.memory_space<semaphore_mem>>) src(%dma_wait3A_91 : memref<128x128xf32, #tpu.memory_space<vmem>>) dst(%dma_wait3A_97 : memref<5120x128xf32, #tpu.memory_space<vmem_shared>>)
      tpu.yield
    }) : () -> ()
    %dma_wait3A_59 = arith.constant 157 : i32
    %dma_wait3A_60 = arith.constant 0 : i32
    %dma_wait3A_61 = arith.constant 1 : i32
    %dma_wait3A_62 = arith.constant 0 : i32
    %dma_wait3A_63 = arith.constant 0 : i32
    %dma_wait3A_64 = tpu.memref_slice %arg8[%dma_wait3A_61, %dma_wait3A_62, %dma_wait3A_63] : memref<2x128x128xf32, #tpu.memory_space<vmem>> -> memref<1x128x128xf32, #tpu.memory_space<vmem>>
    %dma_wait3A_65 = tpu.memref_squeeze %dma_wait3A_64 : memref<1x128x128xf32, #tpu.memory_space<vmem>> -> memref<128x128xf32, #tpu.memory_space<vmem>>
    %dma_wait3A_66 = arith.constant 0 : i32
    %dma_wait3A_67 = tpu.memref_slice %arg6[%dma_wait3A_59, %dma_wait3A_60, %dma_wait3A_66] : memref<158x1x128xi32, #tpu.memory_space<vmem>> -> memref<1x1x128xi32, #tpu.memory_space<vmem>>
    %dma_wait3A_68 = tpu.memref_squeeze %dma_wait3A_67 : memref<1x1x128xi32, #tpu.memory_space<vmem>> -> memref<128xi32, #tpu.memory_space<vmem>>
    %dma_wait3A_69 = arith.constant 0 : i32
    %dma_wait3A_70 = arith.constant 0 : i32
    %dma_wait3A_71 = tpu.memref_slice %arg2[%dma_wait3A_69, %dma_wait3A_70] : memref<10000x128xf32, #tpu.memory_space<hbm>> -> memref<10000x128xf32, #tpu.memory_space<hbm>>
    tpu.wait_indirect_dma semaphore(%arg11 : memref<!tpu.dma_semaphore, #tpu.memory_space<semaphore_mem>>) src(%dma_wait3A_71 : memref<10000x128xf32, #tpu.memory_space<hbm>>) dst(%dma_wait3A_65 : memref<128x128xf32, #tpu.memory_space<vmem>>)
    %run_scoped3A_72 = arith.constant 1 : i32
    %run_scoped3A_73 = arith.constant 157 : i32
    %run_scoped3A_74 = arith.constant 0 : i32
    "tpu.region"() ({
      %run_scoped3A_76 = tpu.sem_alloc : memref<!tpu.dma_semaphore, #tpu.memory_space<semaphore_mem>>
      %dma_start3A_77 = arith.constant 0 : i32
      %dma_start3A_78 = arith.constant 0 : i32
      %dma_start3A_79 = tpu.memref_slice %arg8[%run_scoped3A_72, %dma_start3A_77, %dma_start3A_78] : memref<2x128x128xf32, #tpu.memory_space<vmem>> -> memref<1x128x128xf32, #tpu.memory_space<vmem>>
      %dma_start3A_80 = tpu.memref_squeeze %dma_start3A_79 : memref<1x128x128xf32, #tpu.memory_space<vmem>> -> memref<128x128xf32, #tpu.memory_space<vmem>>
      %dma_start3A_81 = arith.constant 0 : i32
      %dma_start3A_82 = tpu.memref_slice %arg7[%run_scoped3A_73, %run_scoped3A_74, %dma_start3A_81] : memref<158x1x128xi32, #tpu.memory_space<vmem>> -> memref<1x1x128xi32, #tpu.memory_space<vmem>>
      %dma_start3A_83 = tpu.memref_squeeze %dma_start3A_82 : memref<1x1x128xi32, #tpu.memory_space<vmem>> -> memref<128xi32, #tpu.memory_space<vmem>>
      %dma_start3A_84 = arith.constant 0 : i32
      %dma_start3A_85 = arith.constant 0 : i32
      %dma_start3A_86 = tpu.memref_slice %arg10[%dma_start3A_84, %dma_start3A_85] : memref<5120x128xf32, #tpu.memory_space<vmem_shared>> -> memref<5120x128xf32, #tpu.memory_space<vmem_shared>>
      %dma_start3A_87 = arith.constant -1 : i32
      tpu.enqueue_indirect_dma source(%dma_start3A_80 : memref<128x128xf32, #tpu.memory_space<vmem>>) target(%dma_start3A_86 : memref<5120x128xf32, #tpu.memory_space<vmem_shared>>) offsets(%dma_start3A_83 : memref<128xi32, #tpu.memory_space<vmem>>) offset_filter(%dma_start3A_87) semaphore(%run_scoped3A_76 : memref<!tpu.dma_semaphore, #tpu.memory_space<semaphore_mem>>) {add = true}
      %dma_wait3A_88 = arith.constant 0 : i32
      %dma_wait3A_89 = arith.constant 0 : i32
      %dma_wait3A_90 = tpu.memref_slice %arg8[%run_scoped3A_72, %dma_wait3A_88, %dma_wait3A_89] : memref<2x128x128xf32, #tpu.memory_space<vmem>> -> memref<1x128x128xf32, #tpu.memory_space<vmem>>
      %dma_wait3A_91 = tpu.memref_squeeze %dma_wait3A_90 : memref<1x128x128xf32, #tpu.memory_space<vmem>> -> memref<128x128xf32, #tpu.memory_space<vmem>>
      %dma_wait3A_92 = arith.constant 0 : i32
      %dma_wait3A_93 = tpu.memref_slice %arg7[%run_scoped3A_73, %run_scoped3A_74, %dma_wait3A_92] : memref<158x1x128xi32, #tpu.memory_space<vmem>> -> memref<1x1x128xi32, #tpu.memory_space<vmem>>
      %dma_wait3A_94 = tpu.memref_squeeze %dma_wait3A_93 : memref<1x1x128xi32, #tpu.memory_space<vmem>> -> memref<128xi32, #tpu.memory_space<vmem>>
      %dma_wait3A_95 = arith.constant 0 : i32
      %dma_wait3A_96 = arith.constant 0 : i32
      %dma_wait3A_97 = tpu.memref_slice %arg10[%dma_wait3A_95, %dma_wait3A_96] : memref<5120x128xf32, #tpu.memory_space<vmem_shared>> -> memref<5120x128xf32, #tpu.memory_space<vmem_shared>>
      tpu.wait_indirect_dma semaphore(%run_scoped3A_76 : memref<!tpu.dma_semaphore, #tpu.memory_space<semaphore_mem>>) src(%dma_wait3A_91 : memref<128x128xf32, #tpu.memory_space<vmem>>) dst(%dma_wait3A_97 : memref<5120x128xf32, #tpu.memory_space<vmem_shared>>)
      tpu.yield
    }) : () -> ()
    %barrier3A_75 = arith.constant 0 : index
    tpu.barrier barrier_id(%barrier3A_75)
    "tpu.region"() ({
      %run_scoped3A_76 = tpu.sem_alloc : memref<!tpu.dma_semaphore, #tpu.memory_space<semaphore_mem>>
      %dma_start3A_77 = arith.constant 0 : i32
      %dma_start3A_78 = tpu.memref_slice %arg5[%arg0, %mul3A_7, %dma_start3A_77] : memref<2x5120x128xf32, #tpu.memory_space<hbm>> -> memref<1x320x128xf32, #tpu.memory_space<hbm>>
      %dma_start3A_79 = tpu.memref_squeeze %dma_start3A_78 : memref<1x320x128xf32, #tpu.memory_space<hbm>> -> memref<320x128xf32, #tpu.memory_space<hbm>>
      %dma_start3A_80 = arith.constant 0 : i32
      %dma_start3A_81 = tpu.memref_slice %arg10[%mul3A_7, %dma_start3A_80] : memref<5120x128xf32, #tpu.memory_space<vmem_shared>> -> memref<320x128xf32, #tpu.memory_space<vmem_shared>>
      tpu.enqueue_dma source(%dma_start3A_81 : memref<320x128xf32, #tpu.memory_space<vmem_shared>>) target(%dma_start3A_79 : memref<320x128xf32, #tpu.memory_space<hbm>>) target_semaphore(%run_scoped3A_76 : memref<!tpu.dma_semaphore, #tpu.memory_space<semaphore_mem>>)
      %dma_wait3A_82 = arith.constant 0 : i32
      %dma_wait3A_83 = tpu.memref_slice %arg5[%arg0, %mul3A_7, %dma_wait3A_82] : memref<2x5120x128xf32, #tpu.memory_space<hbm>> -> memref<1x320x128xf32, #tpu.memory_space<hbm>>
      %dma_wait3A_84 = tpu.memref_squeeze %dma_wait3A_83 : memref<1x320x128xf32, #tpu.memory_space<hbm>> -> memref<320x128xf32, #tpu.memory_space<hbm>>
      %dma_wait3A_85 = arith.constant 0 : i32
      %dma_wait3A_86 = tpu.memref_slice %arg10[%mul3A_7, %dma_wait3A_85] : memref<5120x128xf32, #tpu.memory_space<vmem_shared>> -> memref<320x128xf32, #tpu.memory_space<vmem_shared>>
      tpu.wait_dma2 semaphore(%run_scoped3A_76 : memref<!tpu.dma_semaphore, #tpu.memory_space<semaphore_mem>>) src(%dma_wait3A_86 : memref<320x128xf32, #tpu.memory_space<vmem_shared>>) dst(%dma_wait3A_84 : memref<320x128xf32, #tpu.memory_space<hbm>>)
      tpu.yield
    }) : () -> ()
    return
  }
}

module attributes {stable_mosaic.version = 14 : i64} {
  func.func @body(%arg0: memref<10000x128xf32, #tpu.memory_space<vmem>>, %arg1: memref<128x128xf32, #tpu.memory_space<vmem>>, %arg2: memref<10000x32xf32, #tpu.memory_space<vmem>>, %arg3: memref<10000x128xf32, #tpu.memory_space<vmem>>, %arg4: memref<10000x1xf32, #tpu.memory_space<vmem>>) attributes {dimension_semantics = [], scalar_prefetch = 0 : i64, scratch_operands = 0 : i64, tpu.core_type = #tpu.core_type<tc>} {
    %get3A = arith.constant 0 : index
    %get3A_0 = arith.constant 0 : index
    %get3A_1 = vector.load %arg2[%get3A, %get3A_0] : memref<10000x32xf32, #tpu.memory_space<vmem>>, vector<10000x32xf32>
    %reduce_sum3A = arith.constant dense<0.000000e+00> : vector<10000xf32>
    %reduce_sum3A_2 = vector.multi_reduction <add>, %get3A_1, %reduce_sum3A [1] : vector<10000x32xf32> to vector<10000xf32>
    %broadcast_in_dim3A = vector.shape_cast %reduce_sum3A_2 : vector<10000xf32> to vector<10000x1xf32>
    %add3A = arith.constant 1.000000e+00 : f32
    %add3A_3 = vector.broadcast %add3A : f32 to vector<10000x1xf32>
    %add3A_4 = arith.addf %broadcast_in_dim3A, %add3A_3 : vector<10000x1xf32>
    %max3A = arith.constant 1.000000e+00 : f32
    %max3A_5 = vector.broadcast %max3A : f32 to vector<10000x1xf32>
    %max3A_6 = arith.maximumf %add3A_4, %max3A_5 : vector<10000x1xf32>
    %rsqrt3A = math.rsqrt %max3A_6 : vector<10000x1xf32>
    %swap3A = arith.constant 0 : index
    %swap3A_7 = arith.constant 0 : index
    %swap3A_8 = vector.load %arg4[%swap3A, %swap3A_7] : memref<10000x1xf32, #tpu.memory_space<vmem>>, vector<10000x1xf32>
    tpu.vector_store %arg4[%swap3A, %swap3A_7], %rsqrt3A {strides = array<i32>} : memref<10000x1xf32, #tpu.memory_space<vmem>>, vector<10000x1xf32>,
    %get3A_9 = arith.constant 0 : index
    %get3A_10 = arith.constant 0 : index
    %get3A_11 = vector.load %arg0[%get3A_9, %get3A_10] : memref<10000x128xf32, #tpu.memory_space<vmem>>, vector<10000x128xf32>
    %get3A_12 = arith.constant 0 : index
    %get3A_13 = arith.constant 0 : index
    %get3A_14 = vector.load %arg1[%get3A_12, %get3A_13] : memref<128x128xf32, #tpu.memory_space<vmem>>, vector<128x128xf32>
    %dot_general3A = arith.constant dense<0.000000e+00> : vector<10000x128xf32>
    %dot_general3A_15 = tpu.matmul %get3A_11, %get3A_14, %dot_general3A {dimension_numbers = #tpu.dot_dimension_numbers<[1], [0], [0], [1], [0, 0, 1, 1], [], []>, transpose_lhs_hint = false} : vector<10000x128xf32>, vector<128x128xf32>, vector<10000x128xf32> -> vector<10000x128xf32>
    %mul3A = vector.broadcast %rsqrt3A : vector<10000x1xf32> to vector<10000x128xf32>
    %mul3A_16 = arith.mulf %dot_general3A_15, %mul3A : vector<10000x128xf32>
    %swap3A_17 = arith.constant 0 : index
    %swap3A_18 = arith.constant 0 : index
    %swap3A_19 = vector.load %arg3[%swap3A_17, %swap3A_18] : memref<10000x128xf32, #tpu.memory_space<vmem>>, vector<10000x128xf32>
    tpu.vector_store %arg3[%swap3A_17, %swap3A_18], %mul3A_16 {strides = array<i32>} : memref<10000x128xf32, #tpu.memory_space<vmem>>, vector<10000x128xf32>,
    return
  }
}

module attributes {stable_mosaic.version = 14 : i64} {
  func.func @body(%arg0: memref<2x5120x128xf32, #tpu.memory_space<vmem>>, %arg1: memref<10000x128xf32, #tpu.memory_space<vmem>>, %arg2: memref<10000x1xf32, #tpu.memory_space<vmem>>, %arg3: memref<1x128xf32, #tpu.memory_space<vmem>>, %arg4: memref<1x1xf32, #tpu.memory_space<vmem>>, %arg5: memref<128x128xf32, #tpu.memory_space<vmem>>, %arg6: memref<10000x128xf32, #tpu.memory_space<vmem>>) attributes {dimension_semantics = [], scalar_prefetch = 0 : i64, scratch_operands = 0 : i64, tpu.core_type = #tpu.core_type<tc>} {
    %get3A = arith.constant 0 : index
    %get3A_0 = arith.constant 0 : index
    %get3A_1 = vector.load %arg2[%get3A, %get3A_0] : memref<10000x1xf32, #tpu.memory_space<vmem>>, vector<10000x1xf32>
    %get3A_2 = arith.constant 0 : index
    %get3A_3 = arith.constant 0 : index
    %get3A_4 = arith.constant 0 : index
    %get3A_5 = vector.load %arg0[%get3A_2, %get3A_3, %get3A_4] : memref<2x5120x128xf32, #tpu.memory_space<vmem>>, vector<1x5000x128xf32>
    %get3A_6 = vector.shape_cast %get3A_5 : vector<1x5000x128xf32> to vector<5000x128xf32>
    %get3A_7 = arith.constant 1 : index
    %get3A_8 = arith.constant 0 : index
    %get3A_9 = arith.constant 0 : index
    %get3A_10 = vector.load %arg0[%get3A_7, %get3A_8, %get3A_9] : memref<2x5120x128xf32, #tpu.memory_space<vmem>>, vector<1x5000x128xf32>
    %get3A_11 = vector.shape_cast %get3A_10 : vector<1x5000x128xf32> to vector<5000x128xf32>
    %concatenate3A = tpu.concatenate %get3A_6, %get3A_11 in 0 : vector<5000x128xf32>, vector<5000x128xf32> -> vector<10000x128xf32>
    %get3A_12 = arith.constant 0 : index
    %get3A_13 = arith.constant 0 : index
    %get3A_14 = vector.load %arg1[%get3A_12, %get3A_13] : memref<10000x128xf32, #tpu.memory_space<vmem>>, vector<10000x128xf32>
    %add3A = arith.addf %concatenate3A, %get3A_14 : vector<10000x128xf32>
    %mul3A = vector.broadcast %get3A_1 : vector<10000x1xf32> to vector<10000x128xf32>
    %mul3A_15 = arith.mulf %add3A, %mul3A : vector<10000x128xf32>
    %get3A_16 = arith.constant 0 : index
    %get3A_17 = arith.constant 0 : index
    %get3A_18 = vector.load %arg3[%get3A_16, %get3A_17] : memref<1x128xf32, #tpu.memory_space<vmem>>, vector<1x128xf32>
    %add3A_19 = vector.broadcast %get3A_18 : vector<1x128xf32> to vector<10000x128xf32>
    %add3A_20 = arith.addf %mul3A_15, %add3A_19 : vector<10000x128xf32>
    %ge3A = arith.constant 0.000000e+00 : f32
    %ge3A_21 = vector.broadcast %ge3A : f32 to vector<10000x128xf32>
    %ge3A_22 = arith.cmpf oge, %add3A_20, %ge3A_21 : vector<10000x128xf32>
    %get3A_23 = arith.constant 0 : index
    %get3A_24 = arith.constant 0 : index
    %get3A_25 = vector.load %arg4[%get3A_23, %get3A_24] : memref<1x1xf32, #tpu.memory_space<vmem>>, vector<1x1xf32>
    %get3A_26 = vector.extract %get3A_25[0, 0] : f32 from vector<1x1xf32>
    %mul3A_27 = vector.broadcast %get3A_26 : f32 to vector<10000x128xf32>
    %mul3A_28 = arith.mulf %mul3A_27, %add3A_20 : vector<10000x128xf32>
    %select_n3A = arith.select %ge3A_22, %add3A_20, %mul3A_28 : vector<10000x128xi1>, vector<10000x128xf32>
    %get3A_29 = arith.constant 0 : index
    %get3A_30 = arith.constant 0 : index
    %get3A_31 = vector.load %arg5[%get3A_29, %get3A_30] : memref<128x128xf32, #tpu.memory_space<vmem>>, vector<128x128xf32>
    %dot_general3A = arith.constant dense<0.000000e+00> : vector<10000x128xf32>
    %dot_general3A_32 = tpu.matmul %select_n3A, %get3A_31, %dot_general3A {dimension_numbers = #tpu.dot_dimension_numbers<[1], [0], [0], [1], [0, 0, 1, 1], [], []>, transpose_lhs_hint = false} : vector<10000x128xf32>, vector<128x128xf32>, vector<10000x128xf32> -> vector<10000x128xf32>
    %mul3A_33 = vector.broadcast %get3A_1 : vector<10000x1xf32> to vector<10000x128xf32>
    %mul3A_34 = arith.mulf %dot_general3A_32, %mul3A_33 : vector<10000x128xf32>
    %swap3A = arith.constant 0 : index
    %swap3A_35 = arith.constant 0 : index
    %swap3A_36 = vector.load %arg6[%swap3A, %swap3A_35] : memref<10000x128xf32, #tpu.memory_space<vmem>>, vector<10000x128xf32>
    tpu.vector_store %arg6[%swap3A, %swap3A_35], %mul3A_34 {strides = array<i32>} : memref<10000x128xf32, #tpu.memory_space<vmem>>, vector<10000x128xf32>,
    return
  }
}

module attributes {stable_mosaic.version = 14 : i64} {
  func.func @body(%arg0: memref<2x5120x128xf32, #tpu.memory_space<vmem>>, %arg1: memref<10000x128xf32, #tpu.memory_space<vmem>>, %arg2: memref<10000x1xf32, #tpu.memory_space<vmem>>, %arg3: memref<1x128xf32, #tpu.memory_space<vmem>>, %arg4: memref<10000x1xi32, #tpu.memory_space<vmem>>, %arg5: memref<128x128xf32, #tpu.memory_space<vmem>>, %arg6: memref<128xf32, #tpu.memory_space<vmem>>, %arg7: memref<64x128xf32, #tpu.memory_space<vmem>>) attributes {dimension_semantics = [], scalar_prefetch = 0 : i64, scratch_operands = 0 : i64, tpu.core_type = #tpu.core_type<tc>} {
    %get3A = arith.constant 0 : index
    %get3A_0 = arith.constant 0 : index
    %get3A_1 = arith.constant 0 : index
    %get3A_2 = vector.load %arg0[%get3A, %get3A_0, %get3A_1] : memref<2x5120x128xf32, #tpu.memory_space<vmem>>, vector<1x5000x128xf32>
    %get3A_3 = vector.shape_cast %get3A_2 : vector<1x5000x128xf32> to vector<5000x128xf32>
    %get3A_4 = arith.constant 1 : index
    %get3A_5 = arith.constant 0 : index
    %get3A_6 = arith.constant 0 : index
    %get3A_7 = vector.load %arg0[%get3A_4, %get3A_5, %get3A_6] : memref<2x5120x128xf32, #tpu.memory_space<vmem>>, vector<1x5000x128xf32>
    %get3A_8 = vector.shape_cast %get3A_7 : vector<1x5000x128xf32> to vector<5000x128xf32>
    %concatenate3A = tpu.concatenate %get3A_3, %get3A_8 in 0 : vector<5000x128xf32>, vector<5000x128xf32> -> vector<10000x128xf32>
    %get3A_9 = arith.constant 0 : index
    %get3A_10 = arith.constant 0 : index
    %get3A_11 = vector.load %arg1[%get3A_9, %get3A_10] : memref<10000x128xf32, #tpu.memory_space<vmem>>, vector<10000x128xf32>
    %add3A = arith.addf %concatenate3A, %get3A_11 : vector<10000x128xf32>
    %get3A_12 = arith.constant 0 : index
    %get3A_13 = arith.constant 0 : index
    %get3A_14 = vector.load %arg2[%get3A_12, %get3A_13] : memref<10000x1xf32, #tpu.memory_space<vmem>>, vector<10000x1xf32>
    %mul3A = vector.broadcast %get3A_14 : vector<10000x1xf32> to vector<10000x128xf32>
    %mul3A_15 = arith.mulf %add3A, %mul3A : vector<10000x128xf32>
    %get3A_16 = arith.constant 0 : index
    %get3A_17 = arith.constant 0 : index
    %get3A_18 = vector.load %arg3[%get3A_16, %get3A_17] : memref<1x128xf32, #tpu.memory_space<vmem>>, vector<1x128xf32>
    %add3A_19 = vector.broadcast %get3A_18 : vector<1x128xf32> to vector<10000x128xf32>
    %add3A_20 = arith.addf %mul3A_15, %add3A_19 : vector<10000x128xf32>
    %iota3A = tpu.iota {dimensions = array<i32: 1>} : vector<10000x64xi32>
    %get3A_21 = arith.constant 0 : index
    %get3A_22 = arith.constant 0 : index
    %get3A_23 = vector.load %arg4[%get3A_21, %get3A_22] : memref<10000x1xi32, #tpu.memory_space<vmem>>, vector<10000x1xi32>
    %eq3A = vector.broadcast %get3A_23 : vector<10000x1xi32> to vector<10000x64xi32>
    %eq3A_24 = arith.cmpi eq, %eq3A, %iota3A : vector<10000x64xi32>
    %convert_element_type3A = arith.extui %eq3A_24 : vector<10000x64xi1> to vector<10000x64xi32>
    %convert_element_type3A_25 = arith.sitofp %convert_element_type3A : vector<10000x64xi32> to vector<10000x64xf32>
    %dot_general3A = arith.constant dense<0.000000e+00> : vector<64x128xf32>
    %dot_general3A_26 = tpu.matmul %convert_element_type3A_25, %add3A_20, %dot_general3A {dimension_numbers = #tpu.dot_dimension_numbers<[0], [0], [1], [1], [0, 1, 1, 1], [], []>, transpose_lhs_hint = false} : vector<10000x64xf32>, vector<10000x128xf32>, vector<64x128xf32> -> vector<64x128xf32>
    %broadcast_in_dim3A = arith.constant 1.000000e+00 : f32
    %broadcast_in_dim3A_27 = vector.broadcast %broadcast_in_dim3A : f32 to vector<10000x1xf32>
    %dot_general3A_28 = arith.constant dense<0.000000e+00> : vector<64x1xf32>
    %dot_general3A_29 = tpu.matmul %convert_element_type3A_25, %broadcast_in_dim3A_27, %dot_general3A_28 {dimension_numbers = #tpu.dot_dimension_numbers<[0], [0], [1], [1], [0, 1, 1, 1], [], []>, transpose_lhs_hint = false} : vector<10000x64xf32>, vector<10000x1xf32>, vector<64x1xf32> -> vector<64x1xf32>
    %max3A = arith.constant 1.000000e+00 : f32
    %max3A_30 = vector.broadcast %max3A : f32 to vector<64x1xf32>
    %max3A_31 = arith.maximumf %dot_general3A_29, %max3A_30 : vector<64x1xf32>
    %div3A = vector.broadcast %max3A_31 : vector<64x1xf32> to vector<64x128xf32>
    %div3A_32 = arith.divf %dot_general3A_26, %div3A : vector<64x128xf32>
    %get3A_33 = arith.constant 0 : index
    %get3A_34 = arith.constant 0 : index
    %get3A_35 = vector.load %arg5[%get3A_33, %get3A_34] : memref<128x128xf32, #tpu.memory_space<vmem>>, vector<128x128xf32>
    %dot_general3A_36 = arith.constant dense<0.000000e+00> : vector<64x128xf32>
    %dot_general3A_37 = tpu.matmul %div3A_32, %get3A_35, %dot_general3A_36 {dimension_numbers = #tpu.dot_dimension_numbers<[1], [0], [0], [1], [0, 0, 1, 1], [], []>, transpose_lhs_hint = false} : vector<64x128xf32>, vector<128x128xf32>, vector<64x128xf32> -> vector<64x128xf32>
    %get3A_38 = arith.constant 0 : index
    %get3A_39 = vector.load %arg6[%get3A_38] : memref<128xf32, #tpu.memory_space<vmem>>, vector<128xf32>
    %broadcast_in_dim3A_40 = vector.shape_cast %get3A_39 : vector<128xf32> to vector<1x128xf32>
    %add3A_41 = vector.broadcast %broadcast_in_dim3A_40 : vector<1x128xf32> to vector<64x128xf32>
    %add3A_42 = arith.addf %dot_general3A_37, %add3A_41 : vector<64x128xf32>
    %swap3A = arith.constant 0 : index
    %swap3A_43 = arith.constant 0 : index
    %swap3A_44 = vector.load %arg7[%swap3A, %swap3A_43] : memref<64x128xf32, #tpu.memory_space<vmem>>, vector<64x128xf32>
    tpu.vector_store %arg7[%swap3A, %swap3A_43], %add3A_42 {strides = array<i32>} : memref<64x128xf32, #tpu.memory_space<vmem>>, vector<64x128xf32>,
    return
  }
}

</mosaic_0001>

<sc_bundles>
// kernel: kernel.10.cloned.1.call-start
scs
__scs_entry_jumppad:
0x0: {  	(pc) =	sbr.rel $0x88, $3  }
0x1: {  	(tag) =	ssettag $0x0;
	lr =	simm.s32 $0x1  }
0x2: {  	[smem:$0x3F94] =	sst lr;
	_ =	strace $0xD0000000  }
0x3: {  	_ = 	snop  }
0x4: {  	_ = 	snop  }
0x5: {  	_ = 	snop  }
0x6: {  	_ = 	snop  }
0x7: {  	_ = 	snop  }
__scs_overlays_trampoline_lowered:
0x8: {  	[smem:$0x3FA3] =	sst s0  }
0x9: {  	[smem:$0x3FA4] =	sst s1  }
0xa: {  	[smem:$0x3FA5] =	sst s2  }
0xb: {  	[smem:$0x3FA6] =	sst s3  }
0xc: {  	[smem:$0x3FA7] =	sst s4  }
0xd: {  	[smem:$0x3FA8] =	sst s5  }
0xe: {  	[smem:$0x3FA9] =	sst s6  }
0xf: {  	[smem:$0x3FAA] =	sst s7  }
0x10: {  	[smem:$0x3FAB] =	sst s8  }
0x11: {  	[smem:$0x3FAC] =	sst s9;
	s0 =	simm.s32 @!p0 $0x0  }
0x12: {  	s1 =	sld [smem:$0x3F92];
	s0 =	simm.s32 @p0 $0x1  }
0x13: {  	[smem:$0x3FAD] =	sst s0;
	s0 =	simm.s32 @!p1 $0x0  }
0x14: {  	s2 =	sld [smem:$0x3F91];
	s0 =	simm.s32 @p1 $0x1  }
0x15: {  	[smem:$0x3FAE] =	sst s0;
	s0 =	simm.s32 @!p2 $0x0  }
0x16: {  	s3 =	sld [smem:$0x3FDB];
	s0 =	simm.s32 @p2 $0x1  }
0x17: {  	s4 =	simm.s32 $0x1BF5;
	[smem:$0x3FB0] =	sst s0  }
0x18: {  	s0 =	sld [smem:$0x3F93];
	_ =	swait.ge [sflag:s4], $0x0  }
0x19: {  	s7 =	sld [smem:$0x3F94]  }
0x1a: {  	s8 =	sadd.s32 $0xFFFFE003, lr  }
0x1b: {  	s9 =	sadd.s32 $0xFFFFFEF7, lr;
	s5 =	simm.s32 $0xFFFFFFFF;
	p2 =	slt.u32 s8, $0xFFFFF086  }
0x1c: {  	p1 =	slt.u32 s9, $0xF7A;
	s5 =	simm.s32 @!p2 $0x0  }
0x1d: {  	s5 =	simm.s32 @p1 $0x1;
	p0 =	seq.s32 s7, s2  }
0x1e: {  	s7 =	smul.u32 @!p0 $0xF7A, s2;
	p2 =	seq.s32 @!p0 s5, $0x0  }
0x1f: {  	s9 =	smul.u32 $0xF7A, s1;
	s8 =	simm.s32 @!p0 $0x1BF5;
	p2 =	por !p2, p0  }
0x20: {  	[sflag:s8] =	ssyncset.s32 @!p0 $0xFFFFF086;
	s6 =	sadd.s32 @!p0 s3, s7;
	s7 =	simm.s32 @!p0 $0x108  }
0x21: {  	s3 =	sadd.s32 s3, s9;
	s6 =	sadd.s32 @!p0 $0x88, s6;
	s7 =	simm.s32 @p2 $0x1082  }
0x22: {  	[simem:s7], [sflag:s8] =	dma.local @!p0 [hbm:s6], $0xF7A  }
0x23: {  	s9 =	sor.u32 $0xD0000000, s2;
	s6 =	simm.s32 $0x108;
	_ =	swait.ge @!p0 [sflag:s8], $0x0  }
0x24: {  	s3 =	sadd.s32 $0x88, s3;
	s6 =	simm.s32 @!p1 $0x1082;
	[sflag:s4] =	ssyncset.s32 $0xFFFFF086  }
0x25: {  	[simem:s6], [sflag:s4] =	dma.local [hbm:s3], $0xF7A  }
0x26: {  	[smem:$0x3F94] =	sst s1;
	(tag) =	ssettag s2;
	_ =	strace s9  }
0x27: {  	s1 =	sld [smem:$0x3FA4]  }
0x28: {  	s2 =	sld [smem:$0x3FA5]  }
0x29: {  	s4 =	sld [smem:$0x3FA7]  }
0x2a: {  	p0 =	seq.s32 s5, $0x0;
	s5 =	sld [smem:$0x3FA8]  }
0x2b: {  	s6 =	sld [smem:$0x3FA9]  }
0x2c: {  	s7 =	sld [smem:$0x3FAA]  }
0x2d: {  	s3 =	simm.s32 $0x108;
	s8 =	sld [smem:$0x3FAB]  }
0x2e: {  	s3 =	simm.s32 @!p0 $0x1082;
	s9 =	sld [smem:$0x3FAC]  }
0x2f: {  	lr =	sadd.s32 s0, s3;
	s0 =	sld [smem:$0x3FA3]  }
0x30: {  	s3 =	sld [smem:$0x3FA6]  }
0x31: {  	[smem:$0x3FAF] =	sst s10  }
0x32: {  	s10 =	sld [smem:$0x3FAD];
	_ =	sdelay $0x3  }
0x33: {  	p0 =	seq.s32 s10, $0x1;
	s10 =	sld [smem:$0x3FAF];
	_ =	sdelay $0x3  }
0x34: {  	[smem:$0x3FAF] =	sst s10  }
0x35: {  	s10 =	sld [smem:$0x3FAE];
	_ =	sdelay $0x3  }
0x36: {  	p1 =	seq.s32 s10, $0x1;
	s10 =	sld [smem:$0x3FAF];
	_ =	sdelay $0x3  }
0x37: {  	[smem:$0x3FAF] =	sst s10  }
0x38: {  	s10 =	sld [smem:$0x3FB0]  }
0x39: {  	_ = 	snop;
	(pc) =	sbr.ind lr, $3  }
0x3a: {  	_ = 	snop  }
0x3b: {  	_ = 	snop  }
0x3c: {  	p2 =	seq.s32 s10, $0x1;
	s10 =	sld [smem:$0x3FAF]  }
0x3d: {  	_ =	shalt  }
0x3e: {  	_ =	shalt  }
0x3f: {  	_ =	shalt  }
0x40: {  	_ =	shalt  }
0x41: {  	_ =	shalt  }
0x42: {  	_ =	shalt  }
0x43: {  	_ =	shalt  }
0x44: {  	_ =	shalt  }
0x45: {  	_ =	shalt  }
0x46: {  	_ =	shalt  }
0x47: {  	_ =	shalt  }
0x48: {  	_ =	shalt  }
0x49: {  	_ =	shalt  }
0x4a: {  	_ =	shalt  }
0x4b: {  	_ =	shalt  }
0x4c: {  	_ =	shalt  }
0x4d: {  	_ =	shalt  }
0x4e: {  	_ =	shalt  }
0x4f: {  	_ =	shalt  }
0x50: {  	_ =	shalt  }
0x51: {  	_ =	shalt  }
0x52: {  	_ =	shalt  }
0x53: {  	_ =	shalt  }
0x54: {  	_ =	shalt  }
0x55: {  	_ =	shalt  }
0x56: {  	_ =	shalt  }
0x57: {  	_ =	shalt  }
0x58: {  	_ =	shalt  }
0x59: {  	_ =	shalt  }
0x5a: {  	_ =	shalt  }
0x5b: {  	_ =	shalt  }
0x5c: {  	_ =	shalt  }
0x5d: {  	_ =	shalt  }
0x5e: {  	_ =	shalt  }
0x5f: {  	_ =	shalt  }
0x60: {  	_ =	shalt  }
0x61: {  	_ =	shalt  }
0x62: {  	_ =	shalt  }
0x63: {  	_ =	shalt  }
0x64: {  	_ =	shalt  }
0x65: {  	_ =	shalt  }
0x66: {  	_ =	shalt  }
0x67: {  	_ =	shalt  }
0x68: {  	_ =	shalt  }
0x69: {  	_ =	shalt  }
0x6a: {  	_ =	shalt  }
0x6b: {  	_ =	shalt  }
0x6c: {  	_ =	shalt  }
0x6d: {  	_ =	shalt  }
0x6e: {  	_ =	shalt  }
0x6f: {  	_ =	shalt  }
0x70: {  	_ =	shalt  }
0x71: {  	_ =	shalt  }
0x72: {  	_ =	shalt  }
0x73: {  	_ =	shalt  }
0x74: {  	_ =	shalt  }
0x75: {  	_ =	shalt  }
0x76: {  	_ =	shalt  }
0x77: {  	_ =	shalt  }
0x78: {  	_ =	shalt  }
0x79: {  	_ =	shalt  }
0x7a: {  	_ =	shalt  }
0x7b: {  	_ =	shalt  }
0x7c: {  	_ =	shalt  }
0x7d: {  	_ =	shalt  }
0x7e: {  	_ =	shalt  }
0x7f: {  	_ =	shalt  }
0x80: {  	_ =	shalt  }
0x81: {  	_ =	shalt  }
0x82: {  	_ =	shalt  }
0x83: {  	_ =	shalt  }
0x84: {  	_ =	shalt  }
0x85: {  	_ =	shalt  }
0x86: {  	_ =	shalt  }
0x87: {  	_ =	shalt  }
.Lfunc_end0:
.L_simem_size_0:
called_computation_lowered:
.L_overlay_start_0:
0x88: {  	s2 =	sld [smem:$0x3FD9]  }
0x89: {  	s3 =	sld [smem:$0x3FFE];
	_ =	sdelay $0x1  }
0x8a: {  	s1 =	srdreg.scid  }
0x8b: {  	s0 =	sand.u32 $0x1, s1  }
0x8c: {  	s16 =	sshll.u32 s0, $0xA;
	s2 =	sadd.s32 s3, s2  }
0x8d: {  	s2 =	sadd.s32 s2, s16  }
0x8e: {  	[smem:$0x3FBB] =	sst s2  }
0x8f: {  	_ = 	snop  }
0x90: {  	(tm) =	ssettm $0x1  }
0x91: {  	s17 =	sld [smem:$0x3FFB];
	_ =	sdelay $0x3  }
0x92: {  	_ =	strace s17  }
0x93: {  	s2 =	sld [smem:$0x3FFC];
	_ =	sdelay $0x3  }
0x94: {  	_ =	strace s2  }
0x95: {  	s2 =	sld [smem:$0x3FFD];
	_ =	sdelay $0x3  }
0x96: {  	_ =	strace s2  }
0x97: {  	_ =	strace $0x8FFFFFFF  }
0x98: {  	s18 =	sld [smem:$0x3FDB];
	_ =	sdelay $0x1  }
0x99: {  	s19 =	simm.s32 $_scs_section_size  }
0x9a: {  	s4 =	simm.s32 $_size__tile_overlayer_lowered;
	s5 =	simm.s32 $_tile_overlayer_lowered  }
0x9b: {  	s22 =	simm.s32 $0x1BFF;
	s21 =	sshll.u32 s5, $0x1;
	s2 =	sadd.s32 s19, s18  }
0x9c: {  	s6 =	simm.s32 $0x0;
	s20 =	sshll.u32 s4, $0x1;
	s4 =	sadd.s32 s21, s2  }
0x9d: {  	[timem:s6], [sflag:s22] =	dma.local [hbm:s4], s20  }
0x9e: {  	_ =	swait.ge [sflag:s22], s20  }
0x9f: {  	s3 =	ssub.s32 $0x0, s20;
	[sflag:s22] =	ssyncset.done $0x0  }
0xa0: {  	[sflag:s22] =	ssyncadd.s32 s3;
	_ =	sdelay $0x1  }
0xa1: {  	s23 =	simm.s32 $0x1B8B  }
0xa2: {  	_ =	swait.ge [sflag:s23], $0x1  }
0xa3: {  	[sflag:s23] =	ssyncset.done $0x0  }
0xa4: {  	s25 =	simm.s32 $0x1B8E;
	s24 =	sld [smem:$0x3FFE];
	[sflag:s23] =	ssyncadd.s32 $0xFFFFFFFF  }
0xa5: {  	s26 =	simm.s32 $execute0_lowered;
	[smem:$0x3FD2] =	sst s25  }
0xa6: {  	s4 =	sshll.u32 s26, $0x1;
	_ =	strace $0x80000046;
	[dreg:$0x1] =	wrdreg $0xFFFFFFFF  }
0xa7: {  	s28 =	simm.s32 $_size_execute0_lowered;
	s2 =	sadd.s32 s2, s4;
	[dreg:$0x0] =	wrdreg $0x0  }
0xa8: {  	s4 =	sshll.u32 s28, $0x1;
	[dreg:$0x2] =	wrdreg s2  }
0xa9: {  	[dreg:$0x3] =	wrdreg s4  }
0xaa: {  	[dreg:$0x4] =	wrdreg $0xC0  }
0xab: {  	_ =	task [dreg:s6], $0x5FFFF  }
0xac: {  	[dreg:$0x1] =	wrdreg $0xFFFFFFFF  }
0xad: {  	[dreg:$0x0] =	wrdreg $0x60  }
0xae: {  	[dreg:$0x2] =	wrdreg s24  }
0xaf: {  	[dreg:$0x3] =	wrdreg $0x9  }
0xb0: {  	_ =	task.clear_ibuf [dreg:s6], $0x4FFFF;
	_ =	strace $0x90000046  }
0xb1: {  	s29 =	simm.s32 $0x9;
	_ =	strace $0x80000048  }
0xb2: {  	_ =	swait.ge [sflag:s29], $0x1  }
0xb3: {  	[sflag:s29] =	ssyncadd.s32 $0xFFFFFFFF  }
0xb4: {  	_ =	strace $0x90000048  }
0xb5: {  	_ =	sfence  }
0xb6: {  	s30 =	sld [smem:$0x0];
	_ =	sdelay $0x2  }
0xb7: {  	s31 =	sshll.u32 s1, $0xD;
	s1 =	sshrl.u32 s1, $0x2  }
0xb8: {  	s3 =	sand.u32 $0x4000, s31;
	s1 =	sadd.s32 s1, s30  }
0xb9: {  	s0 =	sor.u32 s3, s0;
	s1 =	sshll.u32 s1, $0x11  }
0xba: {  	s0 =	sor.u32 s1, s0  }
0xbb: {  	s0 =	sadd.s32 $0x8F2B, s0  }
0xbc: {  	[sflag:s0] =	ssyncadd.remote.s32 $0x1  }
0xbd: {  	_ =	sfence.sel $0xFFFF  }
0xbe: {  	[dreg:$0x0] =	wrdreg $0xFFFFFFFF;
	(pc) =	sbr.abs _section_cstart, $3  }
0xbf: {  	[dreg:$0x1] =	wrdreg $0xFFFFFFFF  }
0xc0: {  	_ =	task.clear_ibuf [dreg:s6], $0x2FFFF;
	_ =	strace $0x9FFFFFFF  }
0xc1: {  	(tm) =	ssettm $0x7FFFFFFF  }
tec
execute0_lowered:
.L_overlay_start_1:
0x0: {  	(tag) =	ssettag $0x1  }
0x1: {  	s0 =	srdreg.scid  }
0x2: {  	s5 =	rddreg [dreg:$0x0];
	s3 =	sand.u32 $0x1, s0  }
0x3: {  	s2 =	simm.s32 $0x0;
	s0 =	stileid.u32;
	s1 =	sshll.u32 s3, $0x4  }
0x4: {  	s8 =	simm.s32 $0x80;
	s9 =	simm.s32 $0x400;
	s4 =	sor.u32 s0, s1  }
0x5: {  	s10 =	simm.s32 $0x0;
	[smem:$0x7FF] =	sst s2;
	s1 =	sshrl.u32 s4, $0x3  }
0x6: {  	s7 =	sshll.u32 s0, $0x7;
	s3 =	ssub.s32 $0x2, s3;
	s6 =	smul.u32 $0x14000, s1  }
0x7: {  	s7 =	sand.u32 $0x380, s7;
	s31 =	sshrl.u32 s3, $0x1;
	s4 =	smul.u32 $0x4F0, s4  }
0x8: {  	s1 =	rddreg [dreg:$0x1];
	_ =	strace $0x80000047;
	s6 =	sor.u32 s7, s6  }
0x9: {  	s4 =	sadd.s32 s4, s5;
	s7 =	simm.s32 $0x2780;
	s6 =	sshrl.u32 s6, $0x3  }
0xa: {  	s5 =	sadd.s32 s6, s5;
	s6 =	ssub.s32 s3, s31;
	s3 =	sadd.s32 $0x4400, s4  }
0xb: {  	v0 =	vimm.f32 $0.0e+00;
	v1 =	vimm.f32 $1.000000000e+00;
	s4 =	sadd.s32 $0xE200, s5;
	s5 =	smax.u32 s6, $0x1;
	s6 =	simm.s32 $0x1  }
.LBB2_1:
0xc: {  	[tilespmem:s2], [sflag:$0x1] =	stream.linear.gather [hbm4b:s3+s2], $0x2780, $0x38;
	[tilespmem:$0x4F80] =	vst v63  }
0xd: {  	_ =	swait.ge [sflag:s6], $0x2780  }
0xe: {  	[sflag:s6] =	ssyncset.done $0x0  }
0xf: {  	s11 =	simm.s32 $0x0;
	[sflag:s6] =	ssyncadd.s32 $0xFFFFD880  }
.LBB2_2:
0x10: {  	p0 =	sne.s32 s11, $0x9FC0  }
.Ltmp0:
0x11: {  	_ = 	snop;
	(pc) =	sbr.rel @p0 .LBB2_2-.Ltmp0, $3  }
0x12: {  	_ =	sdelay $0x1  }
0x13: {  	s12 =	sshra.s32 s11, $0x2  }
0x14: {  	s11 =	sadd.s32 $0x40, s11;
	[tilespmem:s12+$0x2780] =	vst v0  }
0x15: {  	s11 =	simm.s32 $0x0  }
.LBB2_4:
0x16: {  	s12 =	sshra.s32 s11, $0x2  }
0x17: {  	v2 =	vld [tilespmem:s12+$0x0];
	_ =	sdelay $0x7  }
0x18: {  	[tilespmem:v2+s7+$0x0] =	vst.idx.add.f32.msk $0xffff, v1  }
0x19: {  	v2 =	vld [tilespmem:s12+$0x10];
	_ =	sdelay $0x7  }
0x1a: {  	[tilespmem:v2+s7+$0x0] =	vst.idx.add.f32.msk $0xffff, v1  }
0x1b: {  	v2 =	vld [tilespmem:s12+$0x20];
	_ =	sdelay $0x7  }
0x1c: {  	[tilespmem:v2+s7+$0x0] =	vst.idx.add.f32.msk $0xffff, v1  }
0x1d: {  	v2 =	vld [tilespmem:s12+$0x30];
	_ =	sdelay $0x7  }
0x1e: {  	[tilespmem:v2+s7+$0x0] =	vst.idx.add.f32.msk $0xffff, v1  }
0x1f: {  	v2 =	vld [tilespmem:s12+$0x40];
	_ =	sdelay $0x7  }
0x20: {  	[tilespmem:v2+s7+$0x0] =	vst.idx.add.f32.msk $0xffff, v1  }
0x21: {  	v2 =	vld [tilespmem:s12+$0x50];
	_ =	sdelay $0x7  }
0x22: {  	[tilespmem:v2+s7+$0x0] =	vst.idx.add.f32.msk $0xffff, v1  }
0x23: {  	v2 =	vld [tilespmem:s12+$0x60];
	_ =	sdelay $0x7  }
0x24: {  	[tilespmem:v2+s7+$0x0] =	vst.idx.add.f32.msk $0xffff, v1  }
0x25: {  	v2 =	vld [tilespmem:s12+$0x70];
	_ =	sdelay $0x2  }
0x26: {  	p0 =	sne.s32 s11, $0x9C00  }
.Ltmp1:
0x27: {  	_ = 	snop;
	(pc) =	sbr.rel @p0 .LBB2_4-.Ltmp1, $2  }
0x28: {  	_ =	sdelay $0x2  }
0x29: {  	s11 =	sadd.s32 $0x200, s11;
	[tilespmem:v2+s7+$0x0] =	vst.idx.add.f32.msk $0xffff, v1  }
0x2a: {  	s10 =	sadd.s32 $0x1, s10  }
0x2b: {  	p0 =	sne.s32 s10, s5  }
.Ltmp2:
0x2c: {  	_ = 	snop;
	(pc) =	sbr.rel @p0 .LBB2_1-.Ltmp2, $4  }
0x2d: {  	[hbm4b:s4+s8] =	stream.strided.scatter [tilespmem:s7], [sflag:$0x1], $0x2800, s9, s8, $0x38;
	[tilespmem:$0x4F80] =	vst v63  }
0x2e: {  	_ =	swait.ge [sflag:s6], $0x2800  }
0x2f: {  	[sflag:s6] =	ssyncset.done $0x0  }
0x30: {  	[sflag:s6] =	ssyncadd.s32 $0xFFFFD800  }
0x31: {  	_ =	sfence.sel $0x180000  }
0x32: {  	[bflag:$0x0] =	sbarrier.arrive $0xFFFF  }
0x33: {  	p0 =	sne.s32 s0, $0x0;
	_ =	strace $0x90000047  }
0x34: {  	s0 =	sadd.s32 @!p0 $0x100000, s1;
	[bflag:$0x2] =	sbarrier.arrive $0xFFFF  }
0x35: {  	[sflag:s0] =	ssyncadd.tile.s32 @!p0 $0x1;
	_ =	shalt  }
.Lfunc_end2:
_tile_overlayer_lowered:
.L_overlay_start_2:
0x36: {  	(tag) =	ssettag $0x2  }
0x37: {  	s0 =	rddreg [dreg:$0x0];
	s2 =	stileid.u32  }
0x38: {  	s1 =	rddreg [dreg:$0x1];
	p0 =	sne.s32 s2, $0x0  }
0x39: {  	s3 =	rddreg [dreg:$0x2];
	[bflag:$0x3] =	sbarrier.arrive $0xFFFF;
	s2 =	simm.s32 @!p0 $0x1C01  }
0x3a: {  	[timem:s3], [sflag:s2] =	dma.local @!p0 [hbm:s0], s1  }
0x3b: {  	s0 =	simm.s32 @!p0 $0x1  }
0x3c: {  	_ =	swait.ge @!p0 [sflag:s0], s1  }
0x3d: {  	s1 =	ssub.s32 @!p0 $0x0, s1;
	[sflag:s0] =	ssyncset.done @!p0 $0x0  }
0x3e: {  	[sflag:s0] =	ssyncadd.s32 @!p0 s1  }
0x3f: {  	[bflag:$0x3] =	sbarrier.arrive $0xFFFF  }
0x40: {  	_ =	shalt  }

// kernel: kernel.13.cloned.1.call-start
scs
__scs_entry_jumppad:
0x0: {  	(pc) =	sbr.rel $0x88, $3  }
0x1: {  	(tag) =	ssettag $0x0;
	lr =	simm.s32 $0x1  }
0x2: {  	[smem:$0x3F94] =	sst lr;
	_ =	strace $0xD0000000  }
0x3: {  	_ = 	snop  }
0x4: {  	_ = 	snop  }
0x5: {  	_ = 	snop  }
0x6: {  	_ = 	snop  }
0x7: {  	_ = 	snop  }
__scs_overlays_trampoline_lowered:
0x8: {  	[smem:$0x3FA3] =	sst s0  }
0x9: {  	[smem:$0x3FA4] =	sst s1  }
0xa: {  	[smem:$0x3FA5] =	sst s2  }
0xb: {  	[smem:$0x3FA6] =	sst s3  }
0xc: {  	[smem:$0x3FA7] =	sst s4  }
0xd: {  	[smem:$0x3FA8] =	sst s5  }
0xe: {  	[smem:$0x3FA9] =	sst s6  }
0xf: {  	[smem:$0x3FAA] =	sst s7  }
0x10: {  	[smem:$0x3FAB] =	sst s8  }
0x11: {  	[smem:$0x3FAC] =	sst s9;
	s0 =	simm.s32 @!p0 $0x0  }
0x12: {  	s1 =	sld [smem:$0x3F92];
	s0 =	simm.s32 @p0 $0x1  }
0x13: {  	[smem:$0x3FAD] =	sst s0;
	s0 =	simm.s32 @!p1 $0x0  }
0x14: {  	s2 =	sld [smem:$0x3F91];
	s0 =	simm.s32 @p1 $0x1  }
0x15: {  	[smem:$0x3FAE] =	sst s0;
	s0 =	simm.s32 @!p2 $0x0  }
0x16: {  	s3 =	sld [smem:$0x3FDB];
	s0 =	simm.s32 @p2 $0x1  }
0x17: {  	s4 =	simm.s32 $0x1BF5;
	[smem:$0x3FB0] =	sst s0  }
0x18: {  	s0 =	sld [smem:$0x3F93];
	_ =	swait.ge [sflag:s4], $0x0  }
0x19: {  	s7 =	sld [smem:$0x3F94]  }
0x1a: {  	s8 =	sadd.s32 $0xFFFFE003, lr  }
0x1b: {  	s9 =	sadd.s32 $0xFFFFFEF7, lr;
	s5 =	simm.s32 $0xFFFFFFFF;
	p2 =	slt.u32 s8, $0xFFFFF086  }
0x1c: {  	p1 =	slt.u32 s9, $0xF7A;
	s5 =	simm.s32 @!p2 $0x0  }
0x1d: {  	s5 =	simm.s32 @p1 $0x1;
	p0 =	seq.s32 s7, s2  }
0x1e: {  	s7 =	smul.u32 @!p0 $0xF7A, s2;
	p2 =	seq.s32 @!p0 s5, $0x0  }
0x1f: {  	s9 =	smul.u32 $0xF7A, s1;
	s8 =	simm.s32 @!p0 $0x1BF5;
	p2 =	por !p2, p0  }
0x20: {  	[sflag:s8] =	ssyncset.s32 @!p0 $0xFFFFF086;
	s6 =	sadd.s32 @!p0 s3, s7;
	s7 =	simm.s32 @!p0 $0x108  }
0x21: {  	s3 =	sadd.s32 s3, s9;
	s6 =	sadd.s32 @!p0 $0x88, s6;
	s7 =	simm.s32 @p2 $0x1082  }
0x22: {  	[simem:s7], [sflag:s8] =	dma.local @!p0 [hbm:s6], $0xF7A  }
0x23: {  	s9 =	sor.u32 $0xD0000000, s2;
	s6 =	simm.s32 $0x108;
	_ =	swait.ge @!p0 [sflag:s8], $0x0  }
0x24: {  	s3 =	sadd.s32 $0x88, s3;
	s6 =	simm.s32 @!p1 $0x1082;
	[sflag:s4] =	ssyncset.s32 $0xFFFFF086  }
0x25: {  	[simem:s6], [sflag:s4] =	dma.local [hbm:s3], $0xF7A  }
0x26: {  	[smem:$0x3F94] =	sst s1;
	(tag) =	ssettag s2;
	_ =	strace s9  }
0x27: {  	s1 =	sld [smem:$0x3FA4]  }
0x28: {  	s2 =	sld [smem:$0x3FA5]  }
0x29: {  	s4 =	sld [smem:$0x3FA7]  }
0x2a: {  	p0 =	seq.s32 s5, $0x0;
	s5 =	sld [smem:$0x3FA8]  }
0x2b: {  	s6 =	sld [smem:$0x3FA9]  }
0x2c: {  	s7 =	sld [smem:$0x3FAA]  }
0x2d: {  	s3 =	simm.s32 $0x108;
	s8 =	sld [smem:$0x3FAB]  }
0x2e: {  	s3 =	simm.s32 @!p0 $0x1082;
	s9 =	sld [smem:$0x3FAC]  }
0x2f: {  	lr =	sadd.s32 s0, s3;
	s0 =	sld [smem:$0x3FA3]  }
0x30: {  	s3 =	sld [smem:$0x3FA6]  }
0x31: {  	[smem:$0x3FAF] =	sst s10  }
0x32: {  	s10 =	sld [smem:$0x3FAD];
	_ =	sdelay $0x3  }
0x33: {  	p0 =	seq.s32 s10, $0x1;
	s10 =	sld [smem:$0x3FAF];
	_ =	sdelay $0x3  }
0x34: {  	[smem:$0x3FAF] =	sst s10  }
0x35: {  	s10 =	sld [smem:$0x3FAE];
	_ =	sdelay $0x3  }
0x36: {  	p1 =	seq.s32 s10, $0x1;
	s10 =	sld [smem:$0x3FAF];
	_ =	sdelay $0x3  }
0x37: {  	[smem:$0x3FAF] =	sst s10  }
0x38: {  	s10 =	sld [smem:$0x3FB0]  }
0x39: {  	_ = 	snop;
	(pc) =	sbr.ind lr, $3  }
0x3a: {  	_ = 	snop  }
0x3b: {  	_ = 	snop  }
0x3c: {  	p2 =	seq.s32 s10, $0x1;
	s10 =	sld [smem:$0x3FAF]  }
0x3d: {  	_ =	shalt  }
0x3e: {  	_ =	shalt  }
0x3f: {  	_ =	shalt  }
0x40: {  	_ =	shalt  }
0x41: {  	_ =	shalt  }
0x42: {  	_ =	shalt  }
0x43: {  	_ =	shalt  }
0x44: {  	_ =	shalt  }
0x45: {  	_ =	shalt  }
0x46: {  	_ =	shalt  }
0x47: {  	_ =	shalt  }
0x48: {  	_ =	shalt  }
0x49: {  	_ =	shalt  }
0x4a: {  	_ =	shalt  }
0x4b: {  	_ =	shalt  }
0x4c: {  	_ =	shalt  }
0x4d: {  	_ =	shalt  }
0x4e: {  	_ =	shalt  }
0x4f: {  	_ =	shalt  }
0x50: {  	_ =	shalt  }
0x51: {  	_ =	shalt  }
0x52: {  	_ =	shalt  }
0x53: {  	_ =	shalt  }
0x54: {  	_ =	shalt  }
0x55: {  	_ =	shalt  }
0x56: {  	_ =	shalt  }
0x57: {  	_ =	shalt  }
0x58: {  	_ =	shalt  }
0x59: {  	_ =	shalt  }
0x5a: {  	_ =	shalt  }
0x5b: {  	_ =	shalt  }
0x5c: {  	_ =	shalt  }
0x5d: {  	_ =	shalt  }
0x5e: {  	_ =	shalt  }
0x5f: {  	_ =	shalt  }
0x60: {  	_ =	shalt  }
0x61: {  	_ =	shalt  }
0x62: {  	_ =	shalt  }
0x63: {  	_ =	shalt  }
0x64: {  	_ =	shalt  }
0x65: {  	_ =	shalt  }
0x66: {  	_ =	shalt  }
0x67: {  	_ =	shalt  }
0x68: {  	_ =	shalt  }
0x69: {  	_ =	shalt  }
0x6a: {  	_ =	shalt  }
0x6b: {  	_ =	shalt  }
0x6c: {  	_ =	shalt  }
0x6d: {  	_ =	shalt  }
0x6e: {  	_ =	shalt  }
0x6f: {  	_ =	shalt  }
0x70: {  	_ =	shalt  }
0x71: {  	_ =	shalt  }
0x72: {  	_ =	shalt  }
0x73: {  	_ =	shalt  }
0x74: {  	_ =	shalt  }
0x75: {  	_ =	shalt  }
0x76: {  	_ =	shalt  }
0x77: {  	_ =	shalt  }
0x78: {  	_ =	shalt  }
0x79: {  	_ =	shalt  }
0x7a: {  	_ =	shalt  }
0x7b: {  	_ =	shalt  }
0x7c: {  	_ =	shalt  }
0x7d: {  	_ =	shalt  }
0x7e: {  	_ =	shalt  }
0x7f: {  	_ =	shalt  }
0x80: {  	_ =	shalt  }
0x81: {  	_ =	shalt  }
0x82: {  	_ =	shalt  }
0x83: {  	_ =	shalt  }
0x84: {  	_ =	shalt  }
0x85: {  	_ =	shalt  }
0x86: {  	_ =	shalt  }
0x87: {  	_ =	shalt  }
.Lfunc_end0:
.L_simem_size_0:
called_computation.1_lowered:
.L_overlay_start_0:
0x88: {  	s2 =	sld [smem:$0x3FD9]  }
0x89: {  	s3 =	sld [smem:$0x3FFE];
	_ =	sdelay $0x1  }
0x8a: {  	s1 =	srdreg.scid  }
0x8b: {  	s0 =	sand.u32 $0x1, s1  }
0x8c: {  	s16 =	sshll.u32 s0, $0xA;
	s2 =	sadd.s32 s3, s2  }
0x8d: {  	s2 =	sadd.s32 s2, s16  }
0x8e: {  	[smem:$0x3FBB] =	sst s2  }
0x8f: {  	_ = 	snop  }
0x90: {  	(tm) =	ssettm $0x1  }
0x91: {  	s17 =	sld [smem:$0x3FFB];
	_ =	sdelay $0x3  }
0x92: {  	_ =	strace s17  }
0x93: {  	s2 =	sld [smem:$0x3FFC];
	_ =	sdelay $0x3  }
0x94: {  	_ =	strace s2  }
0x95: {  	s2 =	sld [smem:$0x3FFD];
	_ =	sdelay $0x3  }
0x96: {  	_ =	strace s2  }
0x97: {  	_ =	strace $0x8FFFFFFF  }
0x98: {  	s18 =	sld [smem:$0x3FDB];
	_ =	sdelay $0x1  }
0x99: {  	s19 =	simm.s32 $_scs_section_size  }
0x9a: {  	s4 =	simm.s32 $_size__tile_overlayer_lowered;
	s5 =	simm.s32 $_tile_overlayer_lowered  }
0x9b: {  	s22 =	simm.s32 $0x1BFF;
	s21 =	sshll.u32 s5, $0x1;
	s2 =	sadd.s32 s19, s18  }
0x9c: {  	s6 =	simm.s32 $0x0;
	s20 =	sshll.u32 s4, $0x1;
	s4 =	sadd.s32 s21, s2  }
0x9d: {  	[timem:s6], [sflag:s22] =	dma.local [hbm:s4], s20  }
0x9e: {  	_ =	swait.ge [sflag:s22], s20  }
0x9f: {  	s3 =	ssub.s32 $0x0, s20;
	[sflag:s22] =	ssyncset.done $0x0  }
0xa0: {  	[sflag:s22] =	ssyncadd.s32 s3;
	_ =	sdelay $0x1  }
0xa1: {  	s23 =	simm.s32 $0x1B8B  }
0xa2: {  	_ =	swait.ge [sflag:s23], $0x1  }
0xa3: {  	[sflag:s23] =	ssyncset.done $0x0  }
0xa4: {  	s25 =	simm.s32 $0x1B8E;
	s24 =	sld [smem:$0x3FFE];
	[sflag:s23] =	ssyncadd.s32 $0xFFFFFFFF  }
0xa5: {  	s26 =	simm.s32 $execute0_lowered;
	[smem:$0x3FD2] =	sst s25  }
0xa6: {  	s4 =	sshll.u32 s26, $0x1;
	_ =	strace $0x80000049;
	[dreg:$0x1] =	wrdreg $0xFFFFFFFF  }
0xa7: {  	s28 =	simm.s32 $_size_execute0_lowered;
	s2 =	sadd.s32 s2, s4;
	[dreg:$0x0] =	wrdreg $0x0  }
0xa8: {  	s4 =	sshll.u32 s28, $0x1;
	[dreg:$0x2] =	wrdreg s2  }
0xa9: {  	[dreg:$0x3] =	wrdreg s4  }
0xaa: {  	[dreg:$0x4] =	wrdreg $0xC0  }
0xab: {  	_ =	task [dreg:s6], $0x5FFFF  }
0xac: {  	[dreg:$0x1] =	wrdreg $0xFFFFFFFF  }
0xad: {  	[dreg:$0x0] =	wrdreg $0x60  }
0xae: {  	[dreg:$0x2] =	wrdreg s24  }
0xaf: {  	[dreg:$0x3] =	wrdreg $0x12E000  }
0xb0: {  	[dreg:$0x4] =	wrdreg $0x9  }
0xb1: {  	_ =	task.clear_ibuf [dreg:s6], $0x5FFFF;
	_ =	strace $0x90000049  }
0xb2: {  	s29 =	simm.s32 $0x9;
	_ =	strace $0x8000004B  }
0xb3: {  	_ =	swait.ge [sflag:s29], $0x1  }
0xb4: {  	[sflag:s29] =	ssyncadd.s32 $0xFFFFFFFF  }
0xb5: {  	_ =	strace $0x9000004B  }
0xb6: {  	_ =	sfence  }
0xb7: {  	s30 =	sld [smem:$0x0];
	_ =	sdelay $0x2  }
0xb8: {  	s31 =	sshll.u32 s1, $0xD;
	s1 =	sshrl.u32 s1, $0x2  }
0xb9: {  	s3 =	sand.u32 $0x4000, s31;
	s1 =	sadd.s32 s1, s30  }
0xba: {  	s0 =	sor.u32 s3, s0;
	s1 =	sshll.u32 s1, $0x11  }
0xbb: {  	s0 =	sor.u32 s1, s0  }
0xbc: {  	s0 =	sadd.s32 $0x8F2B, s0  }
0xbd: {  	[sflag:s0] =	ssyncadd.remote.s32 $0x1  }
0xbe: {  	_ =	sfence.sel $0xFFFF  }
0xbf: {  	[dreg:$0x0] =	wrdreg $0xFFFFFFFF;
	(pc) =	sbr.abs _section_cstart, $3  }
0xc0: {  	[dreg:$0x1] =	wrdreg $0xFFFFFFFF  }
0xc1: {  	_ =	task.clear_ibuf [dreg:s6], $0x2FFFF;
	_ =	strace $0x9FFFFFFF  }
0xc2: {  	(tm) =	ssettm $0x7FFFFFFF  }
0xc3: {  	_ =	shalt  }
tec
execute0_lowered:
.L_overlay_start_1:
0x0: {  	(tag) =	ssettag $0x1  }
0x1: {  	s5 =	rddreg [dreg:$0x0]  }
0x2: {  	s0 =	srdreg.scid;
	s2 =	rddreg [dreg:$0x1]  }
0x3: {  	s3 =	simm.s32 $0x0;
	s19 =	simm.s32 $0x2;
	s20 =	simm.s32 $0x4F00  }
0x4: {  	s21 =	simm.s32 $0x11E00;
	s22 =	simm.s32 $0x80;
	s6 =	sand.u32 $0x1, s0  }
0x5: {  	s23 =	simm.s32 $0x9E00;
	s0 =	stileid.u32;
	s4 =	smul.u32 $0x4F000, s6  }
0x6: {  	s24 =	simm.s32 $0xDE00;
	s25 =	simm.s32 $0x1;
	s7 =	smul.u32 $0x4F00, s0  }
0x7: {  	s26 =	simm.s32 $0x9D00;
	s28 =	simm.s32 $0x9D80;
	s8 =	smul.u32 $0xA0000, s6  }
0x8: {  	s29 =	simm.s32 $0x0;
	[smem:$0x7FF] =	sst s3;
	s9 =	smul.u32 $0xA000, s0  }
0x9: {  	_ =	strace $0x8000004A;
	s6 =	ssub.s32 $0x2, s6;
	s31 =	smul.u32 $0x28000, s0  }
0xa: {  	s10 =	sshrl.u32 s6, $0x1;
	s7 =	sadd.s32 s7, s4;
	s4 =	sadd.s32 $0x3FA00, s5  }
0xb: {  	s8 =	sadd.s32 s9, s8;
	s10 =	ssub.s32 s6, s10;
	s7 =	sshrl.u32 s7, $0x3  }
0xc: {  	s9 =	sshrl.u32 s31, $0x2;
	s8 =	sshrl.u32 s8, $0x3;
	s7 =	sadd.s32 s7, s5  }
0xd: {  	s8 =	sadd.s32 s8, s5;
	s5 =	sadd.s32 $0x18200, s7;
	s6 =	sadd.s32 $0x2BE00, s7  }
0xe: {  	s7 =	sadd.s32 s9, s2;
	s8 =	sadd.s32 $0x66C00, s8;
	s9 =	smax.u32 s10, $0x1  }
0xf: {  	s10 =	sadd.s32 $0x1000, s7;
	s11 =	sadd.s32 $0x2000, s7;
	s12 =	sadd.s32 $0x3000, s7  }
0x10: {  	s13 =	sadd.s32 $0x4000, s7;
	s14 =	sadd.s32 $0x5000, s7;
	s15 =	sadd.s32 $0x6000, s7  }
0x11: {  	v0 =	vimm.f32 $0.0e+00;
	s16 =	sadd.s32 $0x7000, s7;
	s17 =	sadd.s32 $0x8000, s7;
	s18 =	sadd.s32 $0x9000, s7  }
.LBB2_1:
0x12: {  	[tilespmem:s3], [sflag:$0x2] =	stream.linear.gather [hbm4b:s5+s3], $0x4F00, $0x38;
	[tilespmem:$0x1CE00] =	vst v63  }
0x13: {  	_ =	swait.ge [sflag:s19], $0x4F00  }
0x14: {  	[sflag:s19] =	ssyncset.done $0x0  }
0x15: {  	[sflag:s19] =	ssyncadd.s32 $0xFFFFB100  }
0x16: {  	[tilespmem:s20], [sflag:$0x2] =	stream.linear.gather [hbm4b:s6+s3], $0x4F00, $0x38;
	[tilespmem:$0x1CE00] =	vst v63  }
0x17: {  	_ =	swait.ge [sflag:s19], $0x4F00  }
0x18: {  	[sflag:s19] =	ssyncset.done $0x0  }
0x19: {  	s30 =	simm.s32 $0x0;
	s31 =	simm.s32 $0x200;
	[sflag:s19] =	ssyncadd.s32 $0xFFFFB100  }
.LBB2_2:
0x1a: {  	p0 =	sne.s32 s31, $0x3E00;
	[tilespmem:s30+$0x11E70] =	vst v0  }
0x1b: {  	[tilespmem:s30+$0x11E00] =	vst v0  }
0x1c: {  	[tilespmem:s30+$0x11E10] =	vst v0  }
.Ltmp0:
0x1d: {  	[tilespmem:s30+$0x11E20] =	vst v0;
	(pc) =	sbr.rel @p0 .LBB2_2-.Ltmp0, $4  }
0x1e: {  	[tilespmem:s30+$0x11E30] =	vst v0  }
0x1f: {  	[tilespmem:s30+$0x11E40] =	vst v0  }
0x20: {  	[tilespmem:s30+$0x11E50] =	vst v0  }
0x21: {  	[tilespmem:s30+$0x11E60] =	vst v0;
	s30 =	sshra.s32 s31, $0x2;
	s31 =	sadd.s32 $0x200, s31  }
0x22: {  	[tilespmem:s30+$0x11E70] =	vst v0  }
0x23: {  	[tilespmem:s30+$0x11E00] =	vst v0  }
0x24: {  	[tilespmem:s30+$0x11E10] =	vst v0  }
0x25: {  	[tilespmem:s30+$0x11E20] =	vst v0  }
0x26: {  	[tilespmem:s30+$0x11E30] =	vst v0  }
0x27: {  	[tilespmem:s30+$0x11E40] =	vst v0  }
0x28: {  	[tilespmem:s30+$0x11E50] =	vst v0  }
0x29: {  	[tilespmem:s30+$0x11E60] =	vst v0  }
0x2a: {  	[spmem:s7] =	stream.linear.scatter [tilespmem:s21], [sflag:$0x2], $0x1000, $0x38;
	[tilespmem:$0x1CE00] =	vst v63  }
0x2b: {  	_ =	swait.ge [sflag:s19], $0x1000  }
0x2c: {  	[sflag:s19] =	ssyncset.done $0x0  }
0x2d: {  	[sflag:s19] =	ssyncadd.s32 $0xFFFFF000  }
0x2e: {  	[spmem:s10] =	stream.linear.scatter [tilespmem:s21], [sflag:$0x2], $0x1000, $0x38;
	[tilespmem:$0x1CE00] =	vst v63  }
0x2f: {  	_ =	swait.ge [sflag:s19], $0x1000  }
0x30: {  	[sflag:s19] =	ssyncset.done $0x0  }
0x31: {  	[sflag:s19] =	ssyncadd.s32 $0xFFFFF000  }
0x32: {  	[spmem:s11] =	stream.linear.scatter [tilespmem:s21], [sflag:$0x2], $0x1000, $0x38;
	[tilespmem:$0x1CE00] =	vst v63  }
0x33: {  	_ =	swait.ge [sflag:s19], $0x1000  }
0x34: {  	[sflag:s19] =	ssyncset.done $0x0  }
0x35: {  	[sflag:s19] =	ssyncadd.s32 $0xFFFFF000  }
0x36: {  	[spmem:s12] =	stream.linear.scatter [tilespmem:s21], [sflag:$0x2], $0x1000, $0x38;
	[tilespmem:$0x1CE00] =	vst v63  }
0x37: {  	_ =	swait.ge [sflag:s19], $0x1000  }
0x38: {  	[sflag:s19] =	ssyncset.done $0x0  }
0x39: {  	[sflag:s19] =	ssyncadd.s32 $0xFFFFF000  }
0x3a: {  	[spmem:s13] =	stream.linear.scatter [tilespmem:s21], [sflag:$0x2], $0x1000, $0x38;
	[tilespmem:$0x1CE00] =	vst v63  }
0x3b: {  	_ =	swait.ge [sflag:s19], $0x1000  }
0x3c: {  	[sflag:s19] =	ssyncset.done $0x0  }
0x3d: {  	[sflag:s19] =	ssyncadd.s32 $0xFFFFF000  }
0x3e: {  	[spmem:s14] =	stream.linear.scatter [tilespmem:s21], [sflag:$0x2], $0x1000, $0x38;
	[tilespmem:$0x1CE00] =	vst v63  }
0x3f: {  	_ =	swait.ge [sflag:s19], $0x1000  }
0x40: {  	[sflag:s19] =	ssyncset.done $0x0  }
0x41: {  	[sflag:s19] =	ssyncadd.s32 $0xFFFFF000  }
0x42: {  	[spmem:s15] =	stream.linear.scatter [tilespmem:s21], [sflag:$0x2], $0x1000, $0x38;
	[tilespmem:$0x1CE00] =	vst v63  }
0x43: {  	_ =	swait.ge [sflag:s19], $0x1000  }
0x44: {  	[sflag:s19] =	ssyncset.done $0x0  }
0x45: {  	[sflag:s19] =	ssyncadd.s32 $0xFFFFF000  }
0x46: {  	[spmem:s16] =	stream.linear.scatter [tilespmem:s21], [sflag:$0x2], $0x1000, $0x38;
	[tilespmem:$0x1CE00] =	vst v63  }
0x47: {  	_ =	swait.ge [sflag:s19], $0x1000  }
0x48: {  	[sflag:s19] =	ssyncset.done $0x0  }
0x49: {  	[sflag:s19] =	ssyncadd.s32 $0xFFFFF000  }
0x4a: {  	[spmem:s17] =	stream.linear.scatter [tilespmem:s21], [sflag:$0x2], $0x1000, $0x38;
	[tilespmem:$0x1CE00] =	vst v63  }
0x4b: {  	_ =	swait.ge [sflag:s19], $0x1000  }
0x4c: {  	[sflag:s19] =	ssyncset.done $0x0  }
0x4d: {  	[sflag:s19] =	ssyncadd.s32 $0xFFFFF000  }
0x4e: {  	[spmem:s18] =	stream.linear.scatter [tilespmem:s21], [sflag:$0x2], $0x1000, $0x38;
	[tilespmem:$0x1CE00] =	vst v63  }
0x4f: {  	_ =	swait.ge [sflag:s19], $0x1000  }
0x50: {  	[sflag:s19] =	ssyncset.done $0x0  }
0x51: {  	[sflag:s19] =	ssyncadd.s32 $0xFFFFF000  }
0x52: {  	[bflag:$0x0] =	sbarrier.arrive $0xFFFF  }
0x53: {  	(ifvalue) =	ssetifvalue $0xFFFFFFFF  }
0x54: {  	s30 =	simm.s32 $0x0;
	(ifvalue) =	ssetifvalue $0xFFFFFFFF  }
0x55: {  	[tilespmem:s23], [sflag:$0x1] =	stream.indirect.gather [hbm4b:s4+s22], $0x80, s30, s22, $0x40b8;
	[tilespmem:$0x1CE00] =	vst v63  }
0x56: {  	(ifvalue) =	ssetifvalue $0xFFFFFFFF  }
0x57: {  	(ifvalue) =	ssetifvalue $0xFFFFFFFF  }
0x58: {  	[tilespmem:s24], [sflag:$0x1] =	stream.indirect.gather [hbm4b:s4+s22], $0x80, s22, s22, $0x40b8;
	[tilespmem:$0x1CE00] =	vst v63  }
0x59: {  	_ =	swait.ge [sflag:s25], $0x4000  }
0x5a: {  	[sflag:s25] =	ssyncset.done $0x0  }
0x5b: {  	s30 =	simm.s32 $0x4F00;
	[sflag:s25] =	ssyncadd.s32 $0xFFFFC000;
	(ifvalue) =	ssetifvalue $0xFFFFFFFF  }
0x5c: {  	[spmem:s2] =	stream.indirect.scatter.add.f32 [tilespmem:s23], [sflag:$0x2], $0x80, s30, s22, $0x40b8;
	[tilespmem:$0x1CE00] =	vst v63  }
0x5d: {  	_ =	swait.ge [sflag:s19], $0x4000  }
0x5e: {  	[sflag:s19] =	ssyncset.done $0x0  }
0x5f: {  	[sflag:s19] =	ssyncadd.s32 $0xFFFFC000;
	(ifvalue) =	ssetifvalue $0xFFFFFFFF  }
0x60: {  	s30 =	simm.s32 $0x100;
	(ifvalue) =	ssetifvalue $0xFFFFFFFF  }
0x61: {  	[tilespmem:s23], [sflag:$0x1] =	stream.indirect.gather [hbm4b:s4+s22], $0x80, s30, s22, $0x40b8;
	[tilespmem:$0x1CE00] =	vst v63  }
0x62: {  	_ =	swait.ge [sflag:s25], $0x4000  }
0x63: {  	[sflag:s25] =	ssyncset.done $0x0  }
0x64: {  	s30 =	simm.s32 $0x4F80;
	[sflag:s25] =	ssyncadd.s32 $0xFFFFC000;
	(ifvalue) =	ssetifvalue $0xFFFFFFFF  }
0x65: {  	[spmem:s2] =	stream.indirect.scatter.add.f32 [tilespmem:s24], [sflag:$0x2], $0x80, s30, s22, $0x40b8;
	[tilespmem:$0x1CE00] =	vst v63  }
0x66: {  	_ =	swait.ge [sflag:s19], $0x4000  }
0x67: {  	[sflag:s19] =	ssyncset.done $0x0  }
0x68: {  	[sflag:s19] =	ssyncadd.s32 $0xFFFFC000;
	(ifvalue) =	ssetifvalue $0xFFFFFFFF  }
0x69: {  	s31 =	simm.s32 $0x180;
	s30 =	simm.s32 $0x400;
	(ifvalue) =	ssetifvalue $0xFFFFFFFF  }
.LBB2_4:
0x6a: {  	[tilespmem:s24], [sflag:$0x1] =	stream.indirect.gather [hbm4b:s4+s22], $0x80, s31, s22, $0x40b8;
	[tilespmem:$0x1CE00] =	vst v63  }
0x6b: {  	s31 =	smov.u32 s30  }
0x6c: {  	p0 =	sne.s32 s30, $0x13400;
	s30 =	sadd.s32 $0x400, s30;
	_ =	swait.ge [sflag:s25], $0x4000  }
0x6d: {  	[sflag:s25] =	ssyncset.done $0x0  }
0x6e: {  	s31 =	sshra.s32 s31, $0x2;
	[sflag:s25] =	ssyncadd.s32 $0xFFFFC000  }
0x6f: {  	s1 =	sadd.s32 $0x4F00, s31;
	(ifvalue) =	ssetifvalue $0xFFFFFFFF  }
0x70: {  	[spmem:s2] =	stream.indirect.scatter.add.f32 [tilespmem:s23], [sflag:$0x2], $0x80, s1, s22, $0x40b8;
	[tilespmem:$0x1CE00] =	vst v63  }
0x71: {  	_ =	swait.ge [sflag:s19], $0x4000  }
0x72: {  	[sflag:s19] =	ssyncset.done $0x0  }
0x73: {  	[sflag:s19] =	ssyncadd.s32 $0xFFFFC000  }
0x74: {  	(ifvalue) =	ssetifvalue $0xFFFFFFFF  }
0x75: {  	s1 =	sadd.s32 $0x100, s31;
	(ifvalue) =	ssetifvalue $0xFFFFFFFF  }
0x76: {  	[tilespmem:s23], [sflag:$0x1] =	stream.indirect.gather [hbm4b:s4+s22], $0x80, s1, s22, $0x40b8;
	[tilespmem:$0x1CE00] =	vst v63  }
0x77: {  	_ =	swait.ge [sflag:s25], $0x4000  }
0x78: {  	[sflag:s25] =	ssyncset.done $0x0  }
0x79: {  	[sflag:s25] =	ssyncadd.s32 $0xFFFFC000  }
0x7a: {  	s1 =	sadd.s32 $0x4F80, s31;
	(ifvalue) =	ssetifvalue $0xFFFFFFFF  }
0x7b: {  	[spmem:s2] =	stream.indirect.scatter.add.f32 [tilespmem:s24], [sflag:$0x2], $0x80, s1, s22, $0x40b8;
	[tilespmem:$0x1CE00] =	vst v63  }
.Ltmp1:
0x7c: {  	_ =	swait.ge [sflag:s19], $0x4000;
	(pc) =	sbr.rel @p0 .LBB2_4-.Ltmp1, $4  }
0x7d: {  	[sflag:s19] =	ssyncset.done $0x0  }
0x7e: {  	[sflag:s19] =	ssyncadd.s32 $0xFFFFC000  }
0x7f: {  	(ifvalue) =	ssetifvalue $0xFFFFFFFF  }
0x80: {  	s31 =	sadd.s32 $0x180, s31;
	(ifvalue) =	ssetifvalue $0xFFFFFFFF  }
0x81: {  	[tilespmem:s24], [sflag:$0x1] =	stream.indirect.gather [hbm4b:s4+s22], $0x80, s31, s22, $0x40b8;
	[tilespmem:$0x1CE00] =	vst v63  }
0x82: {  	_ =	swait.ge [sflag:s25], $0x4000  }
0x83: {  	[sflag:s25] =	ssyncset.done $0x0  }
0x84: {  	[sflag:s25] =	ssyncadd.s32 $0xFFFFC000;
	(ifvalue) =	ssetifvalue $0xFFFFFFFF  }
0x85: {  	[spmem:s2] =	stream.indirect.scatter.add.f32 [tilespmem:s23], [sflag:$0x2], $0x80, s26, s22, $0x40b8;
	[tilespmem:$0x1CE00] =	vst v63  }
0x86: {  	_ =	swait.ge [sflag:s19], $0x4000  }
0x87: {  	[sflag:s19] =	ssyncset.done $0x0  }
0x88: {  	[sflag:s19] =	ssyncadd.s32 $0xFFFFC000  }
0x89: {  	_ =	swait.ge [sflag:s25], $0x4000  }
0x8a: {  	[sflag:s25] =	ssyncset.done $0x0  }
0x8b: {  	[sflag:s25] =	ssyncadd.s32 $0xFFFFC000;
	(ifvalue) =	ssetifvalue $0xFFFFFFFF  }
0x8c: {  	[spmem:s2] =	stream.indirect.scatter.add.f32 [tilespmem:s24], [sflag:$0x2], $0x80, s28, s22, $0x40b8;
	[tilespmem:$0x1CE00] =	vst v63  }
0x8d: {  	_ =	swait.ge [sflag:s19], $0x4000  }
0x8e: {  	s1 =	sshll.u32 s0, $0x6;
	s29 =	sadd.s32 $0x1, s29;
	[sflag:s19] =	ssyncset.done $0x0  }
0x8f: {  	s30 =	sshrl.u32 s7, $0x3;
	p0 =	sne.s32 s29, s9;
	[sflag:s19] =	ssyncadd.s32 $0xFFFFC000  }
.Ltmp2:
0x90: {  	s1 =	sor.u32 $0x1C02, s1;
	[bflag:$0x0] =	sbarrier.arrive $0xFFFF;
	(pc) =	sbr.rel @p0 .LBB2_1-.Ltmp2, $4  }
0x91: {  	[hbm:s8], [sflag:s1] =	dma.local [spmem:s30], $0x1400  }
0x92: {  	_ =	swait.ge [sflag:s19], $0x1400  }
0x93: {  	[sflag:s19] =	ssyncset.done $0x0  }
0x94: {  	[sflag:s19] =	ssyncadd.s32 $0xFFFFEC00  }
0x95: {  	_ =	sfence.sel $0x180000  }
0x96: {  	[bflag:$0x0] =	sbarrier.arrive $0xFFFF  }
0x97: {  	_ =	strace $0x9000004A  }
0x98: {  	[bflag:$0x2] =	sbarrier.arrive $0xFFFF  }
0x99: {  	p0 =	sne.s32 s0, $0x0;
	s0 =	rddreg [dreg:$0x2]  }
0x9a: {  	s0 =	sadd.s32 @!p0 $0x100000, s0  }
0x9b: {  	[sflag:s0] =	ssyncadd.tile.s32 @!p0 $0x1;
	_ =	shalt  }
.Lfunc_end2:
_tile_overlayer_lowered:
.L_overlay_start_2:
0x9c: {  	(tag) =	ssettag $0x2  }
0x9d: {  	s0 =	rddreg [dreg:$0x0];
	s2 =	stileid.u32  }
0x9e: {  	s1 =	rddreg [dreg:$0x1];
	p0 =	sne.s32 s2, $0x0  }
0x9f: {  	s3 =	rddreg [dreg:$0x2];
	[bflag:$0x3] =	sbarrier.arrive $0xFFFF;
	s2 =	simm.s32 @!p0 $0x1C02  }
0xa0: {  	[timem:s3], [sflag:s2] =	dma.local @!p0 [hbm:s0], s1  }
0xa1: {  	s0 =	simm.s32 @!p0 $0x2  }
0xa2: {  	_ =	swait.ge @!p0 [sflag:s0], s1  }
0xa3: {  	s1 =	ssub.s32 @!p0 $0x0, s1;
	[sflag:s0] =	ssyncset.done @!p0 $0x0  }
0xa4: {  	[sflag:s0] =	ssyncadd.s32 @!p0 s1  }
0xa5: {  	[bflag:$0x3] =	sbarrier.arrive $0xFFFF  }
0xa6: {  	_ =	shalt  }

// kernel: kernel.16.cloned.1.call-start
scs
__scs_entry_jumppad:
0x0: {  	(pc) =	sbr.rel $0x88, $3  }
0x1: {  	(tag) =	ssettag $0x0;
	lr =	simm.s32 $0x1  }
0x2: {  	[smem:$0x3F94] =	sst lr;
	_ =	strace $0xD0000000  }
0x3: {  	_ = 	snop  }
0x4: {  	_ = 	snop  }
0x5: {  	_ = 	snop  }
0x6: {  	_ = 	snop  }
0x7: {  	_ = 	snop  }
__scs_overlays_trampoline_lowered:
0x8: {  	[smem:$0x3FA3] =	sst s0  }
0x9: {  	[smem:$0x3FA4] =	sst s1  }
0xa: {  	[smem:$0x3FA5] =	sst s2  }
0xb: {  	[smem:$0x3FA6] =	sst s3  }
0xc: {  	[smem:$0x3FA7] =	sst s4  }
0xd: {  	[smem:$0x3FA8] =	sst s5  }
0xe: {  	[smem:$0x3FA9] =	sst s6  }
0xf: {  	[smem:$0x3FAA] =	sst s7  }
0x10: {  	[smem:$0x3FAB] =	sst s8  }
0x11: {  	[smem:$0x3FAC] =	sst s9;
	s0 =	simm.s32 @!p0 $0x0  }
0x12: {  	s1 =	sld [smem:$0x3F92];
	s0 =	simm.s32 @p0 $0x1  }
0x13: {  	[smem:$0x3FAD] =	sst s0;
	s0 =	simm.s32 @!p1 $0x0  }
0x14: {  	s2 =	sld [smem:$0x3F91];
	s0 =	simm.s32 @p1 $0x1  }
0x15: {  	[smem:$0x3FAE] =	sst s0;
	s0 =	simm.s32 @!p2 $0x0  }
0x16: {  	s3 =	sld [smem:$0x3FDB];
	s0 =	simm.s32 @p2 $0x1  }
0x17: {  	s4 =	simm.s32 $0x1BF5;
	[smem:$0x3FB0] =	sst s0  }
0x18: {  	s0 =	sld [smem:$0x3F93];
	_ =	swait.ge [sflag:s4], $0x0  }
0x19: {  	s7 =	sld [smem:$0x3F94]  }
0x1a: {  	s8 =	sadd.s32 $0xFFFFE003, lr  }
0x1b: {  	s9 =	sadd.s32 $0xFFFFFEF7, lr;
	s5 =	simm.s32 $0xFFFFFFFF;
	p2 =	slt.u32 s8, $0xFFFFF086  }
0x1c: {  	p1 =	slt.u32 s9, $0xF7A;
	s5 =	simm.s32 @!p2 $0x0  }
0x1d: {  	s5 =	simm.s32 @p1 $0x1;
	p0 =	seq.s32 s7, s2  }
0x1e: {  	s7 =	smul.u32 @!p0 $0xF7A, s2;
	p2 =	seq.s32 @!p0 s5, $0x0  }
0x1f: {  	s9 =	smul.u32 $0xF7A, s1;
	s8 =	simm.s32 @!p0 $0x1BF5;
	p2 =	por !p2, p0  }
0x20: {  	[sflag:s8] =	ssyncset.s32 @!p0 $0xFFFFF086;
	s6 =	sadd.s32 @!p0 s3, s7;
	s7 =	simm.s32 @!p0 $0x108  }
0x21: {  	s3 =	sadd.s32 s3, s9;
	s6 =	sadd.s32 @!p0 $0x88, s6;
	s7 =	simm.s32 @p2 $0x1082  }
0x22: {  	[simem:s7], [sflag:s8] =	dma.local @!p0 [hbm:s6], $0xF7A  }
0x23: {  	s9 =	sor.u32 $0xD0000000, s2;
	s6 =	simm.s32 $0x108;
	_ =	swait.ge @!p0 [sflag:s8], $0x0  }
0x24: {  	s3 =	sadd.s32 $0x88, s3;
	s6 =	simm.s32 @!p1 $0x1082;
	[sflag:s4] =	ssyncset.s32 $0xFFFFF086  }
0x25: {  	[simem:s6], [sflag:s4] =	dma.local [hbm:s3], $0xF7A  }
0x26: {  	[smem:$0x3F94] =	sst s1;
	(tag) =	ssettag s2;
	_ =	strace s9  }
0x27: {  	s1 =	sld [smem:$0x3FA4]  }
0x28: {  	s2 =	sld [smem:$0x3FA5]  }
0x29: {  	s4 =	sld [smem:$0x3FA7]  }
0x2a: {  	p0 =	seq.s32 s5, $0x0;
	s5 =	sld [smem:$0x3FA8]  }
0x2b: {  	s6 =	sld [smem:$0x3FA9]  }
0x2c: {  	s7 =	sld [smem:$0x3FAA]  }
0x2d: {  	s3 =	simm.s32 $0x108;
	s8 =	sld [smem:$0x3FAB]  }
0x2e: {  	s3 =	simm.s32 @!p0 $0x1082;
	s9 =	sld [smem:$0x3FAC]  }
0x2f: {  	lr =	sadd.s32 s0, s3;
	s0 =	sld [smem:$0x3FA3]  }
0x30: {  	s3 =	sld [smem:$0x3FA6]  }
0x31: {  	[smem:$0x3FAF] =	sst s10  }
0x32: {  	s10 =	sld [smem:$0x3FAD];
	_ =	sdelay $0x3  }
0x33: {  	p0 =	seq.s32 s10, $0x1;
	s10 =	sld [smem:$0x3FAF];
	_ =	sdelay $0x3  }
0x34: {  	[smem:$0x3FAF] =	sst s10  }
0x35: {  	s10 =	sld [smem:$0x3FAE];
	_ =	sdelay $0x3  }
0x36: {  	p1 =	seq.s32 s10, $0x1;
	s10 =	sld [smem:$0x3FAF];
	_ =	sdelay $0x3  }
0x37: {  	[smem:$0x3FAF] =	sst s10  }
0x38: {  	s10 =	sld [smem:$0x3FB0]  }
0x39: {  	_ = 	snop;
	(pc) =	sbr.ind lr, $3  }
0x3a: {  	_ = 	snop  }
0x3b: {  	_ = 	snop  }
0x3c: {  	p2 =	seq.s32 s10, $0x1;
	s10 =	sld [smem:$0x3FAF]  }
0x3d: {  	_ =	shalt  }
0x3e: {  	_ =	shalt  }
0x3f: {  	_ =	shalt  }
0x40: {  	_ =	shalt  }
0x41: {  	_ =	shalt  }
0x42: {  	_ =	shalt  }
0x43: {  	_ =	shalt  }
0x44: {  	_ =	shalt  }
0x45: {  	_ =	shalt  }
0x46: {  	_ =	shalt  }
0x47: {  	_ =	shalt  }
0x48: {  	_ =	shalt  }
0x49: {  	_ =	shalt  }
0x4a: {  	_ =	shalt  }
0x4b: {  	_ =	shalt  }
0x4c: {  	_ =	shalt  }
0x4d: {  	_ =	shalt  }
0x4e: {  	_ =	shalt  }
0x4f: {  	_ =	shalt  }
0x50: {  	_ =	shalt  }
0x51: {  	_ =	shalt  }
0x52: {  	_ =	shalt  }
0x53: {  	_ =	shalt  }
0x54: {  	_ =	shalt  }
0x55: {  	_ =	shalt  }
0x56: {  	_ =	shalt  }
0x57: {  	_ =	shalt  }
0x58: {  	_ =	shalt  }
0x59: {  	_ =	shalt  }
0x5a: {  	_ =	shalt  }
0x5b: {  	_ =	shalt  }
0x5c: {  	_ =	shalt  }
0x5d: {  	_ =	shalt  }
0x5e: {  	_ =	shalt  }
0x5f: {  	_ =	shalt  }
0x60: {  	_ =	shalt  }
0x61: {  	_ =	shalt  }
0x62: {  	_ =	shalt  }
0x63: {  	_ =	shalt  }
0x64: {  	_ =	shalt  }
0x65: {  	_ =	shalt  }
0x66: {  	_ =	shalt  }
0x67: {  	_ =	shalt  }
0x68: {  	_ =	shalt  }
0x69: {  	_ =	shalt  }
0x6a: {  	_ =	shalt  }
0x6b: {  	_ =	shalt  }
0x6c: {  	_ =	shalt  }
0x6d: {  	_ =	shalt  }
0x6e: {  	_ =	shalt  }
0x6f: {  	_ =	shalt  }
0x70: {  	_ =	shalt  }
0x71: {  	_ =	shalt  }
0x72: {  	_ =	shalt  }
0x73: {  	_ =	shalt  }
0x74: {  	_ =	shalt  }
0x75: {  	_ =	shalt  }
0x76: {  	_ =	shalt  }
0x77: {  	_ =	shalt  }
0x78: {  	_ =	shalt  }
0x79: {  	_ =	shalt  }
0x7a: {  	_ =	shalt  }
0x7b: {  	_ =	shalt  }
0x7c: {  	_ =	shalt  }
0x7d: {  	_ =	shalt  }
0x7e: {  	_ =	shalt  }
0x7f: {  	_ =	shalt  }
0x80: {  	_ =	shalt  }
0x81: {  	_ =	shalt  }
0x82: {  	_ =	shalt  }
0x83: {  	_ =	shalt  }
0x84: {  	_ =	shalt  }
0x85: {  	_ =	shalt  }
0x86: {  	_ =	shalt  }
0x87: {  	_ =	shalt  }
.Lfunc_end0:
.L_simem_size_0:
called_computation.2_lowered:
.L_overlay_start_0:
0x88: {  	s2 =	sld [smem:$0x3FD9]  }
0x89: {  	s3 =	sld [smem:$0x3FFE];
	_ =	sdelay $0x1  }
0x8a: {  	s1 =	srdreg.scid  }
0x8b: {  	s0 =	sand.u32 $0x1, s1  }
0x8c: {  	s16 =	sshll.u32 s0, $0xA;
	s2 =	sadd.s32 s3, s2  }
0x8d: {  	s2 =	sadd.s32 s2, s16  }
0x8e: {  	[smem:$0x3FBB] =	sst s2  }
0x8f: {  	_ = 	snop  }
0x90: {  	(tm) =	ssettm $0x1  }
0x91: {  	s17 =	sld [smem:$0x3FFB];
	_ =	sdelay $0x3  }
0x92: {  	_ =	strace s17  }
0x93: {  	s2 =	sld [smem:$0x3FFC];
	_ =	sdelay $0x3  }
0x94: {  	_ =	strace s2  }
0x95: {  	s2 =	sld [smem:$0x3FFD];
	_ =	sdelay $0x3  }
0x96: {  	_ =	strace s2  }
0x97: {  	_ =	strace $0x8FFFFFFF  }
0x98: {  	s18 =	sld [smem:$0x3FDB];
	_ =	sdelay $0x1  }
0x99: {  	s19 =	simm.s32 $_scs_section_size  }
0x9a: {  	s4 =	simm.s32 $_size__tile_overlayer_lowered;
	s5 =	simm.s32 $_tile_overlayer_lowered  }
0x9b: {  	s22 =	simm.s32 $0x1BFF;
	s21 =	sshll.u32 s5, $0x1;
	s2 =	sadd.s32 s19, s18  }
0x9c: {  	s6 =	simm.s32 $0x0;
	s20 =	sshll.u32 s4, $0x1;
	s4 =	sadd.s32 s21, s2  }
0x9d: {  	[timem:s6], [sflag:s22] =	dma.local [hbm:s4], s20  }
0x9e: {  	_ =	swait.ge [sflag:s22], s20  }
0x9f: {  	s3 =	ssub.s32 $0x0, s20;
	[sflag:s22] =	ssyncset.done $0x0  }
0xa0: {  	[sflag:s22] =	ssyncadd.s32 s3;
	_ =	sdelay $0x1  }
0xa1: {  	s23 =	simm.s32 $0x1B8B  }
0xa2: {  	_ =	swait.ge [sflag:s23], $0x1  }
0xa3: {  	[sflag:s23] =	ssyncset.done $0x0  }
0xa4: {  	s25 =	simm.s32 $0x1B8E;
	s24 =	sld [smem:$0x3FFE];
	[sflag:s23] =	ssyncadd.s32 $0xFFFFFFFF  }
0xa5: {  	s26 =	simm.s32 $execute0_lowered;
	[smem:$0x3FD2] =	sst s25  }
0xa6: {  	s4 =	sshll.u32 s26, $0x1;
	_ =	strace $0x8000004C;
	[dreg:$0x1] =	wrdreg $0xFFFFFFFF  }
0xa7: {  	s28 =	simm.s32 $_size_execute0_lowered;
	s2 =	sadd.s32 s2, s4;
	[dreg:$0x0] =	wrdreg $0x0  }
0xa8: {  	s4 =	sshll.u32 s28, $0x1;
	[dreg:$0x2] =	wrdreg s2  }
0xa9: {  	[dreg:$0x3] =	wrdreg s4  }
0xaa: {  	[dreg:$0x4] =	wrdreg $0xC0  }
0xab: {  	_ =	task [dreg:s6], $0x5FFFF  }
0xac: {  	[dreg:$0x1] =	wrdreg $0xFFFFFFFF  }
0xad: {  	[dreg:$0x0] =	wrdreg $0x60  }
0xae: {  	[dreg:$0x2] =	wrdreg s24  }
0xaf: {  	[dreg:$0x3] =	wrdreg $0x12E000  }
0xb0: {  	[dreg:$0x4] =	wrdreg $0x9  }
0xb1: {  	_ =	task.clear_ibuf [dreg:s6], $0x5FFFF;
	_ =	strace $0x9000004C  }
0xb2: {  	s29 =	simm.s32 $0x9;
	_ =	strace $0x8000004E  }
0xb3: {  	_ =	swait.ge [sflag:s29], $0x1  }
0xb4: {  	[sflag:s29] =	ssyncadd.s32 $0xFFFFFFFF  }
0xb5: {  	_ =	strace $0x9000004E  }
0xb6: {  	_ =	sfence  }
0xb7: {  	s30 =	sld [smem:$0x0];
	_ =	sdelay $0x2  }
0xb8: {  	s31 =	sshll.u32 s1, $0xD;
	s1 =	sshrl.u32 s1, $0x2  }
0xb9: {  	s3 =	sand.u32 $0x4000, s31;
	s1 =	sadd.s32 s1, s30  }
0xba: {  	s0 =	sor.u32 s3, s0;
	s1 =	sshll.u32 s1, $0x11  }
0xbb: {  	s0 =	sor.u32 s1, s0  }
0xbc: {  	s0 =	sadd.s32 $0x8F2B, s0  }
0xbd: {  	[sflag:s0] =	ssyncadd.remote.s32 $0x1  }
0xbe: {  	_ =	sfence.sel $0xFFFF  }
0xbf: {  	[dreg:$0x0] =	wrdreg $0xFFFFFFFF;
	(pc) =	sbr.abs _section_cstart, $3  }
0xc0: {  	[dreg:$0x1] =	wrdreg $0xFFFFFFFF  }
0xc1: {  	_ =	task.clear_ibuf [dreg:s6], $0x2FFFF;
	_ =	strace $0x9FFFFFFF  }
0xc2: {  	(tm) =	ssettm $0x7FFFFFFF  }
0xc3: {  	_ =	shalt  }
tec
execute0_lowered:
.L_overlay_start_1:
0x0: {  	(tag) =	ssettag $0x1  }
0x1: {  	s5 =	rddreg [dreg:$0x0]  }
0x2: {  	s0 =	srdreg.scid;
	s2 =	rddreg [dreg:$0x1]  }
0x3: {  	s3 =	simm.s32 $0x0;
	s19 =	simm.s32 $0x2;
	s20 =	simm.s32 $0x4F00  }
0x4: {  	s21 =	simm.s32 $0x11E00;
	s22 =	simm.s32 $0x80;
	s6 =	sand.u32 $0x1, s0  }
0x5: {  	s23 =	simm.s32 $0x9E00;
	s0 =	stileid.u32;
	s4 =	smul.u32 $0x4F000, s6  }
0x6: {  	s24 =	simm.s32 $0xDE00;
	s25 =	simm.s32 $0x1;
	s7 =	smul.u32 $0x4F00, s0  }
0x7: {  	s26 =	simm.s32 $0x9D00;
	s28 =	simm.s32 $0x9D80;
	s8 =	smul.u32 $0xA0000, s6  }
0x8: {  	s29 =	simm.s32 $0x0;
	[smem:$0x7FF] =	sst s3;
	s9 =	smul.u32 $0xA000, s0  }
0x9: {  	_ =	strace $0x8000004D;
	s6 =	ssub.s32 $0x2, s6;
	s31 =	smul.u32 $0x28000, s0  }
0xa: {  	s10 =	sshrl.u32 s6, $0x1;
	s7 =	sadd.s32 s7, s4;
	s4 =	sadd.s32 $0x3FA00, s5  }
0xb: {  	s8 =	sadd.s32 s9, s8;
	s10 =	ssub.s32 s6, s10;
	s7 =	sshrl.u32 s7, $0x3  }
0xc: {  	s9 =	sshrl.u32 s31, $0x2;
	s8 =	sshrl.u32 s8, $0x3;
	s7 =	sadd.s32 s7, s5  }
0xd: {  	s8 =	sadd.s32 s8, s5;
	s5 =	sadd.s32 $0x18200, s7;
	s6 =	sadd.s32 $0x2BE00, s7  }
0xe: {  	s7 =	sadd.s32 s9, s2;
	s8 =	sadd.s32 $0x66C00, s8;
	s9 =	smax.u32 s10, $0x1  }
0xf: {  	s10 =	sadd.s32 $0x1000, s7;
	s11 =	sadd.s32 $0x2000, s7;
	s12 =	sadd.s32 $0x3000, s7  }
0x10: {  	s13 =	sadd.s32 $0x4000, s7;
	s14 =	sadd.s32 $0x5000, s7;
	s15 =	sadd.s32 $0x6000, s7  }
0x11: {  	v0 =	vimm.f32 $0.0e+00;
	s16 =	sadd.s32 $0x7000, s7;
	s17 =	sadd.s32 $0x8000, s7;
	s18 =	sadd.s32 $0x9000, s7  }
.LBB2_1:
0x12: {  	[tilespmem:s3], [sflag:$0x2] =	stream.linear.gather [hbm4b:s5+s3], $0x4F00, $0x38;
	[tilespmem:$0x1CE00] =	vst v63  }
0x13: {  	_ =	swait.ge [sflag:s19], $0x4F00  }
0x14: {  	[sflag:s19] =	ssyncset.done $0x0  }
0x15: {  	[sflag:s19] =	ssyncadd.s32 $0xFFFFB100  }
0x16: {  	[tilespmem:s20], [sflag:$0x2] =	stream.linear.gather [hbm4b:s6+s3], $0x4F00, $0x38;
	[tilespmem:$0x1CE00] =	vst v63  }
0x17: {  	_ =	swait.ge [sflag:s19], $0x4F00  }
0x18: {  	[sflag:s19] =	ssyncset.done $0x0  }
0x19: {  	s30 =	simm.s32 $0x0;
	s31 =	simm.s32 $0x200;
	[sflag:s19] =	ssyncadd.s32 $0xFFFFB100  }
.LBB2_2:
0x1a: {  	p0 =	sne.s32 s31, $0x3E00;
	[tilespmem:s30+$0x11E70] =	vst v0  }
0x1b: {  	[tilespmem:s30+$0x11E00] =	vst v0  }
0x1c: {  	[tilespmem:s30+$0x11E10] =	vst v0  }
.Ltmp0:
0x1d: {  	[tilespmem:s30+$0x11E20] =	vst v0;
	(pc) =	sbr.rel @p0 .LBB2_2-.Ltmp0, $4  }
0x1e: {  	[tilespmem:s30+$0x11E30] =	vst v0  }
0x1f: {  	[tilespmem:s30+$0x11E40] =	vst v0  }
0x20: {  	[tilespmem:s30+$0x11E50] =	vst v0  }
0x21: {  	[tilespmem:s30+$0x11E60] =	vst v0;
	s30 =	sshra.s32 s31, $0x2;
	s31 =	sadd.s32 $0x200, s31  }
0x22: {  	[tilespmem:s30+$0x11E70] =	vst v0  }
0x23: {  	[tilespmem:s30+$0x11E00] =	vst v0  }
0x24: {  	[tilespmem:s30+$0x11E10] =	vst v0  }
0x25: {  	[tilespmem:s30+$0x11E20] =	vst v0  }
0x26: {  	[tilespmem:s30+$0x11E30] =	vst v0  }
0x27: {  	[tilespmem:s30+$0x11E40] =	vst v0  }
0x28: {  	[tilespmem:s30+$0x11E50] =	vst v0  }
0x29: {  	[tilespmem:s30+$0x11E60] =	vst v0  }
0x2a: {  	[spmem:s7] =	stream.linear.scatter [tilespmem:s21], [sflag:$0x2], $0x1000, $0x38;
	[tilespmem:$0x1CE00] =	vst v63  }
0x2b: {  	_ =	swait.ge [sflag:s19], $0x1000  }
0x2c: {  	[sflag:s19] =	ssyncset.done $0x0  }
0x2d: {  	[sflag:s19] =	ssyncadd.s32 $0xFFFFF000  }
0x2e: {  	[spmem:s10] =	stream.linear.scatter [tilespmem:s21], [sflag:$0x2], $0x1000, $0x38;
	[tilespmem:$0x1CE00] =	vst v63  }
0x2f: {  	_ =	swait.ge [sflag:s19], $0x1000  }
0x30: {  	[sflag:s19] =	ssyncset.done $0x0  }
0x31: {  	[sflag:s19] =	ssyncadd.s32 $0xFFFFF000  }
0x32: {  	[spmem:s11] =	stream.linear.scatter [tilespmem:s21], [sflag:$0x2], $0x1000, $0x38;
	[tilespmem:$0x1CE00] =	vst v63  }
0x33: {  	_ =	swait.ge [sflag:s19], $0x1000  }
0x34: {  	[sflag:s19] =	ssyncset.done $0x0  }
0x35: {  	[sflag:s19] =	ssyncadd.s32 $0xFFFFF000  }
0x36: {  	[spmem:s12] =	stream.linear.scatter [tilespmem:s21], [sflag:$0x2], $0x1000, $0x38;
	[tilespmem:$0x1CE00] =	vst v63  }
0x37: {  	_ =	swait.ge [sflag:s19], $0x1000  }
0x38: {  	[sflag:s19] =	ssyncset.done $0x0  }
0x39: {  	[sflag:s19] =	ssyncadd.s32 $0xFFFFF000  }
0x3a: {  	[spmem:s13] =	stream.linear.scatter [tilespmem:s21], [sflag:$0x2], $0x1000, $0x38;
	[tilespmem:$0x1CE00] =	vst v63  }
0x3b: {  	_ =	swait.ge [sflag:s19], $0x1000  }
0x3c: {  	[sflag:s19] =	ssyncset.done $0x0  }
0x3d: {  	[sflag:s19] =	ssyncadd.s32 $0xFFFFF000  }
0x3e: {  	[spmem:s14] =	stream.linear.scatter [tilespmem:s21], [sflag:$0x2], $0x1000, $0x38;
	[tilespmem:$0x1CE00] =	vst v63  }
0x3f: {  	_ =	swait.ge [sflag:s19], $0x1000  }
0x40: {  	[sflag:s19] =	ssyncset.done $0x0  }
0x41: {  	[sflag:s19] =	ssyncadd.s32 $0xFFFFF000  }
0x42: {  	[spmem:s15] =	stream.linear.scatter [tilespmem:s21], [sflag:$0x2], $0x1000, $0x38;
	[tilespmem:$0x1CE00] =	vst v63  }
0x43: {  	_ =	swait.ge [sflag:s19], $0x1000  }
0x44: {  	[sflag:s19] =	ssyncset.done $0x0  }
0x45: {  	[sflag:s19] =	ssyncadd.s32 $0xFFFFF000  }
0x46: {  	[spmem:s16] =	stream.linear.scatter [tilespmem:s21], [sflag:$0x2], $0x1000, $0x38;
	[tilespmem:$0x1CE00] =	vst v63  }
0x47: {  	_ =	swait.ge [sflag:s19], $0x1000  }
0x48: {  	[sflag:s19] =	ssyncset.done $0x0  }
0x49: {  	[sflag:s19] =	ssyncadd.s32 $0xFFFFF000  }
0x4a: {  	[spmem:s17] =	stream.linear.scatter [tilespmem:s21], [sflag:$0x2], $0x1000, $0x38;
	[tilespmem:$0x1CE00] =	vst v63  }
0x4b: {  	_ =	swait.ge [sflag:s19], $0x1000  }
0x4c: {  	[sflag:s19] =	ssyncset.done $0x0  }
0x4d: {  	[sflag:s19] =	ssyncadd.s32 $0xFFFFF000  }
0x4e: {  	[spmem:s18] =	stream.linear.scatter [tilespmem:s21], [sflag:$0x2], $0x1000, $0x38;
	[tilespmem:$0x1CE00] =	vst v63  }
0x4f: {  	_ =	swait.ge [sflag:s19], $0x1000  }
0x50: {  	[sflag:s19] =	ssyncset.done $0x0  }
0x51: {  	[sflag:s19] =	ssyncadd.s32 $0xFFFFF000  }
0x52: {  	[bflag:$0x0] =	sbarrier.arrive $0xFFFF  }
0x53: {  	(ifvalue) =	ssetifvalue $0xFFFFFFFF  }
0x54: {  	s30 =	simm.s32 $0x0;
	(ifvalue) =	ssetifvalue $0xFFFFFFFF  }
0x55: {  	[tilespmem:s23], [sflag:$0x1] =	stream.indirect.gather [hbm4b:s4+s22], $0x80, s30, s22, $0x40b8;
	[tilespmem:$0x1CE00] =	vst v63  }
0x56: {  	(ifvalue) =	ssetifvalue $0xFFFFFFFF  }
0x57: {  	(ifvalue) =	ssetifvalue $0xFFFFFFFF  }
0x58: {  	[tilespmem:s24], [sflag:$0x1] =	stream.indirect.gather [hbm4b:s4+s22], $0x80, s22, s22, $0x40b8;
	[tilespmem:$0x1CE00] =	vst v63  }
0x59: {  	_ =	swait.ge [sflag:s25], $0x4000  }
0x5a: {  	[sflag:s25] =	ssyncset.done $0x0  }
0x5b: {  	s30 =	simm.s32 $0x4F00;
	[sflag:s25] =	ssyncadd.s32 $0xFFFFC000;
	(ifvalue) =	ssetifvalue $0xFFFFFFFF  }
0x5c: {  	[spmem:s2] =	stream.indirect.scatter.add.f32 [tilespmem:s23], [sflag:$0x2], $0x80, s30, s22, $0x40b8;
	[tilespmem:$0x1CE00] =	vst v63  }
0x5d: {  	_ =	swait.ge [sflag:s19], $0x4000  }
0x5e: {  	[sflag:s19] =	ssyncset.done $0x0  }
0x5f: {  	[sflag:s19] =	ssyncadd.s32 $0xFFFFC000;
	(ifvalue) =	ssetifvalue $0xFFFFFFFF  }
0x60: {  	s30 =	simm.s32 $0x100;
	(ifvalue) =	ssetifvalue $0xFFFFFFFF  }
0x61: {  	[tilespmem:s23], [sflag:$0x1] =	stream.indirect.gather [hbm4b:s4+s22], $0x80, s30, s22, $0x40b8;
	[tilespmem:$0x1CE00] =	vst v63  }
0x62: {  	_ =	swait.ge [sflag:s25], $0x4000  }
0x63: {  	[sflag:s25] =	ssyncset.done $0x0  }
0x64: {  	s30 =	simm.s32 $0x4F80;
	[sflag:s25] =	ssyncadd.s32 $0xFFFFC000;
	(ifvalue) =	ssetifvalue $0xFFFFFFFF  }
0x65: {  	[spmem:s2] =	stream.indirect.scatter.add.f32 [tilespmem:s24], [sflag:$0x2], $0x80, s30, s22, $0x40b8;
	[tilespmem:$0x1CE00] =	vst v63  }
0x66: {  	_ =	swait.ge [sflag:s19], $0x4000  }
0x67: {  	[sflag:s19] =	ssyncset.done $0x0  }
0x68: {  	[sflag:s19] =	ssyncadd.s32 $0xFFFFC000;
	(ifvalue) =	ssetifvalue $0xFFFFFFFF  }
0x69: {  	s31 =	simm.s32 $0x180;
	s30 =	simm.s32 $0x400;
	(ifvalue) =	ssetifvalue $0xFFFFFFFF  }
.LBB2_4:
0x6a: {  	[tilespmem:s24], [sflag:$0x1] =	stream.indirect.gather [hbm4b:s4+s22], $0x80, s31, s22, $0x40b8;
	[tilespmem:$0x1CE00] =	vst v63  }
0x6b: {  	s31 =	smov.u32 s30  }
0x6c: {  	p0 =	sne.s32 s30, $0x13400;
	s30 =	sadd.s32 $0x400, s30;
	_ =	swait.ge [sflag:s25], $0x4000  }
0x6d: {  	[sflag:s25] =	ssyncset.done $0x0  }
0x6e: {  	s31 =	sshra.s32 s31, $0x2;
	[sflag:s25] =	ssyncadd.s32 $0xFFFFC000  }
0x6f: {  	s1 =	sadd.s32 $0x4F00, s31;
	(ifvalue) =	ssetifvalue $0xFFFFFFFF  }
0x70: {  	[spmem:s2] =	stream.indirect.scatter.add.f32 [tilespmem:s23], [sflag:$0x2], $0x80, s1, s22, $0x40b8;
	[tilespmem:$0x1CE00] =	vst v63  }
0x71: {  	_ =	swait.ge [sflag:s19], $0x4000  }
0x72: {  	[sflag:s19] =	ssyncset.done $0x0  }
0x73: {  	[sflag:s19] =	ssyncadd.s32 $0xFFFFC000  }
0x74: {  	(ifvalue) =	ssetifvalue $0xFFFFFFFF  }
0x75: {  	s1 =	sadd.s32 $0x100, s31;
	(ifvalue) =	ssetifvalue $0xFFFFFFFF  }
0x76: {  	[tilespmem:s23], [sflag:$0x1] =	stream.indirect.gather [hbm4b:s4+s22], $0x80, s1, s22, $0x40b8;
	[tilespmem:$0x1CE00] =	vst v63  }
0x77: {  	_ =	swait.ge [sflag:s25], $0x4000  }
0x78: {  	[sflag:s25] =	ssyncset.done $0x0  }
0x79: {  	[sflag:s25] =	ssyncadd.s32 $0xFFFFC000  }
0x7a: {  	s1 =	sadd.s32 $0x4F80, s31;
	(ifvalue) =	ssetifvalue $0xFFFFFFFF  }
0x7b: {  	[spmem:s2] =	stream.indirect.scatter.add.f32 [tilespmem:s24], [sflag:$0x2], $0x80, s1, s22, $0x40b8;
	[tilespmem:$0x1CE00] =	vst v63  }
.Ltmp1:
0x7c: {  	_ =	swait.ge [sflag:s19], $0x4000;
	(pc) =	sbr.rel @p0 .LBB2_4-.Ltmp1, $4  }
0x7d: {  	[sflag:s19] =	ssyncset.done $0x0  }
0x7e: {  	[sflag:s19] =	ssyncadd.s32 $0xFFFFC000  }
0x7f: {  	(ifvalue) =	ssetifvalue $0xFFFFFFFF  }
0x80: {  	s31 =	sadd.s32 $0x180, s31;
	(ifvalue) =	ssetifvalue $0xFFFFFFFF  }
0x81: {  	[tilespmem:s24], [sflag:$0x1] =	stream.indirect.gather [hbm4b:s4+s22], $0x80, s31, s22, $0x40b8;
	[tilespmem:$0x1CE00] =	vst v63  }
0x82: {  	_ =	swait.ge [sflag:s25], $0x4000  }
0x83: {  	[sflag:s25] =	ssyncset.done $0x0  }
0x84: {  	[sflag:s25] =	ssyncadd.s32 $0xFFFFC000;
	(ifvalue) =	ssetifvalue $0xFFFFFFFF  }
0x85: {  	[spmem:s2] =	stream.indirect.scatter.add.f32 [tilespmem:s23], [sflag:$0x2], $0x80, s26, s22, $0x40b8;
	[tilespmem:$0x1CE00] =	vst v63  }
0x86: {  	_ =	swait.ge [sflag:s19], $0x4000  }
0x87: {  	[sflag:s19] =	ssyncset.done $0x0  }
0x88: {  	[sflag:s19] =	ssyncadd.s32 $0xFFFFC000  }
0x89: {  	_ =	swait.ge [sflag:s25], $0x4000  }
0x8a: {  	[sflag:s25] =	ssyncset.done $0x0  }
0x8b: {  	[sflag:s25] =	ssyncadd.s32 $0xFFFFC000;
	(ifvalue) =	ssetifvalue $0xFFFFFFFF  }
0x8c: {  	[spmem:s2] =	stream.indirect.scatter.add.f32 [tilespmem:s24], [sflag:$0x2], $0x80, s28, s22, $0x40b8;
	[tilespmem:$0x1CE00] =	vst v63  }
0x8d: {  	_ =	swait.ge [sflag:s19], $0x4000  }
0x8e: {  	s1 =	sshll.u32 s0, $0x6;
	s29 =	sadd.s32 $0x1, s29;
	[sflag:s19] =	ssyncset.done $0x0  }
0x8f: {  	s30 =	sshrl.u32 s7, $0x3;
	p0 =	sne.s32 s29, s9;
	[sflag:s19] =	ssyncadd.s32 $0xFFFFC000  }
.Ltmp2:
0x90: {  	s1 =	sor.u32 $0x1C02, s1;
	[bflag:$0x0] =	sbarrier.arrive $0xFFFF;
	(pc) =	sbr.rel @p0 .LBB2_1-.Ltmp2, $4  }
0x91: {  	[hbm:s8], [sflag:s1] =	dma.local [spmem:s30], $0x1400  }
0x92: {  	_ =	swait.ge [sflag:s19], $0x1400  }
0x93: {  	[sflag:s19] =	ssyncset.done $0x0  }
0x94: {  	[sflag:s19] =	ssyncadd.s32 $0xFFFFEC00  }
0x95: {  	_ =	sfence.sel $0x180000  }
0x96: {  	[bflag:$0x0] =	sbarrier.arrive $0xFFFF  }
0x97: {  	_ =	strace $0x9000004D  }
0x98: {  	[bflag:$0x2] =	sbarrier.arrive $0xFFFF  }
0x99: {  	p0 =	sne.s32 s0, $0x0;
	s0 =	rddreg [dreg:$0x2]  }
0x9a: {  	s0 =	sadd.s32 @!p0 $0x100000, s0  }
0x9b: {  	[sflag:s0] =	ssyncadd.tile.s32 @!p0 $0x1;
	_ =	shalt  }
.Lfunc_end2:
_tile_overlayer_lowered:
.L_overlay_start_2:
0x9c: {  	(tag) =	ssettag $0x2  }
0x9d: {  	s0 =	rddreg [dreg:$0x0];
	s2 =	stileid.u32  }
0x9e: {  	s1 =	rddreg [dreg:$0x1];
	p0 =	sne.s32 s2, $0x0  }
0x9f: {  	s3 =	rddreg [dreg:$0x2];
	[bflag:$0x3] =	sbarrier.arrive $0xFFFF;
	s2 =	simm.s32 @!p0 $0x1C02  }
0xa0: {  	[timem:s3], [sflag:s2] =	dma.local @!p0 [hbm:s0], s1  }
0xa1: {  	s0 =	simm.s32 @!p0 $0x2  }
0xa2: {  	_ =	swait.ge @!p0 [sflag:s0], s1  }
0xa3: {  	s1 =	ssub.s32 @!p0 $0x0, s1;
	[sflag:s0] =	ssyncset.done @!p0 $0x0  }
0xa4: {  	[sflag:s0] =	ssyncadd.s32 @!p0 s1  }
0xa5: {  	[bflag:$0x3] =	sbarrier.arrive $0xFFFF  }
0xa6: {  	_ =	shalt  }

// kernel: kernel.19.cloned.1.call-start
scs
__scs_entry_jumppad:
0x0: {  	(pc) =	sbr.rel $0x88, $3  }
0x1: {  	(tag) =	ssettag $0x0;
	lr =	simm.s32 $0x1  }
0x2: {  	[smem:$0x3F94] =	sst lr;
	_ =	strace $0xD0000000  }
0x3: {  	_ = 	snop  }
0x4: {  	_ = 	snop  }
0x5: {  	_ = 	snop  }
0x6: {  	_ = 	snop  }
0x7: {  	_ = 	snop  }
__scs_overlays_trampoline_lowered:
0x8: {  	[smem:$0x3FA3] =	sst s0  }
0x9: {  	[smem:$0x3FA4] =	sst s1  }
0xa: {  	[smem:$0x3FA5] =	sst s2  }
0xb: {  	[smem:$0x3FA6] =	sst s3  }
0xc: {  	[smem:$0x3FA7] =	sst s4  }
0xd: {  	[smem:$0x3FA8] =	sst s5  }
0xe: {  	[smem:$0x3FA9] =	sst s6  }
0xf: {  	[smem:$0x3FAA] =	sst s7  }
0x10: {  	[smem:$0x3FAB] =	sst s8  }
0x11: {  	[smem:$0x3FAC] =	sst s9;
	s0 =	simm.s32 @!p0 $0x0  }
0x12: {  	s1 =	sld [smem:$0x3F92];
	s0 =	simm.s32 @p0 $0x1  }
0x13: {  	[smem:$0x3FAD] =	sst s0;
	s0 =	simm.s32 @!p1 $0x0  }
0x14: {  	s2 =	sld [smem:$0x3F91];
	s0 =	simm.s32 @p1 $0x1  }
0x15: {  	[smem:$0x3FAE] =	sst s0;
	s0 =	simm.s32 @!p2 $0x0  }
0x16: {  	s3 =	sld [smem:$0x3FDB];
	s0 =	simm.s32 @p2 $0x1  }
0x17: {  	s4 =	simm.s32 $0x1BF5;
	[smem:$0x3FB0] =	sst s0  }
0x18: {  	s0 =	sld [smem:$0x3F93];
	_ =	swait.ge [sflag:s4], $0x0  }
0x19: {  	s7 =	sld [smem:$0x3F94]  }
0x1a: {  	s8 =	sadd.s32 $0xFFFFE003, lr  }
0x1b: {  	s9 =	sadd.s32 $0xFFFFFEF7, lr;
	s5 =	simm.s32 $0xFFFFFFFF;
	p2 =	slt.u32 s8, $0xFFFFF086  }
0x1c: {  	p1 =	slt.u32 s9, $0xF7A;
	s5 =	simm.s32 @!p2 $0x0  }
0x1d: {  	s5 =	simm.s32 @p1 $0x1;
	p0 =	seq.s32 s7, s2  }
0x1e: {  	s7 =	smul.u32 @!p0 $0xF7A, s2;
	p2 =	seq.s32 @!p0 s5, $0x0  }
0x1f: {  	s9 =	smul.u32 $0xF7A, s1;
	s8 =	simm.s32 @!p0 $0x1BF5;
	p2 =	por !p2, p0  }
0x20: {  	[sflag:s8] =	ssyncset.s32 @!p0 $0xFFFFF086;
	s6 =	sadd.s32 @!p0 s3, s7;
	s7 =	simm.s32 @!p0 $0x108  }
0x21: {  	s3 =	sadd.s32 s3, s9;
	s6 =	sadd.s32 @!p0 $0x88, s6;
	s7 =	simm.s32 @p2 $0x1082  }
0x22: {  	[simem:s7], [sflag:s8] =	dma.local @!p0 [hbm:s6], $0xF7A  }
0x23: {  	s9 =	sor.u32 $0xD0000000, s2;
	s6 =	simm.s32 $0x108;
	_ =	swait.ge @!p0 [sflag:s8], $0x0  }
0x24: {  	s3 =	sadd.s32 $0x88, s3;
	s6 =	simm.s32 @!p1 $0x1082;
	[sflag:s4] =	ssyncset.s32 $0xFFFFF086  }
0x25: {  	[simem:s6], [sflag:s4] =	dma.local [hbm:s3], $0xF7A  }
0x26: {  	[smem:$0x3F94] =	sst s1;
	(tag) =	ssettag s2;
	_ =	strace s9  }
0x27: {  	s1 =	sld [smem:$0x3FA4]  }
0x28: {  	s2 =	sld [smem:$0x3FA5]  }
0x29: {  	s4 =	sld [smem:$0x3FA7]  }
0x2a: {  	p0 =	seq.s32 s5, $0x0;
	s5 =	sld [smem:$0x3FA8]  }
0x2b: {  	s6 =	sld [smem:$0x3FA9]  }
0x2c: {  	s7 =	sld [smem:$0x3FAA]  }
0x2d: {  	s3 =	simm.s32 $0x108;
	s8 =	sld [smem:$0x3FAB]  }
0x2e: {  	s3 =	simm.s32 @!p0 $0x1082;
	s9 =	sld [smem:$0x3FAC]  }
0x2f: {  	lr =	sadd.s32 s0, s3;
	s0 =	sld [smem:$0x3FA3]  }
0x30: {  	s3 =	sld [smem:$0x3FA6]  }
0x31: {  	[smem:$0x3FAF] =	sst s10  }
0x32: {  	s10 =	sld [smem:$0x3FAD];
	_ =	sdelay $0x3  }
0x33: {  	p0 =	seq.s32 s10, $0x1;
	s10 =	sld [smem:$0x3FAF];
	_ =	sdelay $0x3  }
0x34: {  	[smem:$0x3FAF] =	sst s10  }
0x35: {  	s10 =	sld [smem:$0x3FAE];
	_ =	sdelay $0x3  }
0x36: {  	p1 =	seq.s32 s10, $0x1;
	s10 =	sld [smem:$0x3FAF];
	_ =	sdelay $0x3  }
0x37: {  	[smem:$0x3FAF] =	sst s10  }
0x38: {  	s10 =	sld [smem:$0x3FB0]  }
0x39: {  	_ = 	snop;
	(pc) =	sbr.ind lr, $3  }
0x3a: {  	_ = 	snop  }
0x3b: {  	_ = 	snop  }
0x3c: {  	p2 =	seq.s32 s10, $0x1;
	s10 =	sld [smem:$0x3FAF]  }
0x3d: {  	_ =	shalt  }
0x3e: {  	_ =	shalt  }
0x3f: {  	_ =	shalt  }
0x40: {  	_ =	shalt  }
0x41: {  	_ =	shalt  }
0x42: {  	_ =	shalt  }
0x43: {  	_ =	shalt  }
0x44: {  	_ =	shalt  }
0x45: {  	_ =	shalt  }
0x46: {  	_ =	shalt  }
0x47: {  	_ =	shalt  }
0x48: {  	_ =	shalt  }
0x49: {  	_ =	shalt  }
0x4a: {  	_ =	shalt  }
0x4b: {  	_ =	shalt  }
0x4c: {  	_ =	shalt  }
0x4d: {  	_ =	shalt  }
0x4e: {  	_ =	shalt  }
0x4f: {  	_ =	shalt  }
0x50: {  	_ =	shalt  }
0x51: {  	_ =	shalt  }
0x52: {  	_ =	shalt  }
0x53: {  	_ =	shalt  }
0x54: {  	_ =	shalt  }
0x55: {  	_ =	shalt  }
0x56: {  	_ =	shalt  }
0x57: {  	_ =	shalt  }
0x58: {  	_ =	shalt  }
0x59: {  	_ =	shalt  }
0x5a: {  	_ =	shalt  }
0x5b: {  	_ =	shalt  }
0x5c: {  	_ =	shalt  }
0x5d: {  	_ =	shalt  }
0x5e: {  	_ =	shalt  }
0x5f: {  	_ =	shalt  }
0x60: {  	_ =	shalt  }
0x61: {  	_ =	shalt  }
0x62: {  	_ =	shalt  }
0x63: {  	_ =	shalt  }
0x64: {  	_ =	shalt  }
0x65: {  	_ =	shalt  }
0x66: {  	_ =	shalt  }
0x67: {  	_ =	shalt  }
0x68: {  	_ =	shalt  }
0x69: {  	_ =	shalt  }
0x6a: {  	_ =	shalt  }
0x6b: {  	_ =	shalt  }
0x6c: {  	_ =	shalt  }
0x6d: {  	_ =	shalt  }
0x6e: {  	_ =	shalt  }
0x6f: {  	_ =	shalt  }
0x70: {  	_ =	shalt  }
0x71: {  	_ =	shalt  }
0x72: {  	_ =	shalt  }
0x73: {  	_ =	shalt  }
0x74: {  	_ =	shalt  }
0x75: {  	_ =	shalt  }
0x76: {  	_ =	shalt  }
0x77: {  	_ =	shalt  }
0x78: {  	_ =	shalt  }
0x79: {  	_ =	shalt  }
0x7a: {  	_ =	shalt  }
0x7b: {  	_ =	shalt  }
0x7c: {  	_ =	shalt  }
0x7d: {  	_ =	shalt  }
0x7e: {  	_ =	shalt  }
0x7f: {  	_ =	shalt  }
0x80: {  	_ =	shalt  }
0x81: {  	_ =	shalt  }
0x82: {  	_ =	shalt  }
0x83: {  	_ =	shalt  }
0x84: {  	_ =	shalt  }
0x85: {  	_ =	shalt  }
0x86: {  	_ =	shalt  }
0x87: {  	_ =	shalt  }
.Lfunc_end0:
.L_simem_size_0:
called_computation.3_lowered:
.L_overlay_start_0:
0x88: {  	s2 =	sld [smem:$0x3FD9]  }
0x89: {  	s3 =	sld [smem:$0x3FFE];
	_ =	sdelay $0x1  }
0x8a: {  	s1 =	srdreg.scid  }
0x8b: {  	s0 =	sand.u32 $0x1, s1  }
0x8c: {  	s16 =	sshll.u32 s0, $0xA;
	s2 =	sadd.s32 s3, s2  }
0x8d: {  	s2 =	sadd.s32 s2, s16  }
0x8e: {  	[smem:$0x3FBB] =	sst s2  }
0x8f: {  	_ = 	snop  }
0x90: {  	(tm) =	ssettm $0x1  }
0x91: {  	s17 =	sld [smem:$0x3FFB];
	_ =	sdelay $0x3  }
0x92: {  	_ =	strace s17  }
0x93: {  	s2 =	sld [smem:$0x3FFC];
	_ =	sdelay $0x3  }
0x94: {  	_ =	strace s2  }
0x95: {  	s2 =	sld [smem:$0x3FFD];
	_ =	sdelay $0x3  }
0x96: {  	_ =	strace s2  }
0x97: {  	_ =	strace $0x8FFFFFFF  }
0x98: {  	s18 =	sld [smem:$0x3FDB];
	_ =	sdelay $0x1  }
0x99: {  	s19 =	simm.s32 $_scs_section_size  }
0x9a: {  	s4 =	simm.s32 $_size__tile_overlayer_lowered;
	s5 =	simm.s32 $_tile_overlayer_lowered  }
0x9b: {  	s22 =	simm.s32 $0x1BFF;
	s21 =	sshll.u32 s5, $0x1;
	s2 =	sadd.s32 s19, s18  }
0x9c: {  	s6 =	simm.s32 $0x0;
	s20 =	sshll.u32 s4, $0x1;
	s4 =	sadd.s32 s21, s2  }
0x9d: {  	[timem:s6], [sflag:s22] =	dma.local [hbm:s4], s20  }
0x9e: {  	_ =	swait.ge [sflag:s22], s20  }
0x9f: {  	s3 =	ssub.s32 $0x0, s20;
	[sflag:s22] =	ssyncset.done $0x0  }
0xa0: {  	[sflag:s22] =	ssyncadd.s32 s3;
	_ =	sdelay $0x1  }
0xa1: {  	s23 =	simm.s32 $0x1B8B  }
0xa2: {  	_ =	swait.ge [sflag:s23], $0x1  }
0xa3: {  	[sflag:s23] =	ssyncset.done $0x0  }
0xa4: {  	s25 =	simm.s32 $0x1B8E;
	s24 =	sld [smem:$0x3FFE];
	[sflag:s23] =	ssyncadd.s32 $0xFFFFFFFF  }
0xa5: {  	s26 =	simm.s32 $execute0_lowered;
	[smem:$0x3FD2] =	sst s25  }
0xa6: {  	s4 =	sshll.u32 s26, $0x1;
	_ =	strace $0x8000004F;
	[dreg:$0x1] =	wrdreg $0xFFFFFFFF  }
0xa7: {  	s28 =	simm.s32 $_size_execute0_lowered;
	s2 =	sadd.s32 s2, s4;
	[dreg:$0x0] =	wrdreg $0x0  }
0xa8: {  	s4 =	sshll.u32 s28, $0x1;
	[dreg:$0x2] =	wrdreg s2  }
0xa9: {  	[dreg:$0x3] =	wrdreg s4  }
0xaa: {  	[dreg:$0x4] =	wrdreg $0xC0  }
0xab: {  	_ =	task [dreg:s6], $0x5FFFF  }
0xac: {  	[dreg:$0x1] =	wrdreg $0xFFFFFFFF  }
0xad: {  	[dreg:$0x0] =	wrdreg $0x60  }
0xae: {  	[dreg:$0x2] =	wrdreg s24  }
0xaf: {  	[dreg:$0x3] =	wrdreg $0x12E000  }
0xb0: {  	[dreg:$0x4] =	wrdreg $0x9  }
0xb1: {  	_ =	task.clear_ibuf [dreg:s6], $0x5FFFF;
	_ =	strace $0x9000004F  }
0xb2: {  	s29 =	simm.s32 $0x9;
	_ =	strace $0x80000051  }
0xb3: {  	_ =	swait.ge [sflag:s29], $0x1  }
0xb4: {  	[sflag:s29] =	ssyncadd.s32 $0xFFFFFFFF  }
0xb5: {  	_ =	strace $0x90000051  }
0xb6: {  	_ =	sfence  }
0xb7: {  	s30 =	sld [smem:$0x0];
	_ =	sdelay $0x2  }
0xb8: {  	s31 =	sshll.u32 s1, $0xD;
	s1 =	sshrl.u32 s1, $0x2  }
0xb9: {  	s3 =	sand.u32 $0x4000, s31;
	s1 =	sadd.s32 s1, s30  }
0xba: {  	s0 =	sor.u32 s3, s0;
	s1 =	sshll.u32 s1, $0x11  }
0xbb: {  	s0 =	sor.u32 s1, s0  }
0xbc: {  	s0 =	sadd.s32 $0x8F2B, s0  }
0xbd: {  	[sflag:s0] =	ssyncadd.remote.s32 $0x1  }
0xbe: {  	_ =	sfence.sel $0xFFFF  }
0xbf: {  	[dreg:$0x0] =	wrdreg $0xFFFFFFFF;
	(pc) =	sbr.abs _section_cstart, $3  }
0xc0: {  	[dreg:$0x1] =	wrdreg $0xFFFFFFFF  }
0xc1: {  	_ =	task.clear_ibuf [dreg:s6], $0x2FFFF;
	_ =	strace $0x9FFFFFFF  }
0xc2: {  	(tm) =	ssettm $0x7FFFFFFF  }
0xc3: {  	_ =	shalt  }
tec
execute0_lowered:
.L_overlay_start_1:
0x0: {  	(tag) =	ssettag $0x1  }
0x1: {  	s5 =	rddreg [dreg:$0x0]  }
0x2: {  	s0 =	srdreg.scid;
	s2 =	rddreg [dreg:$0x1]  }
0x3: {  	s3 =	simm.s32 $0x0;
	s19 =	simm.s32 $0x2;
	s20 =	simm.s32 $0x4F00  }
0x4: {  	s21 =	simm.s32 $0x11E00;
	s22 =	simm.s32 $0x80;
	s6 =	sand.u32 $0x1, s0  }
0x5: {  	s23 =	simm.s32 $0x9E00;
	s0 =	stileid.u32;
	s4 =	smul.u32 $0x4F000, s6  }
0x6: {  	s24 =	simm.s32 $0xDE00;
	s25 =	simm.s32 $0x1;
	s7 =	smul.u32 $0x4F00, s0  }
0x7: {  	s26 =	simm.s32 $0x9D00;
	s28 =	simm.s32 $0x9D80;
	s8 =	smul.u32 $0xA0000, s6  }
0x8: {  	s29 =	simm.s32 $0x0;
	[smem:$0x7FF] =	sst s3;
	s9 =	smul.u32 $0xA000, s0  }
0x9: {  	_ =	strace $0x80000050;
	s6 =	ssub.s32 $0x2, s6;
	s31 =	smul.u32 $0x28000, s0  }
0xa: {  	s10 =	sshrl.u32 s6, $0x1;
	s7 =	sadd.s32 s7, s4;
	s4 =	sadd.s32 $0x3FA00, s5  }
0xb: {  	s8 =	sadd.s32 s9, s8;
	s10 =	ssub.s32 s6, s10;
	s7 =	sshrl.u32 s7, $0x3  }
0xc: {  	s9 =	sshrl.u32 s31, $0x2;
	s8 =	sshrl.u32 s8, $0x3;
	s7 =	sadd.s32 s7, s5  }
0xd: {  	s8 =	sadd.s32 s8, s5;
	s5 =	sadd.s32 $0x18200, s7;
	s6 =	sadd.s32 $0x2BE00, s7  }
0xe: {  	s7 =	sadd.s32 s9, s2;
	s8 =	sadd.s32 $0x66C00, s8;
	s9 =	smax.u32 s10, $0x1  }
0xf: {  	s10 =	sadd.s32 $0x1000, s7;
	s11 =	sadd.s32 $0x2000, s7;
	s12 =	sadd.s32 $0x3000, s7  }
0x10: {  	s13 =	sadd.s32 $0x4000, s7;
	s14 =	sadd.s32 $0x5000, s7;
	s15 =	sadd.s32 $0x6000, s7  }
0x11: {  	v0 =	vimm.f32 $0.0e+00;
	s16 =	sadd.s32 $0x7000, s7;
	s17 =	sadd.s32 $0x8000, s7;
	s18 =	sadd.s32 $0x9000, s7  }
.LBB2_1:
0x12: {  	[tilespmem:s3], [sflag:$0x2] =	stream.linear.gather [hbm4b:s5+s3], $0x4F00, $0x38;
	[tilespmem:$0x1CE00] =	vst v63  }
0x13: {  	_ =	swait.ge [sflag:s19], $0x4F00  }
0x14: {  	[sflag:s19] =	ssyncset.done $0x0  }
0x15: {  	[sflag:s19] =	ssyncadd.s32 $0xFFFFB100  }
0x16: {  	[tilespmem:s20], [sflag:$0x2] =	stream.linear.gather [hbm4b:s6+s3], $0x4F00, $0x38;
	[tilespmem:$0x1CE00] =	vst v63  }
0x17: {  	_ =	swait.ge [sflag:s19], $0x4F00  }
0x18: {  	[sflag:s19] =	ssyncset.done $0x0  }
0x19: {  	s30 =	simm.s32 $0x0;
	s31 =	simm.s32 $0x200;
	[sflag:s19] =	ssyncadd.s32 $0xFFFFB100  }
.LBB2_2:
0x1a: {  	p0 =	sne.s32 s31, $0x3E00;
	[tilespmem:s30+$0x11E70] =	vst v0  }
0x1b: {  	[tilespmem:s30+$0x11E00] =	vst v0  }
0x1c: {  	[tilespmem:s30+$0x11E10] =	vst v0  }
.Ltmp0:
0x1d: {  	[tilespmem:s30+$0x11E20] =	vst v0;
	(pc) =	sbr.rel @p0 .LBB2_2-.Ltmp0, $4  }
0x1e: {  	[tilespmem:s30+$0x11E30] =	vst v0  }
0x1f: {  	[tilespmem:s30+$0x11E40] =	vst v0  }
0x20: {  	[tilespmem:s30+$0x11E50] =	vst v0  }
0x21: {  	[tilespmem:s30+$0x11E60] =	vst v0;
	s30 =	sshra.s32 s31, $0x2;
	s31 =	sadd.s32 $0x200, s31  }
0x22: {  	[tilespmem:s30+$0x11E70] =	vst v0  }
0x23: {  	[tilespmem:s30+$0x11E00] =	vst v0  }
0x24: {  	[tilespmem:s30+$0x11E10] =	vst v0  }
0x25: {  	[tilespmem:s30+$0x11E20] =	vst v0  }
0x26: {  	[tilespmem:s30+$0x11E30] =	vst v0  }
0x27: {  	[tilespmem:s30+$0x11E40] =	vst v0  }
0x28: {  	[tilespmem:s30+$0x11E50] =	vst v0  }
0x29: {  	[tilespmem:s30+$0x11E60] =	vst v0  }
0x2a: {  	[spmem:s7] =	stream.linear.scatter [tilespmem:s21], [sflag:$0x2], $0x1000, $0x38;
	[tilespmem:$0x1CE00] =	vst v63  }
0x2b: {  	_ =	swait.ge [sflag:s19], $0x1000  }
0x2c: {  	[sflag:s19] =	ssyncset.done $0x0  }
0x2d: {  	[sflag:s19] =	ssyncadd.s32 $0xFFFFF000  }
0x2e: {  	[spmem:s10] =	stream.linear.scatter [tilespmem:s21], [sflag:$0x2], $0x1000, $0x38;
	[tilespmem:$0x1CE00] =	vst v63  }
0x2f: {  	_ =	swait.ge [sflag:s19], $0x1000  }
0x30: {  	[sflag:s19] =	ssyncset.done $0x0  }
0x31: {  	[sflag:s19] =	ssyncadd.s32 $0xFFFFF000  }
0x32: {  	[spmem:s11] =	stream.linear.scatter [tilespmem:s21], [sflag:$0x2], $0x1000, $0x38;
	[tilespmem:$0x1CE00] =	vst v63  }
0x33: {  	_ =	swait.ge [sflag:s19], $0x1000  }
0x34: {  	[sflag:s19] =	ssyncset.done $0x0  }
0x35: {  	[sflag:s19] =	ssyncadd.s32 $0xFFFFF000  }
0x36: {  	[spmem:s12] =	stream.linear.scatter [tilespmem:s21], [sflag:$0x2], $0x1000, $0x38;
	[tilespmem:$0x1CE00] =	vst v63  }
0x37: {  	_ =	swait.ge [sflag:s19], $0x1000  }
0x38: {  	[sflag:s19] =	ssyncset.done $0x0  }
0x39: {  	[sflag:s19] =	ssyncadd.s32 $0xFFFFF000  }
0x3a: {  	[spmem:s13] =	stream.linear.scatter [tilespmem:s21], [sflag:$0x2], $0x1000, $0x38;
	[tilespmem:$0x1CE00] =	vst v63  }
0x3b: {  	_ =	swait.ge [sflag:s19], $0x1000  }
0x3c: {  	[sflag:s19] =	ssyncset.done $0x0  }
0x3d: {  	[sflag:s19] =	ssyncadd.s32 $0xFFFFF000  }
0x3e: {  	[spmem:s14] =	stream.linear.scatter [tilespmem:s21], [sflag:$0x2], $0x1000, $0x38;
	[tilespmem:$0x1CE00] =	vst v63  }
0x3f: {  	_ =	swait.ge [sflag:s19], $0x1000  }
0x40: {  	[sflag:s19] =	ssyncset.done $0x0  }
0x41: {  	[sflag:s19] =	ssyncadd.s32 $0xFFFFF000  }
0x42: {  	[spmem:s15] =	stream.linear.scatter [tilespmem:s21], [sflag:$0x2], $0x1000, $0x38;
	[tilespmem:$0x1CE00] =	vst v63  }
0x43: {  	_ =	swait.ge [sflag:s19], $0x1000  }
0x44: {  	[sflag:s19] =	ssyncset.done $0x0  }
0x45: {  	[sflag:s19] =	ssyncadd.s32 $0xFFFFF000  }
0x46: {  	[spmem:s16] =	stream.linear.scatter [tilespmem:s21], [sflag:$0x2], $0x1000, $0x38;
	[tilespmem:$0x1CE00] =	vst v63  }
0x47: {  	_ =	swait.ge [sflag:s19], $0x1000  }
0x48: {  	[sflag:s19] =	ssyncset.done $0x0  }
0x49: {  	[sflag:s19] =	ssyncadd.s32 $0xFFFFF000  }
0x4a: {  	[spmem:s17] =	stream.linear.scatter [tilespmem:s21], [sflag:$0x2], $0x1000, $0x38;
	[tilespmem:$0x1CE00] =	vst v63  }
0x4b: {  	_ =	swait.ge [sflag:s19], $0x1000  }
0x4c: {  	[sflag:s19] =	ssyncset.done $0x0  }
0x4d: {  	[sflag:s19] =	ssyncadd.s32 $0xFFFFF000  }
0x4e: {  	[spmem:s18] =	stream.linear.scatter [tilespmem:s21], [sflag:$0x2], $0x1000, $0x38;
	[tilespmem:$0x1CE00] =	vst v63  }
0x4f: {  	_ =	swait.ge [sflag:s19], $0x1000  }
0x50: {  	[sflag:s19] =	ssyncset.done $0x0  }
0x51: {  	[sflag:s19] =	ssyncadd.s32 $0xFFFFF000  }
0x52: {  	[bflag:$0x0] =	sbarrier.arrive $0xFFFF  }
0x53: {  	(ifvalue) =	ssetifvalue $0xFFFFFFFF  }
0x54: {  	s30 =	simm.s32 $0x0;
	(ifvalue) =	ssetifvalue $0xFFFFFFFF  }
0x55: {  	[tilespmem:s23], [sflag:$0x1] =	stream.indirect.gather [hbm4b:s4+s22], $0x80, s30, s22, $0x40b8;
	[tilespmem:$0x1CE00] =	vst v63  }
0x56: {  	(ifvalue) =	ssetifvalue $0xFFFFFFFF  }
0x57: {  	(ifvalue) =	ssetifvalue $0xFFFFFFFF  }
0x58: {  	[tilespmem:s24], [sflag:$0x1] =	stream.indirect.gather [hbm4b:s4+s22], $0x80, s22, s22, $0x40b8;
	[tilespmem:$0x1CE00] =	vst v63  }
0x59: {  	_ =	swait.ge [sflag:s25], $0x4000  }
0x5a: {  	[sflag:s25] =	ssyncset.done $0x0  }
0x5b: {  	s30 =	simm.s32 $0x4F00;
	[sflag:s25] =	ssyncadd.s32 $0xFFFFC000;
	(ifvalue) =	ssetifvalue $0xFFFFFFFF  }
0x5c: {  	[spmem:s2] =	stream.indirect.scatter.add.f32 [tilespmem:s23], [sflag:$0x2], $0x80, s30, s22, $0x40b8;
	[tilespmem:$0x1CE00] =	vst v63  }
0x5d: {  	_ =	swait.ge [sflag:s19], $0x4000  }
0x5e: {  	[sflag:s19] =	ssyncset.done $0x0  }
0x5f: {  	[sflag:s19] =	ssyncadd.s32 $0xFFFFC000;
	(ifvalue) =	ssetifvalue $0xFFFFFFFF  }
0x60: {  	s30 =	simm.s32 $0x100;
	(ifvalue) =	ssetifvalue $0xFFFFFFFF  }
0x61: {  	[tilespmem:s23], [sflag:$0x1] =	stream.indirect.gather [hbm4b:s4+s22], $0x80, s30, s22, $0x40b8;
	[tilespmem:$0x1CE00] =	vst v63  }
0x62: {  	_ =	swait.ge [sflag:s25], $0x4000  }
0x63: {  	[sflag:s25] =	ssyncset.done $0x0  }
0x64: {  	s30 =	simm.s32 $0x4F80;
	[sflag:s25] =	ssyncadd.s32 $0xFFFFC000;
	(ifvalue) =	ssetifvalue $0xFFFFFFFF  }
0x65: {  	[spmem:s2] =	stream.indirect.scatter.add.f32 [tilespmem:s24], [sflag:$0x2], $0x80, s30, s22, $0x40b8;
	[tilespmem:$0x1CE00] =	vst v63  }
0x66: {  	_ =	swait.ge [sflag:s19], $0x4000  }
0x67: {  	[sflag:s19] =	ssyncset.done $0x0  }
0x68: {  	[sflag:s19] =	ssyncadd.s32 $0xFFFFC000;
	(ifvalue) =	ssetifvalue $0xFFFFFFFF  }
0x69: {  	s31 =	simm.s32 $0x180;
	s30 =	simm.s32 $0x400;
	(ifvalue) =	ssetifvalue $0xFFFFFFFF  }
.LBB2_4:
0x6a: {  	[tilespmem:s24], [sflag:$0x1] =	stream.indirect.gather [hbm4b:s4+s22], $0x80, s31, s22, $0x40b8;
	[tilespmem:$0x1CE00] =	vst v63  }
0x6b: {  	s31 =	smov.u32 s30  }
0x6c: {  	p0 =	sne.s32 s30, $0x13400;
	s30 =	sadd.s32 $0x400, s30;
	_ =	swait.ge [sflag:s25], $0x4000  }
0x6d: {  	[sflag:s25] =	ssyncset.done $0x0  }
0x6e: {  	s31 =	sshra.s32 s31, $0x2;
	[sflag:s25] =	ssyncadd.s32 $0xFFFFC000  }
0x6f: {  	s1 =	sadd.s32 $0x4F00, s31;
	(ifvalue) =	ssetifvalue $0xFFFFFFFF  }
0x70: {  	[spmem:s2] =	stream.indirect.scatter.add.f32 [tilespmem:s23], [sflag:$0x2], $0x80, s1, s22, $0x40b8;
	[tilespmem:$0x1CE00] =	vst v63  }
0x71: {  	_ =	swait.ge [sflag:s19], $0x4000  }
0x72: {  	[sflag:s19] =	ssyncset.done $0x0  }
0x73: {  	[sflag:s19] =	ssyncadd.s32 $0xFFFFC000  }
0x74: {  	(ifvalue) =	ssetifvalue $0xFFFFFFFF  }
0x75: {  	s1 =	sadd.s32 $0x100, s31;
	(ifvalue) =	ssetifvalue $0xFFFFFFFF  }
0x76: {  	[tilespmem:s23], [sflag:$0x1] =	stream.indirect.gather [hbm4b:s4+s22], $0x80, s1, s22, $0x40b8;
	[tilespmem:$0x1CE00] =	vst v63  }
0x77: {  	_ =	swait.ge [sflag:s25], $0x4000  }
0x78: {  	[sflag:s25] =	ssyncset.done $0x0  }
0x79: {  	[sflag:s25] =	ssyncadd.s32 $0xFFFFC000  }
0x7a: {  	s1 =	sadd.s32 $0x4F80, s31;
	(ifvalue) =	ssetifvalue $0xFFFFFFFF  }
0x7b: {  	[spmem:s2] =	stream.indirect.scatter.add.f32 [tilespmem:s24], [sflag:$0x2], $0x80, s1, s22, $0x40b8;
	[tilespmem:$0x1CE00] =	vst v63  }
.Ltmp1:
0x7c: {  	_ =	swait.ge [sflag:s19], $0x4000;
	(pc) =	sbr.rel @p0 .LBB2_4-.Ltmp1, $4  }
0x7d: {  	[sflag:s19] =	ssyncset.done $0x0  }
0x7e: {  	[sflag:s19] =	ssyncadd.s32 $0xFFFFC000  }
0x7f: {  	(ifvalue) =	ssetifvalue $0xFFFFFFFF  }
0x80: {  	s31 =	sadd.s32 $0x180, s31;
	(ifvalue) =	ssetifvalue $0xFFFFFFFF  }
0x81: {  	[tilespmem:s24], [sflag:$0x1] =	stream.indirect.gather [hbm4b:s4+s22], $0x80, s31, s22, $0x40b8;
	[tilespmem:$0x1CE00] =	vst v63  }
0x82: {  	_ =	swait.ge [sflag:s25], $0x4000  }
0x83: {  	[sflag:s25] =	ssyncset.done $0x0  }
0x84: {  	[sflag:s25] =	ssyncadd.s32 $0xFFFFC000;
	(ifvalue) =	ssetifvalue $0xFFFFFFFF  }
0x85: {  	[spmem:s2] =	stream.indirect.scatter.add.f32 [tilespmem:s23], [sflag:$0x2], $0x80, s26, s22, $0x40b8;
	[tilespmem:$0x1CE00] =	vst v63  }
0x86: {  	_ =	swait.ge [sflag:s19], $0x4000  }
0x87: {  	[sflag:s19] =	ssyncset.done $0x0  }
0x88: {  	[sflag:s19] =	ssyncadd.s32 $0xFFFFC000  }
0x89: {  	_ =	swait.ge [sflag:s25], $0x4000  }
0x8a: {  	[sflag:s25] =	ssyncset.done $0x0  }
0x8b: {  	[sflag:s25] =	ssyncadd.s32 $0xFFFFC000;
	(ifvalue) =	ssetifvalue $0xFFFFFFFF  }
0x8c: {  	[spmem:s2] =	stream.indirect.scatter.add.f32 [tilespmem:s24], [sflag:$0x2], $0x80, s28, s22, $0x40b8;
	[tilespmem:$0x1CE00] =	vst v63  }
0x8d: {  	_ =	swait.ge [sflag:s19], $0x4000  }
0x8e: {  	s1 =	sshll.u32 s0, $0x6;
	s29 =	sadd.s32 $0x1, s29;
	[sflag:s19] =	ssyncset.done $0x0  }
0x8f: {  	s30 =	sshrl.u32 s7, $0x3;
	p0 =	sne.s32 s29, s9;
	[sflag:s19] =	ssyncadd.s32 $0xFFFFC000  }
.Ltmp2:
0x90: {  	s1 =	sor.u32 $0x1C02, s1;
	[bflag:$0x0] =	sbarrier.arrive $0xFFFF;
	(pc) =	sbr.rel @p0 .LBB2_1-.Ltmp2, $4  }
0x91: {  	[hbm:s8], [sflag:s1] =	dma.local [spmem:s30], $0x1400  }
0x92: {  	_ =	swait.ge [sflag:s19], $0x1400  }
0x93: {  	[sflag:s19] =	ssyncset.done $0x0  }
0x94: {  	[sflag:s19] =	ssyncadd.s32 $0xFFFFEC00  }
0x95: {  	_ =	sfence.sel $0x180000  }
0x96: {  	[bflag:$0x0] =	sbarrier.arrive $0xFFFF  }
0x97: {  	_ =	strace $0x90000050  }
0x98: {  	[bflag:$0x2] =	sbarrier.arrive $0xFFFF  }
0x99: {  	p0 =	sne.s32 s0, $0x0;
	s0 =	rddreg [dreg:$0x2]  }
0x9a: {  	s0 =	sadd.s32 @!p0 $0x100000, s0  }
0x9b: {  	[sflag:s0] =	ssyncadd.tile.s32 @!p0 $0x1;
	_ =	shalt  }
.Lfunc_end2:
_tile_overlayer_lowered:
.L_overlay_start_2:
0x9c: {  	(tag) =	ssettag $0x2  }
0x9d: {  	s0 =	rddreg [dreg:$0x0];
	s2 =	stileid.u32  }
0x9e: {  	s1 =	rddreg [dreg:$0x1];
	p0 =	sne.s32 s2, $0x0  }
0x9f: {  	s3 =	rddreg [dreg:$0x2];
	[bflag:$0x3] =	sbarrier.arrive $0xFFFF;
	s2 =	simm.s32 @!p0 $0x1C02  }
0xa0: {  	[timem:s3], [sflag:s2] =	dma.local @!p0 [hbm:s0], s1  }
0xa1: {  	s0 =	simm.s32 @!p0 $0x2  }
0xa2: {  	_ =	swait.ge @!p0 [sflag:s0], s1  }
0xa3: {  	s1 =	ssub.s32 @!p0 $0x0, s1;
	[sflag:s0] =	ssyncset.done @!p0 $0x0  }
0xa4: {  	[sflag:s0] =	ssyncadd.s32 @!p0 s1  }
0xa5: {  	[bflag:$0x3] =	sbarrier.arrive $0xFFFF  }
0xa6: {  	_ =	shalt  }

</sc_bundles>
